<compile_context>
chip_gen: v7x
topology: tpu7x:2x2x1
jax: 0.10.2.dev20260603
libtpu: 0.0.44.dev20260713+nightly
codegen_flags: <defaults>
</compile_context>

<pallas_src>
import jax
import jax.numpy as jnp
from jax import lax
from jax.experimental import pallas as pl
from jax.experimental.pallas import tpu as pltpu
from jax.experimental.pallas import tpu_sc as plsc

N = 10000
E = 320000
D_IN = 128
D_HID = 128
D_OUT = 64

NC = 2
NS = 16
NW = NC * NS
C = 128
PER_W = E // NW
CH = 81
PAD_W = CH * C - PER_W
PAD_ROWS = 8
NA = N + PAD_ROWS
WB = 624
WB_TAIL = N - NS * WB
DEG_N = 16
DEG_W = 128


def _agg_body(h, src_h, dst_h, z128, out_h,
              acc, idxs0, idxs1, idxs2, idxd0, idxd1, idxd2,
              rows0, rows1, rows2,
              sis0, sis1, sis2, sid0, sid1, sid2, srw0, srw1, srw2):
    cid = lax.axis_index("c")
    sid = lax.axis_index("s")
    wid = sid * NC + cid
    base = pl.multiple_of(sid * WB, 8)
    tail = NS * WB

    idxs = (idxs0, idxs1, idxs2)
    idxd = (idxd0, idxd1, idxd2)
    rows = (rows0, rows1, rows2)
    sis = (sis0, sis1, sis2)
    sid_ = (sid0, sid1, sid2)
    srw = (srw0, srw1, srw2)

    def idx_start(c, b):
        pltpu.make_async_copy(src_h.at[wid, c], idxs[b], sis[b]).start()
        pltpu.make_async_copy(dst_h.at[wid, c], idxd[b], sid_[b]).start()

    def idx_wait(c, b):
        pltpu.make_async_copy(src_h.at[wid, c], idxs[b], sis[b]).wait()
        pltpu.make_async_copy(dst_h.at[wid, c], idxd[b], sid_[b]).wait()

    pltpu.sync_copy(z128, acc.at[pl.ds(base, WB)])

    @pl.when(sid == NS - 1)
    def _():
        pltpu.sync_copy(z128.at[pl.ds(0, WB_TAIL)],
                        acc.at[pl.ds(tail, WB_TAIL)])

    plsc.subcore_barrier()

    idx_start(0, 0)
    idx_start(1, 1)
    idx_start(2, 2)
    idx_wait(0, 0)
    pltpu.make_async_copy(h.at[idxs[0]], rows[0], srw[0]).start()
    idx_wait(1, 1)
    pltpu.make_async_copy(h.at[idxs[1]], rows[1], srw[1]).start()

    def step(c3, carry):
        for b in range(3):
            c = c3 * 3 + b
            bn = (b + 2) % 3

            @pl.when(c + 2 < CH)
            def _():
                idx_wait(c + 2, bn)
                pltpu.make_async_copy(h.at[idxs[bn]], rows[bn], srw[bn]).start()

            pltpu.make_async_copy(h.at[idxs[b]], rows[b], srw[b]).wait()
            pltpu.sync_copy(rows[b], acc.at[idxd[b]], add=True)

            @pl.when(c + 3 < CH)
            def _():
                idx_start(c + 3, b)
        return carry

    lax.fori_loop(0, CH // 3, step, 0)
    plsc.subcore_barrier()

    pltpu.sync_copy(acc.at[pl.ds(base, WB)], out_h.at[cid, pl.ds(base, WB)])

    @pl.when(sid == NS - 1)
    def _():
        pltpu.sync_copy(acc.at[pl.ds(tail, WB_TAIL)],
                        out_h.at[cid, pl.ds(tail, WB_TAIL)])


def _deg_body(dst_h, z128, ones_h, deg_h, accd, idxd0, idxd1, ones_v,
              sd0, sd1):
    cid = lax.axis_index("c")
    sid = lax.axis_index("s")
    wid = sid * NC + cid
    base = pl.multiple_of(sid * WB, 8)
    tail = NS * WB

    idxd = (idxd0, idxd1)
    sd = (sd0, sd1)

    pltpu.sync_copy(z128, accd.at[pl.ds(base, WB)])
    pltpu.sync_copy(ones_h, ones_v)

    @pl.when(sid == NS - 1)
    def _():
        pltpu.sync_copy(z128.at[pl.ds(0, WB_TAIL)],
                        accd.at[pl.ds(tail, WB_TAIL)])

    plsc.subcore_barrier()

    pltpu.make_async_copy(dst_h.at[wid, 0], idxd[0], sd[0]).start()
    pltpu.make_async_copy(dst_h.at[wid, 1], idxd[1], sd[1]).start()

    def step(c2, carry):
        for b in range(2):
            c = c2 * 2 + b

            @pl.when(c < CH)
            def _():
                pltpu.make_async_copy(dst_h.at[wid, c], idxd[b], sd[b]).wait()
                pltpu.sync_copy(ones_v, accd.at[idxd[b]], add=True)

                @pl.when(c + 2 < CH)
                def _():
                    pltpu.make_async_copy(
                        dst_h.at[wid, c + 2], idxd[b], sd[b]).start()
        return carry

    lax.fori_loop(0, (CH + 1) // 2, step, 0)
    plsc.subcore_barrier()

    pltpu.sync_copy(accd.at[pl.ds(base, WB)], deg_h.at[cid, pl.ds(base, WB)])

    @pl.when(sid == NS - 1)
    def _():
        pltpu.sync_copy(accd.at[pl.ds(tail, WB_TAIL)],
                        deg_h.at[cid, pl.ds(tail, WB_TAIL)])


def _make_agg():
    return pl.kernel(
        _agg_body,
        out_type=jax.ShapeDtypeStruct((NC, N, D_IN), jnp.float32),
        mesh=plsc.VectorSubcoreMesh(core_axis_name="c", subcore_axis_name="s"),
        scratch_types=(
            [pltpu.VMEM_SHARED((NA, D_IN), jnp.float32)]
            + [pltpu.VMEM((C,), jnp.int32) for _ in range(6)]
            + [pltpu.VMEM((C, D_IN), jnp.float32) for _ in range(3)]
            + [pltpu.SemaphoreType.DMA for _ in range(9)]
        ),
    )


def _make_deg():
    return pl.kernel(
        _deg_body,
        out_type=jax.ShapeDtypeStruct((NC, N, DEG_W), jnp.float32),
        mesh=plsc.VectorSubcoreMesh(core_axis_name="c", subcore_axis_name="s"),
        scratch_types=[
            pltpu.VMEM_SHARED((NA, DEG_W), jnp.float32),
            pltpu.VMEM((C,), jnp.int32),
            pltpu.VMEM((C,), jnp.int32),
            pltpu.VMEM((C, DEG_W), jnp.float32),
            pltpu.SemaphoreType.DMA,
            pltpu.SemaphoreType.DMA,
        ],
    )


def _combine1_body(sum_ref, deg_ref, h_ref, wl_ref, wr_ref, b_ref,
                   o_ref, invd_ref):
    d = deg_ref[0, :, 0:1] + deg_ref[1, :, 0:1]
    invd = 1.0 / jnp.maximum(d, 1.0)
    invd_ref[...] = jnp.broadcast_to(invd, invd_ref.shape)
    s = sum_ref[0] + sum_ref[1]
    mean = s * invd
    o = (jnp.dot(mean, wl_ref[...], preferred_element_type=jnp.float32, precision=lax.Precision.HIGHEST)
         + jnp.dot(h_ref[...], wr_ref[...], preferred_element_type=jnp.float32, precision=lax.Precision.HIGHEST)
         + b_ref[...])
    nrm = jnp.sqrt(jnp.sum(o * o, axis=-1, keepdims=True))
    o = o / jnp.maximum(nrm, 1e-12)
    o_ref[...] = jnp.maximum(o, 0.0)


def _combine_body(sum_ref, invd_ref, h_ref, wl_ref, wr_ref, b_ref, o_ref):
    s = sum_ref[0] + sum_ref[1]
    mean = s * invd_ref[:, 0:1]
    o = (jnp.dot(mean, wl_ref[...], preferred_element_type=jnp.float32, precision=lax.Precision.HIGHEST)
         + jnp.dot(h_ref[...], wr_ref[...], preferred_element_type=jnp.float32, precision=lax.Precision.HIGHEST)
         + b_ref[...])
    nrm = jnp.sqrt(jnp.sum(o * o, axis=-1, keepdims=True))
    o = o / jnp.maximum(nrm, 1e-12)
    o_ref[...] = jnp.maximum(o, 0.0)


def _final_body(sum_ref, invd_ref, h_ref, wl_ref, wr_ref, b_ref,
                wfc_ref, bfc_ref, o_ref):
    s = sum_ref[0] + sum_ref[1]
    mean = s * invd_ref[:, 0:1]
    o = (jnp.dot(mean, wl_ref[...], preferred_element_type=jnp.float32, precision=lax.Precision.HIGHEST)
         + jnp.dot(h_ref[...], wr_ref[...], preferred_element_type=jnp.float32, precision=lax.Precision.HIGHEST)
         + b_ref[...])
    nrm = jnp.sqrt(jnp.sum(o * o, axis=-1, keepdims=True))
    o = o / jnp.maximum(nrm, 1e-12)
    logits = (jnp.dot(o, wfc_ref[...], preferred_element_type=jnp.float32, precision=lax.Precision.HIGHEST)
              + bfc_ref[...])
    m = jnp.max(logits, axis=-1, keepdims=True)
    e = jnp.exp(logits - m)
    o_ref[...] = e / jnp.sum(e, axis=-1, keepdims=True)


_BN = 1000


def _combine1(sum_p, deg_p, h, wl, wr, b):
    return pl.pallas_call(
        _combine1_body,
        grid=(N // _BN,),
        in_specs=[
            pl.BlockSpec((NC, _BN, D_IN), lambda i: (0, i, 0)),
            pl.BlockSpec((NC, _BN, DEG_W), lambda i: (0, i, 0)),
            pl.BlockSpec((_BN, D_IN), lambda i: (i, 0)),
            pl.BlockSpec((D_IN, D_HID), lambda i: (0, 0)),
            pl.BlockSpec((D_IN, D_HID), lambda i: (0, 0)),
            pl.BlockSpec((1, D_HID), lambda i: (0, 0)),
        ],
        out_specs=[
            pl.BlockSpec((_BN, D_HID), lambda i: (i, 0)),
            pl.BlockSpec((_BN, 8), lambda i: (i, 0)),
        ],
        out_shape=[
            jax.ShapeDtypeStruct((N, D_HID), jnp.float32),
            jax.ShapeDtypeStruct((N, 8), jnp.float32),
        ],
    )(sum_p, deg_p, h, wl, wr, b)


def _combine(sum_p, invd, h, wl, wr, b):
    return pl.pallas_call(
        _combine_body,
        grid=(N // _BN,),
        in_specs=[
            pl.BlockSpec((NC, _BN, D_IN), lambda i: (0, i, 0)),
            pl.BlockSpec((_BN, 8), lambda i: (i, 0)),
            pl.BlockSpec((_BN, D_IN), lambda i: (i, 0)),
            pl.BlockSpec((D_IN, D_HID), lambda i: (0, 0)),
            pl.BlockSpec((D_IN, D_HID), lambda i: (0, 0)),
            pl.BlockSpec((1, D_HID), lambda i: (0, 0)),
        ],
        out_specs=pl.BlockSpec((_BN, D_HID), lambda i: (i, 0)),
        out_shape=jax.ShapeDtypeStruct((N, D_HID), jnp.float32),
    )(sum_p, invd, h, wl, wr, b)


def _final(sum_p, invd, h, wl, wr, b, wfc, bfc):
    return pl.pallas_call(
        _final_body,
        grid=(N // _BN,),
        in_specs=[
            pl.BlockSpec((NC, _BN, D_IN), lambda i: (0, i, 0)),
            pl.BlockSpec((_BN, 8), lambda i: (i, 0)),
            pl.BlockSpec((_BN, D_IN), lambda i: (i, 0)),
            pl.BlockSpec((D_IN, D_HID), lambda i: (0, 0)),
            pl.BlockSpec((D_IN, D_HID), lambda i: (0, 0)),
            pl.BlockSpec((1, D_HID), lambda i: (0, 0)),
            pl.BlockSpec((D_HID, D_OUT), lambda i: (0, 0)),
            pl.BlockSpec((1, D_OUT), lambda i: (0, 0)),
        ],
        out_specs=pl.BlockSpec((_BN, D_OUT), lambda i: (i, 0)),
        out_shape=jax.ShapeDtypeStruct((N, D_OUT), jnp.float32),
    )(sum_p, invd, h, wl, wr, b, wfc, bfc)


def kernel(x, edge_index, W_l1, W_r1, b1, W_l2, W_r2, b2,
           W_l3, W_r3, b3, W_fc, b_fc):
    src = edge_index[0].astype(jnp.int32).reshape(NW, PER_W)
    dst = edge_index[1].astype(jnp.int32).reshape(NW, PER_W)
    iw = jnp.arange(NW, dtype=jnp.int32)[:, None]
    ip = jnp.arange(PAD_W, dtype=jnp.int32)[None, :]
    pad_src = (iw * 311 + ip * 7) % N
    pad_dst = N + (iw + ip) % PAD_ROWS
    src3 = jnp.concatenate([src, pad_src], axis=1).reshape(NW, CH, C)
    dst3 = jnp.concatenate([dst, pad_dst], axis=1).reshape(NW, CH, C)

    z128 = jnp.zeros((WB, D_IN), jnp.float32)
    ones128 = jnp.ones((C, DEG_W), jnp.float32)

    agg = _make_agg()
    deg_p = _make_deg()(dst3, z128, ones128)
    sum1 = agg(x, src3, dst3, z128)
    h1, invd = _combine1(sum1, deg_p, x, W_l1, W_r1, b1.reshape(1, D_HID))
    sum2 = agg(h1, src3, dst3, z128)
    h2 = _combine(sum2, invd, h1, W_l2, W_r2, b2.reshape(1, D_HID))
    sum3 = agg(h2, src3, dst3, z128)
    return _final(sum3, invd, h2, W_l3, W_r3, b3.reshape(1, D_HID),
                  W_fc, b_fc.reshape(1, D_OUT))

# --- scband reference (transcript-rebuilt; emitter-appended) ---
"""Pipeline reference for scband-sage-31396210934185 (READ-ONLY COPY).

The authoritative reference and input builder live on the scoring server;
editing this copy changes nothing except your own understanding.
"""

import jax, jax.numpy as jnp
import numpy as np

N = 10000
E = 320000
D_IN = 128
D_HID = 128
D_OUT = 64


def _xavier(key, fan_in, fan_out):
    a = float(np.sqrt(6.0 / (fan_in + fan_out)))
    return jax.random.uniform(key, (fan_in, fan_out), minval=-a, maxval=a, dtype=jnp.float32)


def setup_inputs(seed: int = 0) -> dict:
    key = jax.random.key(seed)
    ks = jax.random.split(key, 12)
    x = jax.random.normal(ks[0], (N, D_IN), dtype=jnp.float32)
    edge_index = jax.random.randint(ks[1], (2, E), 0, N, dtype=jnp.int64)
    return {
        'x': x,
        'edge_index': edge_index,
        'W_l1': _xavier(ks[2], D_IN, D_HID),
        'W_r1': _xavier(ks[3], D_IN, D_HID),
        'b1': jnp.zeros((D_HID,), dtype=jnp.float32),
        'W_l2': _xavier(ks[4], D_HID, D_HID),
        'W_r2': _xavier(ks[5], D_HID, D_HID),
        'b2': jnp.zeros((D_HID,), dtype=jnp.float32),
        'W_l3': _xavier(ks[6], D_HID, D_HID),
        'W_r3': _xavier(ks[7], D_HID, D_HID),
        'b3': jnp.zeros((D_HID,), dtype=jnp.float32),
        'W_fc': _xavier(ks[8], D_HID, D_OUT),
        'b_fc': jnp.zeros((D_OUT,), dtype=jnp.float32),
    }


def _sage_conv(x, edge_index, W_l, W_r, b):
    # PyG SAGEConv with aggr='mean', normalize=True
    src = edge_index[0]
    dst = edge_index[1]
    msg = jnp.take(x, src, axis=0)                                  # gather
    summed = jax.ops.segment_sum(msg, dst, num_segments=N)          # scatter-add
    deg = jax.ops.segment_sum(jnp.ones((E,), dtype=jnp.float32), dst, num_segments=N)
    mean = summed / jnp.clip(deg, 1.0, None)[:, None]
    out = mean @ W_l + b + x @ W_r
    # F.normalize(out, p=2, dim=-1)
    nrm = jnp.sqrt(jnp.sum(out * out, axis=-1, keepdims=True))
    out = out / jnp.clip(nrm, 1e-12, None)
    return out


def reference(x, edge_index, W_l1, W_r1, b1, W_l2, W_r2, b2, W_l3, W_r3, b3, W_fc, b_fc):
    h = _sage_conv(x, edge_index, W_l1, W_r1, b1)
    h = jax.nn.relu(h)  # transition (dropout is identity at inference)
    h = _sage_conv(h, edge_index, W_l2, W_r2, b2)
    h = jax.nn.relu(h)
    h = _sage_conv(h, edge_index, W_l3, W_r3, b3)
    logits = h @ W_fc + b_fc
    return jax.nn.softmax(logits, axis=-1)

if __name__ == "__main__":
    import jax
    _d = setup_inputs()
    print(jax.jit(kernel)(*tuple(_d.values())))

</pallas_src>

<mosaic_0001>
#map = affine_map<(d0, d1) -> (0, 0)>
#map1 = affine_map<(d0, d1) -> (0, 0, 0)>
module attributes {stable_mosaic.version = 14 : i64} {
  func.func @_agg_body(%arg0: i32, %arg1: i32, %arg2: memref<10000x128xf32, #tpu.memory_space<hbm>>, %arg3: memref<32x81x128xi32, #tpu.memory_space<hbm>>, %arg4: memref<32x81x128xi32, #tpu.memory_space<hbm>>, %arg5: memref<624x128xf32, #tpu.memory_space<hbm>>, %arg6: memref<2x10000x128xf32, #tpu.memory_space<hbm>>, %arg7: memref<10008x128xf32, #tpu.memory_space<vmem_shared>>, %arg8: memref<128xi32, #tpu.memory_space<vmem>>, %arg9: memref<128xi32, #tpu.memory_space<vmem>>, %arg10: memref<128xi32, #tpu.memory_space<vmem>>, %arg11: memref<128xi32, #tpu.memory_space<vmem>>, %arg12: memref<128xi32, #tpu.memory_space<vmem>>, %arg13: memref<128xi32, #tpu.memory_space<vmem>>, %arg14: memref<128x128xf32, #tpu.memory_space<vmem>>, %arg15: memref<128x128xf32, #tpu.memory_space<vmem>>, %arg16: memref<128x128xf32, #tpu.memory_space<vmem>>, %arg17: memref<!tpu.dma_semaphore, #tpu.memory_space<semaphore_mem>>, %arg18: memref<!tpu.dma_semaphore, #tpu.memory_space<semaphore_mem>>, %arg19: memref<!tpu.dma_semaphore, #tpu.memory_space<semaphore_mem>>, %arg20: memref<!tpu.dma_semaphore, #tpu.memory_space<semaphore_mem>>, %arg21: memref<!tpu.dma_semaphore, #tpu.memory_space<semaphore_mem>>, %arg22: memref<!tpu.dma_semaphore, #tpu.memory_space<semaphore_mem>>, %arg23: memref<!tpu.dma_semaphore, #tpu.memory_space<semaphore_mem>>, %arg24: memref<!tpu.dma_semaphore, #tpu.memory_space<semaphore_mem>>, %arg25: memref<!tpu.dma_semaphore, #tpu.memory_space<semaphore_mem>>) attributes {dimension_semantics = [#tpu.dimension_semantics<core_parallel>, #tpu.dimension_semantics<subcore_parallel>], iteration_bounds = array<i64: 2, 16>, scalar_prefetch = 0 : i64, scratch_operands = 19 : i64, tpu.core_type = #tpu.core_type<sc_vector_subcore>, window_params = [{transform_indices = #map}, {transform_indices = #map1}, {transform_indices = #map1}, {transform_indices = #map}, {transform_indices = #map1}]} {
    %mul3A = arith.constant 2 : i32
    %mul3A_0 = arith.muli %arg1, %mul3A : i32
    %add3A = arith.addi %mul3A_0, %arg0 : i32
    %mul3A_1 = arith.constant 624 : i32
    %mul3A_2 = arith.muli %arg1, %mul3A_1 : i32
    %multiple_of3A = tpu.assume_multiple %mul3A_2, 8 : i32
    "tpu.region"() ({
      %run_scoped3A = tpu.sem_alloc : memref<!tpu.dma_semaphore, #tpu.memory_space<semaphore_mem>>
      %dma_start3A_90 = arith.constant 0 : i32
      %dma_start3A_91 = tpu.memref_slice %arg7[%multiple_of3A, %dma_start3A_90] : memref<10008x128xf32, #tpu.memory_space<vmem_shared>> -> memref<624x128xf32, #tpu.memory_space<vmem_shared>>
      tpu.enqueue_dma source(%arg5 : memref<624x128xf32, #tpu.memory_space<hbm>>) target(%dma_start3A_91 : memref<624x128xf32, #tpu.memory_space<vmem_shared>>) target_semaphore(%run_scoped3A : memref<!tpu.dma_semaphore, #tpu.memory_space<semaphore_mem>>)
      %dma_wait3A_92 = arith.constant 0 : i32
      %dma_wait3A_93 = tpu.memref_slice %arg7[%multiple_of3A, %dma_wait3A_92] : memref<10008x128xf32, #tpu.memory_space<vmem_shared>> -> memref<624x128xf32, #tpu.memory_space<vmem_shared>>
      tpu.wait_dma2 semaphore(%run_scoped3A : memref<!tpu.dma_semaphore, #tpu.memory_space<semaphore_mem>>) src(%arg5 : memref<624x128xf32, #tpu.memory_space<hbm>>) dst(%dma_wait3A_93 : memref<624x128xf32, #tpu.memory_space<vmem_shared>>)
      tpu.yield
    }) : () -> ()
    %eq3A = arith.constant 15 : i32
    %eq3A_3 = arith.cmpi eq, %arg1, %eq3A : i32
    %convert_element_type3A = arith.extui %eq3A_3 : i1 to i32
    %cond3A = arith.constant 0 : i32
    %cond3A_4 = arith.cmpi ne, %convert_element_type3A, %cond3A : i32
    scf.if %cond3A_4 {
      "tpu.region"() ({
        %run_scoped3A = tpu.sem_alloc : memref<!tpu.dma_semaphore, #tpu.memory_space<semaphore_mem>>
        %dma_start3A_90 = arith.constant 9984 : i32
        %dma_start3A_91 = arith.constant 0 : i32
        %dma_start3A_92 = tpu.memref_slice %arg7[%dma_start3A_90, %dma_start3A_91] : memref<10008x128xf32, #tpu.memory_space<vmem_shared>> -> memref<16x128xf32, #tpu.memory_space<vmem_shared>>
        %dma_start3A_93 = arith.constant 0 : i32
        %dma_start3A_94 = arith.constant 0 : i32
        %dma_start3A_95 = tpu.memref_slice %arg5[%dma_start3A_93, %dma_start3A_94] : memref<624x128xf32, #tpu.memory_space<hbm>> -> memref<16x128xf32, #tpu.memory_space<hbm>>
        tpu.enqueue_dma source(%dma_start3A_95 : memref<16x128xf32, #tpu.memory_space<hbm>>) target(%dma_start3A_92 : memref<16x128xf32, #tpu.memory_space<vmem_shared>>) target_semaphore(%run_scoped3A : memref<!tpu.dma_semaphore, #tpu.memory_space<semaphore_mem>>)
        %dma_wait3A_96 = arith.constant 9984 : i32
        %dma_wait3A_97 = arith.constant 0 : i32
        %dma_wait3A_98 = tpu.memref_slice %arg7[%dma_wait3A_96, %dma_wait3A_97] : memref<10008x128xf32, #tpu.memory_space<vmem_shared>> -> memref<16x128xf32, #tpu.memory_space<vmem_shared>>
        %dma_wait3A_99 = arith.constant 0 : i32
        %dma_wait3A_100 = arith.constant 0 : i32
        %dma_wait3A_101 = tpu.memref_slice %arg5[%dma_wait3A_99, %dma_wait3A_100] : memref<624x128xf32, #tpu.memory_space<hbm>> -> memref<16x128xf32, #tpu.memory_space<hbm>>
        tpu.wait_dma2 semaphore(%run_scoped3A : memref<!tpu.dma_semaphore, #tpu.memory_space<semaphore_mem>>) src(%dma_wait3A_101 : memref<16x128xf32, #tpu.memory_space<hbm>>) dst(%dma_wait3A_98 : memref<16x128xf32, #tpu.memory_space<vmem_shared>>)
        tpu.yield
      }) : () -> ()
    } else {
    }
    %barrier3A = arith.constant 0 : index
    tpu.barrier barrier_id(%barrier3A)
    %dma_start3A = arith.constant 0 : i32
    %dma_start3A_5 = arith.constant 0 : i32
    %dma_start3A_6 = tpu.memref_slice %arg3[%add3A, %dma_start3A, %dma_start3A_5] : memref<32x81x128xi32, #tpu.memory_space<hbm>> -> memref<1x1x128xi32, #tpu.memory_space<hbm>>
    %dma_start3A_7 = tpu.memref_squeeze %dma_start3A_6 : memref<1x1x128xi32, #tpu.memory_space<hbm>> -> memref<128xi32, #tpu.memory_space<hbm>>
    %dma_start3A_8 = arith.constant 0 : i32
    %dma_start3A_9 = tpu.memref_slice %arg3[%add3A, %dma_start3A, %dma_start3A_8] : memref<32x81x128xi32, #tpu.memory_space<hbm>> -> memref<1x1x128xi32, #tpu.memory_space<hbm>>
    %dma_start3A_10 = tpu.memref_squeeze %dma_start3A_9 : memref<1x1x128xi32, #tpu.memory_space<hbm>> -> memref<128xi32, #tpu.memory_space<hbm>>
    tpu.enqueue_dma source(%dma_start3A_10 : memref<128xi32, #tpu.memory_space<hbm>>) target(%arg8 : memref<128xi32, #tpu.memory_space<vmem>>) target_semaphore(%arg17 : memref<!tpu.dma_semaphore, #tpu.memory_space<semaphore_mem>>)
    %dma_start3A_11 = arith.constant 0 : i32
    %dma_start3A_12 = arith.constant 0 : i32
    %dma_start3A_13 = tpu.memref_slice %arg4[%add3A, %dma_start3A_11, %dma_start3A_12] : memref<32x81x128xi32, #tpu.memory_space<hbm>> -> memref<1x1x128xi32, #tpu.memory_space<hbm>>
    %dma_start3A_14 = tpu.memref_squeeze %dma_start3A_13 : memref<1x1x128xi32, #tpu.memory_space<hbm>> -> memref<128xi32, #tpu.memory_space<hbm>>
    %dma_start3A_15 = arith.constant 0 : i32
    %dma_start3A_16 = tpu.memref_slice %arg4[%add3A, %dma_start3A_11, %dma_start3A_15] : memref<32x81x128xi32, #tpu.memory_space<hbm>> -> memref<1x1x128xi32, #tpu.memory_space<hbm>>
    %dma_start3A_17 = tpu.memref_squeeze %dma_start3A_16 : memref<1x1x128xi32, #tpu.memory_space<hbm>> -> memref<128xi32, #tpu.memory_space<hbm>>
    tpu.enqueue_dma source(%dma_start3A_17 : memref<128xi32, #tpu.memory_space<hbm>>) target(%arg11 : memref<128xi32, #tpu.memory_space<vmem>>) target_semaphore(%arg20 : memref<!tpu.dma_semaphore, #tpu.memory_space<semaphore_mem>>)
    %dma_start3A_18 = arith.constant 1 : i32
    %dma_start3A_19 = arith.constant 0 : i32
    %dma_start3A_20 = tpu.memref_slice %arg3[%add3A, %dma_start3A_18, %dma_start3A_19] : memref<32x81x128xi32, #tpu.memory_space<hbm>> -> memref<1x1x128xi32, #tpu.memory_space<hbm>>
    %dma_start3A_21 = tpu.memref_squeeze %dma_start3A_20 : memref<1x1x128xi32, #tpu.memory_space<hbm>> -> memref<128xi32, #tpu.memory_space<hbm>>
    %dma_start3A_22 = arith.constant 0 : i32
    %dma_start3A_23 = tpu.memref_slice %arg3[%add3A, %dma_start3A_18, %dma_start3A_22] : memref<32x81x128xi32, #tpu.memory_space<hbm>> -> memref<1x1x128xi32, #tpu.memory_space<hbm>>
    %dma_start3A_24 = tpu.memref_squeeze %dma_start3A_23 : memref<1x1x128xi32, #tpu.memory_space<hbm>> -> memref<128xi32, #tpu.memory_space<hbm>>
    tpu.enqueue_dma source(%dma_start3A_24 : memref<128xi32, #tpu.memory_space<hbm>>) target(%arg9 : memref<128xi32, #tpu.memory_space<vmem>>) target_semaphore(%arg18 : memref<!tpu.dma_semaphore, #tpu.memory_space<semaphore_mem>>)
    %dma_start3A_25 = arith.constant 1 : i32
    %dma_start3A_26 = arith.constant 0 : i32
    %dma_start3A_27 = tpu.memref_slice %arg4[%add3A, %dma_start3A_25, %dma_start3A_26] : memref<32x81x128xi32, #tpu.memory_space<hbm>> -> memref<1x1x128xi32, #tpu.memory_space<hbm>>
    %dma_start3A_28 = tpu.memref_squeeze %dma_start3A_27 : memref<1x1x128xi32, #tpu.memory_space<hbm>> -> memref<128xi32, #tpu.memory_space<hbm>>
    %dma_start3A_29 = arith.constant 0 : i32
    %dma_start3A_30 = tpu.memref_slice %arg4[%add3A, %dma_start3A_25, %dma_start3A_29] : memref<32x81x128xi32, #tpu.memory_space<hbm>> -> memref<1x1x128xi32, #tpu.memory_space<hbm>>
    %dma_start3A_31 = tpu.memref_squeeze %dma_start3A_30 : memref<1x1x128xi32, #tpu.memory_space<hbm>> -> memref<128xi32, #tpu.memory_space<hbm>>
    tpu.enqueue_dma source(%dma_start3A_31 : memref<128xi32, #tpu.memory_space<hbm>>) target(%arg12 : memref<128xi32, #tpu.memory_space<vmem>>) target_semaphore(%arg21 : memref<!tpu.dma_semaphore, #tpu.memory_space<semaphore_mem>>)
    %dma_start3A_32 = arith.constant 2 : i32
    %dma_start3A_33 = arith.constant 0 : i32
    %dma_start3A_34 = tpu.memref_slice %arg3[%add3A, %dma_start3A_32, %dma_start3A_33] : memref<32x81x128xi32, #tpu.memory_space<hbm>> -> memref<1x1x128xi32, #tpu.memory_space<hbm>>
    %dma_start3A_35 = tpu.memref_squeeze %dma_start3A_34 : memref<1x1x128xi32, #tpu.memory_space<hbm>> -> memref<128xi32, #tpu.memory_space<hbm>>
    %dma_start3A_36 = arith.constant 0 : i32
    %dma_start3A_37 = tpu.memref_slice %arg3[%add3A, %dma_start3A_32, %dma_start3A_36] : memref<32x81x128xi32, #tpu.memory_space<hbm>> -> memref<1x1x128xi32, #tpu.memory_space<hbm>>
    %dma_start3A_38 = tpu.memref_squeeze %dma_start3A_37 : memref<1x1x128xi32, #tpu.memory_space<hbm>> -> memref<128xi32, #tpu.memory_space<hbm>>
    tpu.enqueue_dma source(%dma_start3A_38 : memref<128xi32, #tpu.memory_space<hbm>>) target(%arg10 : memref<128xi32, #tpu.memory_space<vmem>>) target_semaphore(%arg19 : memref<!tpu.dma_semaphore, #tpu.memory_space<semaphore_mem>>)
    %dma_start3A_39 = arith.constant 2 : i32
    %dma_start3A_40 = arith.constant 0 : i32
    %dma_start3A_41 = tpu.memref_slice %arg4[%add3A, %dma_start3A_39, %dma_start3A_40] : memref<32x81x128xi32, #tpu.memory_space<hbm>> -> memref<1x1x128xi32, #tpu.memory_space<hbm>>
    %dma_start3A_42 = tpu.memref_squeeze %dma_start3A_41 : memref<1x1x128xi32, #tpu.memory_space<hbm>> -> memref<128xi32, #tpu.memory_space<hbm>>
    %dma_start3A_43 = arith.constant 0 : i32
    %dma_start3A_44 = tpu.memref_slice %arg4[%add3A, %dma_start3A_39, %dma_start3A_43] : memref<32x81x128xi32, #tpu.memory_space<hbm>> -> memref<1x1x128xi32, #tpu.memory_space<hbm>>
    %dma_start3A_45 = tpu.memref_squeeze %dma_start3A_44 : memref<1x1x128xi32, #tpu.memory_space<hbm>> -> memref<128xi32, #tpu.memory_space<hbm>>
    tpu.enqueue_dma source(%dma_start3A_45 : memref<128xi32, #tpu.memory_space<hbm>>) target(%arg13 : memref<128xi32, #tpu.memory_space<vmem>>) target_semaphore(%arg22 : memref<!tpu.dma_semaphore, #tpu.memory_space<semaphore_mem>>)
    %dma_wait3A = arith.constant 0 : i32
    %dma_wait3A_46 = arith.constant 0 : i32
    %dma_wait3A_47 = tpu.memref_slice %arg3[%add3A, %dma_wait3A, %dma_wait3A_46] : memref<32x81x128xi32, #tpu.memory_space<hbm>> -> memref<1x1x128xi32, #tpu.memory_space<hbm>>
    %dma_wait3A_48 = tpu.memref_squeeze %dma_wait3A_47 : memref<1x1x128xi32, #tpu.memory_space<hbm>> -> memref<128xi32, #tpu.memory_space<hbm>>
    %dma_wait3A_49 = arith.constant 0 : i32
    %dma_wait3A_50 = tpu.memref_slice %arg3[%add3A, %dma_wait3A, %dma_wait3A_49] : memref<32x81x128xi32, #tpu.memory_space<hbm>> -> memref<1x1x128xi32, #tpu.memory_space<hbm>>
    %dma_wait3A_51 = tpu.memref_squeeze %dma_wait3A_50 : memref<1x1x128xi32, #tpu.memory_space<hbm>> -> memref<128xi32, #tpu.memory_space<hbm>>
    tpu.wait_dma2 semaphore(%arg17 : memref<!tpu.dma_semaphore, #tpu.memory_space<semaphore_mem>>) src(%dma_wait3A_51 : memref<128xi32, #tpu.memory_space<hbm>>) dst(%arg8 : memref<128xi32, #tpu.memory_space<vmem>>)
    %dma_wait3A_52 = arith.constant 0 : i32
    %dma_wait3A_53 = arith.constant 0 : i32
    %dma_wait3A_54 = tpu.memref_slice %arg4[%add3A, %dma_wait3A_52, %dma_wait3A_53] : memref<32x81x128xi32, #tpu.memory_space<hbm>> -> memref<1x1x128xi32, #tpu.memory_space<hbm>>
    %dma_wait3A_55 = tpu.memref_squeeze %dma_wait3A_54 : memref<1x1x128xi32, #tpu.memory_space<hbm>> -> memref<128xi32, #tpu.memory_space<hbm>>
    %dma_wait3A_56 = arith.constant 0 : i32
    %dma_wait3A_57 = tpu.memref_slice %arg4[%add3A, %dma_wait3A_52, %dma_wait3A_56] : memref<32x81x128xi32, #tpu.memory_space<hbm>> -> memref<1x1x128xi32, #tpu.memory_space<hbm>>
    %dma_wait3A_58 = tpu.memref_squeeze %dma_wait3A_57 : memref<1x1x128xi32, #tpu.memory_space<hbm>> -> memref<128xi32, #tpu.memory_space<hbm>>
    tpu.wait_dma2 semaphore(%arg20 : memref<!tpu.dma_semaphore, #tpu.memory_space<semaphore_mem>>) src(%dma_wait3A_58 : memref<128xi32, #tpu.memory_space<hbm>>) dst(%arg11 : memref<128xi32, #tpu.memory_space<vmem>>)
    %dma_start3A_59 = arith.constant 0 : i32
    %dma_start3A_60 = arith.constant 0 : i32
    %dma_start3A_61 = tpu.memref_slice %arg2[%dma_start3A_59, %dma_start3A_60] : memref<10000x128xf32, #tpu.memory_space<hbm>> -> memref<10000x128xf32, #tpu.memory_space<hbm>>
    tpu.enqueue_indirect_dma source(%dma_start3A_61 : memref<10000x128xf32, #tpu.memory_space<hbm>>) target(%arg14 : memref<128x128xf32, #tpu.memory_space<vmem>>) offsets(%arg8 : memref<128xi32, #tpu.memory_space<vmem>>) semaphore(%arg23 : memref<!tpu.dma_semaphore, #tpu.memory_space<semaphore_mem>>)
    %dma_wait3A_62 = arith.constant 1 : i32
    %dma_wait3A_63 = arith.constant 0 : i32
    %dma_wait3A_64 = tpu.memref_slice %arg3[%add3A, %dma_wait3A_62, %dma_wait3A_63] : memref<32x81x128xi32, #tpu.memory_space<hbm>> -> memref<1x1x128xi32, #tpu.memory_space<hbm>>
    %dma_wait3A_65 = tpu.memref_squeeze %dma_wait3A_64 : memref<1x1x128xi32, #tpu.memory_space<hbm>> -> memref<128xi32, #tpu.memory_space<hbm>>
    %dma_wait3A_66 = arith.constant 0 : i32
    %dma_wait3A_67 = tpu.memref_slice %arg3[%add3A, %dma_wait3A_62, %dma_wait3A_66] : memref<32x81x128xi32, #tpu.memory_space<hbm>> -> memref<1x1x128xi32, #tpu.memory_space<hbm>>
    %dma_wait3A_68 = tpu.memref_squeeze %dma_wait3A_67 : memref<1x1x128xi32, #tpu.memory_space<hbm>> -> memref<128xi32, #tpu.memory_space<hbm>>
    tpu.wait_dma2 semaphore(%arg18 : memref<!tpu.dma_semaphore, #tpu.memory_space<semaphore_mem>>) src(%dma_wait3A_68 : memref<128xi32, #tpu.memory_space<hbm>>) dst(%arg9 : memref<128xi32, #tpu.memory_space<vmem>>)
    %dma_wait3A_69 = arith.constant 1 : i32
    %dma_wait3A_70 = arith.constant 0 : i32
    %dma_wait3A_71 = tpu.memref_slice %arg4[%add3A, %dma_wait3A_69, %dma_wait3A_70] : memref<32x81x128xi32, #tpu.memory_space<hbm>> -> memref<1x1x128xi32, #tpu.memory_space<hbm>>
    %dma_wait3A_72 = tpu.memref_squeeze %dma_wait3A_71 : memref<1x1x128xi32, #tpu.memory_space<hbm>> -> memref<128xi32, #tpu.memory_space<hbm>>
    %dma_wait3A_73 = arith.constant 0 : i32
    %dma_wait3A_74 = tpu.memref_slice %arg4[%add3A, %dma_wait3A_69, %dma_wait3A_73] : memref<32x81x128xi32, #tpu.memory_space<hbm>> -> memref<1x1x128xi32, #tpu.memory_space<hbm>>
    %dma_wait3A_75 = tpu.memref_squeeze %dma_wait3A_74 : memref<1x1x128xi32, #tpu.memory_space<hbm>> -> memref<128xi32, #tpu.memory_space<hbm>>
    tpu.wait_dma2 semaphore(%arg21 : memref<!tpu.dma_semaphore, #tpu.memory_space<semaphore_mem>>) src(%dma_wait3A_75 : memref<128xi32, #tpu.memory_space<hbm>>) dst(%arg12 : memref<128xi32, #tpu.memory_space<vmem>>)
    %dma_start3A_76 = arith.constant 0 : i32
    %dma_start3A_77 = arith.constant 0 : i32
    %dma_start3A_78 = tpu.memref_slice %arg2[%dma_start3A_76, %dma_start3A_77] : memref<10000x128xf32, #tpu.memory_space<hbm>> -> memref<10000x128xf32, #tpu.memory_space<hbm>>
    tpu.enqueue_indirect_dma source(%dma_start3A_78 : memref<10000x128xf32, #tpu.memory_space<hbm>>) target(%arg15 : memref<128x128xf32, #tpu.memory_space<vmem>>) offsets(%arg9 : memref<128xi32, #tpu.memory_space<vmem>>) semaphore(%arg24 : memref<!tpu.dma_semaphore, #tpu.memory_space<semaphore_mem>>)
    %scan3A = arith.constant 0 : i32
    %scan3A_79 = arith.constant 0 : i32
    %scan3A_80 = arith.constant 27 : i32
    %scan3A_81 = arith.addi %scan3A_79, %scan3A_80 : i32
    %scan3A_82 = arith.constant 1 : i32
    scf.for %scan3A_90 = %scan3A_79 to %scan3A_81 step %scan3A_82  : i32 {
      %mul3A_91 = arith.constant 3 : i32
      %mul3A_92 = arith.muli %scan3A_90, %mul3A_91 : i32
      %add3A_93 = arith.constant 0 : i32
      %add3A_94 = arith.addi %mul3A_92, %add3A_93 : i32
      %add3A_95 = arith.constant 2 : i32
      %add3A_96 = arith.addi %add3A_94, %add3A_95 : i32
      %lt3A = arith.constant 81 : i32
      %lt3A_97 = arith.cmpi slt, %add3A_96, %lt3A : i32
      %convert_element_type3A_98 = arith.extui %lt3A_97 : i1 to i32
      %cond3A_99 = arith.constant 0 : i32
      %cond3A_100 = arith.cmpi ne, %convert_element_type3A_98, %cond3A_99 : i32
      scf.if %cond3A_100 {
        %add3A_153 = arith.constant 2 : i32
        %add3A_154 = arith.addi %add3A_94, %add3A_153 : i32
        %dma_wait3A_155 = arith.constant 0 : i32
        %dma_wait3A_156 = tpu.memref_slice %arg3[%add3A, %add3A_154, %dma_wait3A_155] : memref<32x81x128xi32, #tpu.memory_space<hbm>> -> memref<1x1x128xi32, #tpu.memory_space<hbm>>
        %dma_wait3A_157 = tpu.memref_squeeze %dma_wait3A_156 : memref<1x1x128xi32, #tpu.memory_space<hbm>> -> memref<128xi32, #tpu.memory_space<hbm>>
        %dma_wait3A_158 = arith.constant 0 : i32
        %dma_wait3A_159 = tpu.memref_slice %arg3[%add3A, %add3A_154, %dma_wait3A_158] : memref<32x81x128xi32, #tpu.memory_space<hbm>> -> memref<1x1x128xi32, #tpu.memory_space<hbm>>
        %dma_wait3A_160 = tpu.memref_squeeze %dma_wait3A_159 : memref<1x1x128xi32, #tpu.memory_space<hbm>> -> memref<128xi32, #tpu.memory_space<hbm>>
        tpu.wait_dma2 semaphore(%arg19 : memref<!tpu.dma_semaphore, #tpu.memory_space<semaphore_mem>>) src(%dma_wait3A_160 : memref<128xi32, #tpu.memory_space<hbm>>) dst(%arg10 : memref<128xi32, #tpu.memory_space<vmem>>)
        %dma_wait3A_161 = arith.constant 0 : i32
        %dma_wait3A_162 = tpu.memref_slice %arg4[%add3A, %add3A_154, %dma_wait3A_161] : memref<32x81x128xi32, #tpu.memory_space<hbm>> -> memref<1x1x128xi32, #tpu.memory_space<hbm>>
        %dma_wait3A_163 = tpu.memref_squeeze %dma_wait3A_162 : memref<1x1x128xi32, #tpu.memory_space<hbm>> -> memref<128xi32, #tpu.memory_space<hbm>>
        %dma_wait3A_164 = arith.constant 0 : i32
        %dma_wait3A_165 = tpu.memref_slice %arg4[%add3A, %add3A_154, %dma_wait3A_164] : memref<32x81x128xi32, #tpu.memory_space<hbm>> -> memref<1x1x128xi32, #tpu.memory_space<hbm>>
        %dma_wait3A_166 = tpu.memref_squeeze %dma_wait3A_165 : memref<1x1x128xi32, #tpu.memory_space<hbm>> -> memref<128xi32, #tpu.memory_space<hbm>>
        tpu.wait_dma2 semaphore(%arg22 : memref<!tpu.dma_semaphore, #tpu.memory_space<semaphore_mem>>) src(%dma_wait3A_166 : memref<128xi32, #tpu.memory_space<hbm>>) dst(%arg13 : memref<128xi32, #tpu.memory_space<vmem>>)
        %dma_start3A_167 = arith.constant 0 : i32
        %dma_start3A_168 = arith.constant 0 : i32
        %dma_start3A_169 = tpu.memref_slice %arg2[%dma_start3A_167, %dma_start3A_168] : memref<10000x128xf32, #tpu.memory_space<hbm>> -> memref<10000x128xf32, #tpu.memory_space<hbm>>
        tpu.enqueue_indirect_dma source(%dma_start3A_169 : memref<10000x128xf32, #tpu.memory_space<hbm>>) target(%arg16 : memref<128x128xf32, #tpu.memory_space<vmem>>) offsets(%arg10 : memref<128xi32, #tpu.memory_space<vmem>>) semaphore(%arg25 : memref<!tpu.dma_semaphore, #tpu.memory_space<semaphore_mem>>)
      } else {
      }
      %dma_wait3A_101 = arith.constant 0 : i32
      %dma_wait3A_102 = arith.constant 0 : i32
      %dma_wait3A_103 = tpu.memref_slice %arg2[%dma_wait3A_101, %dma_wait3A_102] : memref<10000x128xf32, #tpu.memory_space<hbm>> -> memref<10000x128xf32, #tpu.memory_space<hbm>>
      tpu.wait_indirect_dma semaphore(%arg23 : memref<!tpu.dma_semaphore, #tpu.memory_space<semaphore_mem>>) src(%dma_wait3A_103 : memref<10000x128xf32, #tpu.memory_space<hbm>>) dst(%arg14 : memref<128x128xf32, #tpu.memory_space<vmem>>)
      "tpu.region"() ({
        %run_scoped3A = tpu.sem_alloc : memref<!tpu.dma_semaphore, #tpu.memory_space<semaphore_mem>>
        %dma_start3A_153 = arith.constant 0 : i32
        %dma_start3A_154 = arith.constant 0 : i32
        %dma_start3A_155 = tpu.memref_slice %arg7[%dma_start3A_153, %dma_start3A_154] : memref<10008x128xf32, #tpu.memory_space<vmem_shared>> -> memref<10008x128xf32, #tpu.memory_space<vmem_shared>>
        tpu.enqueue_indirect_dma source(%arg14 : memref<128x128xf32, #tpu.memory_space<vmem>>) target(%dma_start3A_155 : memref<10008x128xf32, #tpu.memory_space<vmem_shared>>) offsets(%arg11 : memref<128xi32, #tpu.memory_space<vmem>>) semaphore(%run_scoped3A : memref<!tpu.dma_semaphore, #tpu.memory_space<semaphore_mem>>) {add = true}
        %dma_wait3A_156 = arith.constant 0 : i32
        %dma_wait3A_157 = arith.constant 0 : i32
        %dma_wait3A_158 = tpu.memref_slice %arg7[%dma_wait3A_156, %dma_wait3A_157] : memref<10008x128xf32, #tpu.memory_space<vmem_shared>> -> memref<10008x128xf32, #tpu.memory_space<vmem_shared>>
        tpu.wait_indirect_dma semaphore(%run_scoped3A : memref<!tpu.dma_semaphore, #tpu.memory_space<semaphore_mem>>) src(%arg14 : memref<128x128xf32, #tpu.memory_space<vmem>>) dst(%dma_wait3A_158 : memref<10008x128xf32, #tpu.memory_space<vmem_shared>>)
        tpu.yield
      }) : () -> ()
      %add3A_104 = arith.constant 3 : i32
      %add3A_105 = arith.addi %add3A_94, %add3A_104 : i32
      %lt3A_106 = arith.constant 81 : i32
      %lt3A_107 = arith.cmpi slt, %add3A_105, %lt3A_106 : i32
      %convert_element_type3A_108 = arith.extui %lt3A_107 : i1 to i32
      %cond3A_109 = arith.constant 0 : i32
      %cond3A_110 = arith.cmpi ne, %convert_element_type3A_108, %cond3A_109 : i32
      scf.if %cond3A_110 {
        %add3A_153 = arith.constant 3 : i32
        %add3A_154 = arith.addi %add3A_94, %add3A_153 : i32
        %dma_start3A_155 = arith.constant 0 : i32
        %dma_start3A_156 = tpu.memref_slice %arg3[%add3A, %add3A_154, %dma_start3A_155] : memref<32x81x128xi32, #tpu.memory_space<hbm>> -> memref<1x1x128xi32, #tpu.memory_space<hbm>>
        %dma_start3A_157 = tpu.memref_squeeze %dma_start3A_156 : memref<1x1x128xi32, #tpu.memory_space<hbm>> -> memref<128xi32, #tpu.memory_space<hbm>>
        %dma_start3A_158 = arith.constant 0 : i32
        %dma_start3A_159 = tpu.memref_slice %arg3[%add3A, %add3A_154, %dma_start3A_158] : memref<32x81x128xi32, #tpu.memory_space<hbm>> -> memref<1x1x128xi32, #tpu.memory_space<hbm>>
        %dma_start3A_160 = tpu.memref_squeeze %dma_start3A_159 : memref<1x1x128xi32, #tpu.memory_space<hbm>> -> memref<128xi32, #tpu.memory_space<hbm>>
        tpu.enqueue_dma source(%dma_start3A_160 : memref<128xi32, #tpu.memory_space<hbm>>) target(%arg8 : memref<128xi32, #tpu.memory_space<vmem>>) target_semaphore(%arg17 : memref<!tpu.dma_semaphore, #tpu.memory_space<semaphore_mem>>)
        %dma_start3A_161 = arith.constant 0 : i32
        %dma_start3A_162 = tpu.memref_slice %arg4[%add3A, %add3A_154, %dma_start3A_161] : memref<32x81x128xi32, #tpu.memory_space<hbm>> -> memref<1x1x128xi32, #tpu.memory_space<hbm>>
        %dma_start3A_163 = tpu.memref_squeeze %dma_start3A_162 : memref<1x1x128xi32, #tpu.memory_space<hbm>> -> memref<128xi32, #tpu.memory_space<hbm>>
        %dma_start3A_164 = arith.constant 0 : i32
        %dma_start3A_165 = tpu.memref_slice %arg4[%add3A, %add3A_154, %dma_start3A_164] : memref<32x81x128xi32, #tpu.memory_space<hbm>> -> memref<1x1x128xi32, #tpu.memory_space<hbm>>
        %dma_start3A_166 = tpu.memref_squeeze %dma_start3A_165 : memref<1x1x128xi32, #tpu.memory_space<hbm>> -> memref<128xi32, #tpu.memory_space<hbm>>
        tpu.enqueue_dma source(%dma_start3A_166 : memref<128xi32, #tpu.memory_space<hbm>>) target(%arg11 : memref<128xi32, #tpu.memory_space<vmem>>) target_semaphore(%arg20 : memref<!tpu.dma_semaphore, #tpu.memory_space<semaphore_mem>>)
      } else {
      }
      %mul3A_111 = arith.constant 3 : i32
      %mul3A_112 = arith.muli %scan3A_90, %mul3A_111 : i32
      %add3A_113 = arith.constant 1 : i32
      %add3A_114 = arith.addi %mul3A_112, %add3A_113 : i32
      %add3A_115 = arith.constant 2 : i32
      %add3A_116 = arith.addi %add3A_114, %add3A_115 : i32
      %lt3A_117 = arith.constant 81 : i32
      %lt3A_118 = arith.cmpi slt, %add3A_116, %lt3A_117 : i32
      %convert_element_type3A_119 = arith.extui %lt3A_118 : i1 to i32
      %cond3A_120 = arith.constant 0 : i32
      %cond3A_121 = arith.cmpi ne, %convert_element_type3A_119, %cond3A_120 : i32
      scf.if %cond3A_121 {
        %add3A_153 = arith.constant 2 : i32
        %add3A_154 = arith.addi %add3A_114, %add3A_153 : i32
        %dma_wait3A_155 = arith.constant 0 : i32
        %dma_wait3A_156 = tpu.memref_slice %arg3[%add3A, %add3A_154, %dma_wait3A_155] : memref<32x81x128xi32, #tpu.memory_space<hbm>> -> memref<1x1x128xi32, #tpu.memory_space<hbm>>
        %dma_wait3A_157 = tpu.memref_squeeze %dma_wait3A_156 : memref<1x1x128xi32, #tpu.memory_space<hbm>> -> memref<128xi32, #tpu.memory_space<hbm>>
        %dma_wait3A_158 = arith.constant 0 : i32
        %dma_wait3A_159 = tpu.memref_slice %arg3[%add3A, %add3A_154, %dma_wait3A_158] : memref<32x81x128xi32, #tpu.memory_space<hbm>> -> memref<1x1x128xi32, #tpu.memory_space<hbm>>
        %dma_wait3A_160 = tpu.memref_squeeze %dma_wait3A_159 : memref<1x1x128xi32, #tpu.memory_space<hbm>> -> memref<128xi32, #tpu.memory_space<hbm>>
        tpu.wait_dma2 semaphore(%arg17 : memref<!tpu.dma_semaphore, #tpu.memory_space<semaphore_mem>>) src(%dma_wait3A_160 : memref<128xi32, #tpu.memory_space<hbm>>) dst(%arg8 : memref<128xi32, #tpu.memory_space<vmem>>)
        %dma_wait3A_161 = arith.constant 0 : i32
        %dma_wait3A_162 = tpu.memref_slice %arg4[%add3A, %add3A_154, %dma_wait3A_161] : memref<32x81x128xi32, #tpu.memory_space<hbm>> -> memref<1x1x128xi32, #tpu.memory_space<hbm>>
        %dma_wait3A_163 = tpu.memref_squeeze %dma_wait3A_162 : memref<1x1x128xi32, #tpu.memory_space<hbm>> -> memref<128xi32, #tpu.memory_space<hbm>>
        %dma_wait3A_164 = arith.constant 0 : i32
        %dma_wait3A_165 = tpu.memref_slice %arg4[%add3A, %add3A_154, %dma_wait3A_164] : memref<32x81x128xi32, #tpu.memory_space<hbm>> -> memref<1x1x128xi32, #tpu.memory_space<hbm>>
        %dma_wait3A_166 = tpu.memref_squeeze %dma_wait3A_165 : memref<1x1x128xi32, #tpu.memory_space<hbm>> -> memref<128xi32, #tpu.memory_space<hbm>>
        tpu.wait_dma2 semaphore(%arg20 : memref<!tpu.dma_semaphore, #tpu.memory_space<semaphore_mem>>) src(%dma_wait3A_166 : memref<128xi32, #tpu.memory_space<hbm>>) dst(%arg11 : memref<128xi32, #tpu.memory_space<vmem>>)
        %dma_start3A_167 = arith.constant 0 : i32
        %dma_start3A_168 = arith.constant 0 : i32
        %dma_start3A_169 = tpu.memref_slice %arg2[%dma_start3A_167, %dma_start3A_168] : memref<10000x128xf32, #tpu.memory_space<hbm>> -> memref<10000x128xf32, #tpu.memory_space<hbm>>
        tpu.enqueue_indirect_dma source(%dma_start3A_169 : memref<10000x128xf32, #tpu.memory_space<hbm>>) target(%arg14 : memref<128x128xf32, #tpu.memory_space<vmem>>) offsets(%arg8 : memref<128xi32, #tpu.memory_space<vmem>>) semaphore(%arg23 : memref<!tpu.dma_semaphore, #tpu.memory_space<semaphore_mem>>)
      } else {
      }
      %dma_wait3A_122 = arith.constant 0 : i32
      %dma_wait3A_123 = arith.constant 0 : i32
      %dma_wait3A_124 = tpu.memref_slice %arg2[%dma_wait3A_122, %dma_wait3A_123] : memref<10000x128xf32, #tpu.memory_space<hbm>> -> memref<10000x128xf32, #tpu.memory_space<hbm>>
      tpu.wait_indirect_dma semaphore(%arg24 : memref<!tpu.dma_semaphore, #tpu.memory_space<semaphore_mem>>) src(%dma_wait3A_124 : memref<10000x128xf32, #tpu.memory_space<hbm>>) dst(%arg15 : memref<128x128xf32, #tpu.memory_space<vmem>>)
      "tpu.region"() ({
        %run_scoped3A = tpu.sem_alloc : memref<!tpu.dma_semaphore, #tpu.memory_space<semaphore_mem>>
        %dma_start3A_153 = arith.constant 0 : i32
        %dma_start3A_154 = arith.constant 0 : i32
        %dma_start3A_155 = tpu.memref_slice %arg7[%dma_start3A_153, %dma_start3A_154] : memref<10008x128xf32, #tpu.memory_space<vmem_shared>> -> memref<10008x128xf32, #tpu.memory_space<vmem_shared>>
        tpu.enqueue_indirect_dma source(%arg15 : memref<128x128xf32, #tpu.memory_space<vmem>>) target(%dma_start3A_155 : memref<10008x128xf32, #tpu.memory_space<vmem_shared>>) offsets(%arg12 : memref<128xi32, #tpu.memory_space<vmem>>) semaphore(%run_scoped3A : memref<!tpu.dma_semaphore, #tpu.memory_space<semaphore_mem>>) {add = true}
        %dma_wait3A_156 = arith.constant 0 : i32
        %dma_wait3A_157 = arith.constant 0 : i32
        %dma_wait3A_158 = tpu.memref_slice %arg7[%dma_wait3A_156, %dma_wait3A_157] : memref<10008x128xf32, #tpu.memory_space<vmem_shared>> -> memref<10008x128xf32, #tpu.memory_space<vmem_shared>>
        tpu.wait_indirect_dma semaphore(%run_scoped3A : memref<!tpu.dma_semaphore, #tpu.memory_space<semaphore_mem>>) src(%arg15 : memref<128x128xf32, #tpu.memory_space<vmem>>) dst(%dma_wait3A_158 : memref<10008x128xf32, #tpu.memory_space<vmem_shared>>)
        tpu.yield
      }) : () -> ()
      %add3A_125 = arith.constant 3 : i32
      %add3A_126 = arith.addi %add3A_114, %add3A_125 : i32
      %lt3A_127 = arith.constant 81 : i32
      %lt3A_128 = arith.cmpi slt, %add3A_126, %lt3A_127 : i32
      %convert_element_type3A_129 = arith.extui %lt3A_128 : i1 to i32
      %cond3A_130 = arith.constant 0 : i32
      %cond3A_131 = arith.cmpi ne, %convert_element_type3A_129, %cond3A_130 : i32
      scf.if %cond3A_131 {
        %add3A_153 = arith.constant 3 : i32
        %add3A_154 = arith.addi %add3A_114, %add3A_153 : i32
        %dma_start3A_155 = arith.constant 0 : i32
        %dma_start3A_156 = tpu.memref_slice %arg3[%add3A, %add3A_154, %dma_start3A_155] : memref<32x81x128xi32, #tpu.memory_space<hbm>> -> memref<1x1x128xi32, #tpu.memory_space<hbm>>
        %dma_start3A_157 = tpu.memref_squeeze %dma_start3A_156 : memref<1x1x128xi32, #tpu.memory_space<hbm>> -> memref<128xi32, #tpu.memory_space<hbm>>
        %dma_start3A_158 = arith.constant 0 : i32
        %dma_start3A_159 = tpu.memref_slice %arg3[%add3A, %add3A_154, %dma_start3A_158] : memref<32x81x128xi32, #tpu.memory_space<hbm>> -> memref<1x1x128xi32, #tpu.memory_space<hbm>>
        %dma_start3A_160 = tpu.memref_squeeze %dma_start3A_159 : memref<1x1x128xi32, #tpu.memory_space<hbm>> -> memref<128xi32, #tpu.memory_space<hbm>>
        tpu.enqueue_dma source(%dma_start3A_160 : memref<128xi32, #tpu.memory_space<hbm>>) target(%arg9 : memref<128xi32, #tpu.memory_space<vmem>>) target_semaphore(%arg18 : memref<!tpu.dma_semaphore, #tpu.memory_space<semaphore_mem>>)
        %dma_start3A_161 = arith.constant 0 : i32
        %dma_start3A_162 = tpu.memref_slice %arg4[%add3A, %add3A_154, %dma_start3A_161] : memref<32x81x128xi32, #tpu.memory_space<hbm>> -> memref<1x1x128xi32, #tpu.memory_space<hbm>>
        %dma_start3A_163 = tpu.memref_squeeze %dma_start3A_162 : memref<1x1x128xi32, #tpu.memory_space<hbm>> -> memref<128xi32, #tpu.memory_space<hbm>>
        %dma_start3A_164 = arith.constant 0 : i32
        %dma_start3A_165 = tpu.memref_slice %arg4[%add3A, %add3A_154, %dma_start3A_164] : memref<32x81x128xi32, #tpu.memory_space<hbm>> -> memref<1x1x128xi32, #tpu.memory_space<hbm>>
        %dma_start3A_166 = tpu.memref_squeeze %dma_start3A_165 : memref<1x1x128xi32, #tpu.memory_space<hbm>> -> memref<128xi32, #tpu.memory_space<hbm>>
        tpu.enqueue_dma source(%dma_start3A_166 : memref<128xi32, #tpu.memory_space<hbm>>) target(%arg12 : memref<128xi32, #tpu.memory_space<vmem>>) target_semaphore(%arg21 : memref<!tpu.dma_semaphore, #tpu.memory_space<semaphore_mem>>)
      } else {
      }
      %mul3A_132 = arith.constant 3 : i32
      %mul3A_133 = arith.muli %scan3A_90, %mul3A_132 : i32
      %add3A_134 = arith.constant 2 : i32
      %add3A_135 = arith.addi %mul3A_133, %add3A_134 : i32
      %add3A_136 = arith.constant 2 : i32
      %add3A_137 = arith.addi %add3A_135, %add3A_136 : i32
      %lt3A_138 = arith.constant 81 : i32
      %lt3A_139 = arith.cmpi slt, %add3A_137, %lt3A_138 : i32
      %convert_element_type3A_140 = arith.extui %lt3A_139 : i1 to i32
      %cond3A_141 = arith.constant 0 : i32
      %cond3A_142 = arith.cmpi ne, %convert_element_type3A_140, %cond3A_141 : i32
      scf.if %cond3A_142 {
        %add3A_153 = arith.constant 2 : i32
        %add3A_154 = arith.addi %add3A_135, %add3A_153 : i32
        %dma_wait3A_155 = arith.constant 0 : i32
        %dma_wait3A_156 = tpu.memref_slice %arg3[%add3A, %add3A_154, %dma_wait3A_155] : memref<32x81x128xi32, #tpu.memory_space<hbm>> -> memref<1x1x128xi32, #tpu.memory_space<hbm>>
        %dma_wait3A_157 = tpu.memref_squeeze %dma_wait3A_156 : memref<1x1x128xi32, #tpu.memory_space<hbm>> -> memref<128xi32, #tpu.memory_space<hbm>>
        %dma_wait3A_158 = arith.constant 0 : i32
        %dma_wait3A_159 = tpu.memref_slice %arg3[%add3A, %add3A_154, %dma_wait3A_158] : memref<32x81x128xi32, #tpu.memory_space<hbm>> -> memref<1x1x128xi32, #tpu.memory_space<hbm>>
        %dma_wait3A_160 = tpu.memref_squeeze %dma_wait3A_159 : memref<1x1x128xi32, #tpu.memory_space<hbm>> -> memref<128xi32, #tpu.memory_space<hbm>>
        tpu.wait_dma2 semaphore(%arg18 : memref<!tpu.dma_semaphore, #tpu.memory_space<semaphore_mem>>) src(%dma_wait3A_160 : memref<128xi32, #tpu.memory_space<hbm>>) dst(%arg9 : memref<128xi32, #tpu.memory_space<vmem>>)
        %dma_wait3A_161 = arith.constant 0 : i32
        %dma_wait3A_162 = tpu.memref_slice %arg4[%add3A, %add3A_154, %dma_wait3A_161] : memref<32x81x128xi32, #tpu.memory_space<hbm>> -> memref<1x1x128xi32, #tpu.memory_space<hbm>>
        %dma_wait3A_163 = tpu.memref_squeeze %dma_wait3A_162 : memref<1x1x128xi32, #tpu.memory_space<hbm>> -> memref<128xi32, #tpu.memory_space<hbm>>
        %dma_wait3A_164 = arith.constant 0 : i32
        %dma_wait3A_165 = tpu.memref_slice %arg4[%add3A, %add3A_154, %dma_wait3A_164] : memref<32x81x128xi32, #tpu.memory_space<hbm>> -> memref<1x1x128xi32, #tpu.memory_space<hbm>>
        %dma_wait3A_166 = tpu.memref_squeeze %dma_wait3A_165 : memref<1x1x128xi32, #tpu.memory_space<hbm>> -> memref<128xi32, #tpu.memory_space<hbm>>
        tpu.wait_dma2 semaphore(%arg21 : memref<!tpu.dma_semaphore, #tpu.memory_space<semaphore_mem>>) src(%dma_wait3A_166 : memref<128xi32, #tpu.memory_space<hbm>>) dst(%arg12 : memref<128xi32, #tpu.memory_space<vmem>>)
        %dma_start3A_167 = arith.constant 0 : i32
        %dma_start3A_168 = arith.constant 0 : i32
        %dma_start3A_169 = tpu.memref_slice %arg2[%dma_start3A_167, %dma_start3A_168] : memref<10000x128xf32, #tpu.memory_space<hbm>> -> memref<10000x128xf32, #tpu.memory_space<hbm>>
        tpu.enqueue_indirect_dma source(%dma_start3A_169 : memref<10000x128xf32, #tpu.memory_space<hbm>>) target(%arg15 : memref<128x128xf32, #tpu.memory_space<vmem>>) offsets(%arg9 : memref<128xi32, #tpu.memory_space<vmem>>) semaphore(%arg24 : memref<!tpu.dma_semaphore, #tpu.memory_space<semaphore_mem>>)
      } else {
      }
      %dma_wait3A_143 = arith.constant 0 : i32
      %dma_wait3A_144 = arith.constant 0 : i32
      %dma_wait3A_145 = tpu.memref_slice %arg2[%dma_wait3A_143, %dma_wait3A_144] : memref<10000x128xf32, #tpu.memory_space<hbm>> -> memref<10000x128xf32, #tpu.memory_space<hbm>>
      tpu.wait_indirect_dma semaphore(%arg25 : memref<!tpu.dma_semaphore, #tpu.memory_space<semaphore_mem>>) src(%dma_wait3A_145 : memref<10000x128xf32, #tpu.memory_space<hbm>>) dst(%arg16 : memref<128x128xf32, #tpu.memory_space<vmem>>)
      "tpu.region"() ({
        %run_scoped3A = tpu.sem_alloc : memref<!tpu.dma_semaphore, #tpu.memory_space<semaphore_mem>>
        %dma_start3A_153 = arith.constant 0 : i32
        %dma_start3A_154 = arith.constant 0 : i32
        %dma_start3A_155 = tpu.memref_slice %arg7[%dma_start3A_153, %dma_start3A_154] : memref<10008x128xf32, #tpu.memory_space<vmem_shared>> -> memref<10008x128xf32, #tpu.memory_space<vmem_shared>>
        tpu.enqueue_indirect_dma source(%arg16 : memref<128x128xf32, #tpu.memory_space<vmem>>) target(%dma_start3A_155 : memref<10008x128xf32, #tpu.memory_space<vmem_shared>>) offsets(%arg13 : memref<128xi32, #tpu.memory_space<vmem>>) semaphore(%run_scoped3A : memref<!tpu.dma_semaphore, #tpu.memory_space<semaphore_mem>>) {add = true}
        %dma_wait3A_156 = arith.constant 0 : i32
        %dma_wait3A_157 = arith.constant 0 : i32
        %dma_wait3A_158 = tpu.memref_slice %arg7[%dma_wait3A_156, %dma_wait3A_157] : memref<10008x128xf32, #tpu.memory_space<vmem_shared>> -> memref<10008x128xf32, #tpu.memory_space<vmem_shared>>
        tpu.wait_indirect_dma semaphore(%run_scoped3A : memref<!tpu.dma_semaphore, #tpu.memory_space<semaphore_mem>>) src(%arg16 : memref<128x128xf32, #tpu.memory_space<vmem>>) dst(%dma_wait3A_158 : memref<10008x128xf32, #tpu.memory_space<vmem_shared>>)
        tpu.yield
      }) : () -> ()
      %add3A_146 = arith.constant 3 : i32
      %add3A_147 = arith.addi %add3A_135, %add3A_146 : i32
      %lt3A_148 = arith.constant 81 : i32
      %lt3A_149 = arith.cmpi slt, %add3A_147, %lt3A_148 : i32
      %convert_element_type3A_150 = arith.extui %lt3A_149 : i1 to i32
      %cond3A_151 = arith.constant 0 : i32
      %cond3A_152 = arith.cmpi ne, %convert_element_type3A_150, %cond3A_151 : i32
      scf.if %cond3A_152 {
        %add3A_153 = arith.constant 3 : i32
        %add3A_154 = arith.addi %add3A_135, %add3A_153 : i32
        %dma_start3A_155 = arith.constant 0 : i32
        %dma_start3A_156 = tpu.memref_slice %arg3[%add3A, %add3A_154, %dma_start3A_155] : memref<32x81x128xi32, #tpu.memory_space<hbm>> -> memref<1x1x128xi32, #tpu.memory_space<hbm>>
        %dma_start3A_157 = tpu.memref_squeeze %dma_start3A_156 : memref<1x1x128xi32, #tpu.memory_space<hbm>> -> memref<128xi32, #tpu.memory_space<hbm>>
        %dma_start3A_158 = arith.constant 0 : i32
        %dma_start3A_159 = tpu.memref_slice %arg3[%add3A, %add3A_154, %dma_start3A_158] : memref<32x81x128xi32, #tpu.memory_space<hbm>> -> memref<1x1x128xi32, #tpu.memory_space<hbm>>
        %dma_start3A_160 = tpu.memref_squeeze %dma_start3A_159 : memref<1x1x128xi32, #tpu.memory_space<hbm>> -> memref<128xi32, #tpu.memory_space<hbm>>
        tpu.enqueue_dma source(%dma_start3A_160 : memref<128xi32, #tpu.memory_space<hbm>>) target(%arg10 : memref<128xi32, #tpu.memory_space<vmem>>) target_semaphore(%arg19 : memref<!tpu.dma_semaphore, #tpu.memory_space<semaphore_mem>>)
        %dma_start3A_161 = arith.constant 0 : i32
        %dma_start3A_162 = tpu.memref_slice %arg4[%add3A, %add3A_154, %dma_start3A_161] : memref<32x81x128xi32, #tpu.memory_space<hbm>> -> memref<1x1x128xi32, #tpu.memory_space<hbm>>
        %dma_start3A_163 = tpu.memref_squeeze %dma_start3A_162 : memref<1x1x128xi32, #tpu.memory_space<hbm>> -> memref<128xi32, #tpu.memory_space<hbm>>
        %dma_start3A_164 = arith.constant 0 : i32
        %dma_start3A_165 = tpu.memref_slice %arg4[%add3A, %add3A_154, %dma_start3A_164] : memref<32x81x128xi32, #tpu.memory_space<hbm>> -> memref<1x1x128xi32, #tpu.memory_space<hbm>>
        %dma_start3A_166 = tpu.memref_squeeze %dma_start3A_165 : memref<1x1x128xi32, #tpu.memory_space<hbm>> -> memref<128xi32, #tpu.memory_space<hbm>>
        tpu.enqueue_dma source(%dma_start3A_166 : memref<128xi32, #tpu.memory_space<hbm>>) target(%arg13 : memref<128xi32, #tpu.memory_space<vmem>>) target_semaphore(%arg22 : memref<!tpu.dma_semaphore, #tpu.memory_space<semaphore_mem>>)
      } else {
      }
    }
    %scan3A_83 = arith.constant 27 : i32
    %barrier3A_84 = arith.constant 0 : index
    tpu.barrier barrier_id(%barrier3A_84)
    "tpu.region"() ({
      %run_scoped3A = tpu.sem_alloc : memref<!tpu.dma_semaphore, #tpu.memory_space<semaphore_mem>>
      %dma_start3A_90 = arith.constant 0 : i32
      %dma_start3A_91 = tpu.memref_slice %arg6[%arg0, %multiple_of3A, %dma_start3A_90] : memref<2x10000x128xf32, #tpu.memory_space<hbm>> -> memref<1x624x128xf32, #tpu.memory_space<hbm>>
      %dma_start3A_92 = tpu.memref_squeeze %dma_start3A_91 : memref<1x624x128xf32, #tpu.memory_space<hbm>> -> memref<624x128xf32, #tpu.memory_space<hbm>>
      %dma_start3A_93 = arith.constant 0 : i32
      %dma_start3A_94 = tpu.memref_slice %arg7[%multiple_of3A, %dma_start3A_93] : memref<10008x128xf32, #tpu.memory_space<vmem_shared>> -> memref<624x128xf32, #tpu.memory_space<vmem_shared>>
      tpu.enqueue_dma source(%dma_start3A_94 : memref<624x128xf32, #tpu.memory_space<vmem_shared>>) target(%dma_start3A_92 : memref<624x128xf32, #tpu.memory_space<hbm>>) target_semaphore(%run_scoped3A : memref<!tpu.dma_semaphore, #tpu.memory_space<semaphore_mem>>)
      %dma_wait3A_95 = arith.constant 0 : i32
      %dma_wait3A_96 = tpu.memref_slice %arg6[%arg0, %multiple_of3A, %dma_wait3A_95] : memref<2x10000x128xf32, #tpu.memory_space<hbm>> -> memref<1x624x128xf32, #tpu.memory_space<hbm>>
      %dma_wait3A_97 = tpu.memref_squeeze %dma_wait3A_96 : memref<1x624x128xf32, #tpu.memory_space<hbm>> -> memref<624x128xf32, #tpu.memory_space<hbm>>
      %dma_wait3A_98 = arith.constant 0 : i32
      %dma_wait3A_99 = tpu.memref_slice %arg7[%multiple_of3A, %dma_wait3A_98] : memref<10008x128xf32, #tpu.memory_space<vmem_shared>> -> memref<624x128xf32, #tpu.memory_space<vmem_shared>>
      tpu.wait_dma2 semaphore(%run_scoped3A : memref<!tpu.dma_semaphore, #tpu.memory_space<semaphore_mem>>) src(%dma_wait3A_99 : memref<624x128xf32, #tpu.memory_space<vmem_shared>>) dst(%dma_wait3A_97 : memref<624x128xf32, #tpu.memory_space<hbm>>)
      tpu.yield
    }) : () -> ()
    %eq3A_85 = arith.constant 15 : i32
    %eq3A_86 = arith.cmpi eq, %arg1, %eq3A_85 : i32
    %convert_element_type3A_87 = arith.extui %eq3A_86 : i1 to i32
    %cond3A_88 = arith.constant 0 : i32
    %cond3A_89 = arith.cmpi ne, %convert_element_type3A_87, %cond3A_88 : i32
    scf.if %cond3A_89 {
      "tpu.region"() ({
        %run_scoped3A = tpu.sem_alloc : memref<!tpu.dma_semaphore, #tpu.memory_space<semaphore_mem>>
        %dma_start3A_90 = arith.constant 9984 : i32
        %dma_start3A_91 = arith.constant 0 : i32
        %dma_start3A_92 = tpu.memref_slice %arg6[%arg0, %dma_start3A_90, %dma_start3A_91] : memref<2x10000x128xf32, #tpu.memory_space<hbm>> -> memref<1x16x128xf32, #tpu.memory_space<hbm>>
        %dma_start3A_93 = tpu.memref_squeeze %dma_start3A_92 : memref<1x16x128xf32, #tpu.memory_space<hbm>> -> memref<16x128xf32, #tpu.memory_space<hbm>>
        %dma_start3A_94 = arith.constant 9984 : i32
        %dma_start3A_95 = arith.constant 0 : i32
        %dma_start3A_96 = tpu.memref_slice %arg7[%dma_start3A_94, %dma_start3A_95] : memref<10008x128xf32, #tpu.memory_space<vmem_shared>> -> memref<16x128xf32, #tpu.memory_space<vmem_shared>>
        tpu.enqueue_dma source(%dma_start3A_96 : memref<16x128xf32, #tpu.memory_space<vmem_shared>>) target(%dma_start3A_93 : memref<16x128xf32, #tpu.memory_space<hbm>>) target_semaphore(%run_scoped3A : memref<!tpu.dma_semaphore, #tpu.memory_space<semaphore_mem>>)
        %dma_wait3A_97 = arith.constant 9984 : i32
        %dma_wait3A_98 = arith.constant 0 : i32
        %dma_wait3A_99 = tpu.memref_slice %arg6[%arg0, %dma_wait3A_97, %dma_wait3A_98] : memref<2x10000x128xf32, #tpu.memory_space<hbm>> -> memref<1x16x128xf32, #tpu.memory_space<hbm>>
        %dma_wait3A_100 = tpu.memref_squeeze %dma_wait3A_99 : memref<1x16x128xf32, #tpu.memory_space<hbm>> -> memref<16x128xf32, #tpu.memory_space<hbm>>
        %dma_wait3A_101 = arith.constant 9984 : i32
        %dma_wait3A_102 = arith.constant 0 : i32
        %dma_wait3A_103 = tpu.memref_slice %arg7[%dma_wait3A_101, %dma_wait3A_102] : memref<10008x128xf32, #tpu.memory_space<vmem_shared>> -> memref<16x128xf32, #tpu.memory_space<vmem_shared>>
        tpu.wait_dma2 semaphore(%run_scoped3A : memref<!tpu.dma_semaphore, #tpu.memory_space<semaphore_mem>>) src(%dma_wait3A_103 : memref<16x128xf32, #tpu.memory_space<vmem_shared>>) dst(%dma_wait3A_100 : memref<16x128xf32, #tpu.memory_space<hbm>>)
        tpu.yield
      }) : () -> ()
    } else {
    }
    return
  }
}

#map = affine_map<(d0, d1) -> (0, 0, 0)>
#map1 = affine_map<(d0, d1) -> (0, 0)>
module attributes {stable_mosaic.version = 14 : i64} {
  func.func @_deg_body(%arg0: i32, %arg1: i32, %arg2: memref<32x81x128xi32, #tpu.memory_space<hbm>>, %arg3: memref<624x128xf32, #tpu.memory_space<hbm>>, %arg4: memref<128x128xf32, #tpu.memory_space<hbm>>, %arg5: memref<2x10000x128xf32, #tpu.memory_space<hbm>>, %arg6: memref<10008x128xf32, #tpu.memory_space<vmem_shared>>, %arg7: memref<128xi32, #tpu.memory_space<vmem>>, %arg8: memref<128xi32, #tpu.memory_space<vmem>>, %arg9: memref<128x128xf32, #tpu.memory_space<vmem>>, %arg10: memref<!tpu.dma_semaphore, #tpu.memory_space<semaphore_mem>>, %arg11: memref<!tpu.dma_semaphore, #tpu.memory_space<semaphore_mem>>) attributes {dimension_semantics = [#tpu.dimension_semantics<core_parallel>, #tpu.dimension_semantics<subcore_parallel>], iteration_bounds = array<i64: 2, 16>, scalar_prefetch = 0 : i64, scratch_operands = 6 : i64, tpu.core_type = #tpu.core_type<sc_vector_subcore>, window_params = [{transform_indices = #map}, {transform_indices = #map1}, {transform_indices = #map1}, {transform_indices = #map}]} {
    %mul3A = arith.constant 2 : i32
    %mul3A_0 = arith.muli %arg1, %mul3A : i32
    %add3A = arith.addi %mul3A_0, %arg0 : i32
    %mul3A_1 = arith.constant 624 : i32
    %mul3A_2 = arith.muli %arg1, %mul3A_1 : i32
    %multiple_of3A = tpu.assume_multiple %mul3A_2, 8 : i32
    "tpu.region"() ({
      %run_scoped3A = tpu.sem_alloc : memref<!tpu.dma_semaphore, #tpu.memory_space<semaphore_mem>>
      %dma_start3A_29 = arith.constant 0 : i32
      %dma_start3A_30 = tpu.memref_slice %arg6[%multiple_of3A, %dma_start3A_29] : memref<10008x128xf32, #tpu.memory_space<vmem_shared>> -> memref<624x128xf32, #tpu.memory_space<vmem_shared>>
      tpu.enqueue_dma source(%arg3 : memref<624x128xf32, #tpu.memory_space<hbm>>) target(%dma_start3A_30 : memref<624x128xf32, #tpu.memory_space<vmem_shared>>) target_semaphore(%run_scoped3A : memref<!tpu.dma_semaphore, #tpu.memory_space<semaphore_mem>>)
      %dma_wait3A = arith.constant 0 : i32
      %dma_wait3A_31 = tpu.memref_slice %arg6[%multiple_of3A, %dma_wait3A] : memref<10008x128xf32, #tpu.memory_space<vmem_shared>> -> memref<624x128xf32, #tpu.memory_space<vmem_shared>>
      tpu.wait_dma2 semaphore(%run_scoped3A : memref<!tpu.dma_semaphore, #tpu.memory_space<semaphore_mem>>) src(%arg3 : memref<624x128xf32, #tpu.memory_space<hbm>>) dst(%dma_wait3A_31 : memref<624x128xf32, #tpu.memory_space<vmem_shared>>)
      tpu.yield
    }) : () -> ()
    "tpu.region"() ({
      %run_scoped3A = tpu.sem_alloc : memref<!tpu.dma_semaphore, #tpu.memory_space<semaphore_mem>>
      tpu.enqueue_dma source(%arg4 : memref<128x128xf32, #tpu.memory_space<hbm>>) target(%arg9 : memref<128x128xf32, #tpu.memory_space<vmem>>) target_semaphore(%run_scoped3A : memref<!tpu.dma_semaphore, #tpu.memory_space<semaphore_mem>>)
      tpu.wait_dma2 semaphore(%run_scoped3A : memref<!tpu.dma_semaphore, #tpu.memory_space<semaphore_mem>>) src(%arg4 : memref<128x128xf32, #tpu.memory_space<hbm>>) dst(%arg9 : memref<128x128xf32, #tpu.memory_space<vmem>>)
      tpu.yield
    }) : () -> ()
    %eq3A = arith.constant 15 : i32
    %eq3A_3 = arith.cmpi eq, %arg1, %eq3A : i32
    %convert_element_type3A = arith.extui %eq3A_3 : i1 to i32
    %cond3A = arith.constant 0 : i32
    %cond3A_4 = arith.cmpi ne, %convert_element_type3A, %cond3A : i32
    scf.if %cond3A_4 {
      "tpu.region"() ({
        %run_scoped3A = tpu.sem_alloc : memref<!tpu.dma_semaphore, #tpu.memory_space<semaphore_mem>>
        %dma_start3A_29 = arith.constant 9984 : i32
        %dma_start3A_30 = arith.constant 0 : i32
        %dma_start3A_31 = tpu.memref_slice %arg6[%dma_start3A_29, %dma_start3A_30] : memref<10008x128xf32, #tpu.memory_space<vmem_shared>> -> memref<16x128xf32, #tpu.memory_space<vmem_shared>>
        %dma_start3A_32 = arith.constant 0 : i32
        %dma_start3A_33 = arith.constant 0 : i32
        %dma_start3A_34 = tpu.memref_slice %arg3[%dma_start3A_32, %dma_start3A_33] : memref<624x128xf32, #tpu.memory_space<hbm>> -> memref<16x128xf32, #tpu.memory_space<hbm>>
        tpu.enqueue_dma source(%dma_start3A_34 : memref<16x128xf32, #tpu.memory_space<hbm>>) target(%dma_start3A_31 : memref<16x128xf32, #tpu.memory_space<vmem_shared>>) target_semaphore(%run_scoped3A : memref<!tpu.dma_semaphore, #tpu.memory_space<semaphore_mem>>)
        %dma_wait3A = arith.constant 9984 : i32
        %dma_wait3A_35 = arith.constant 0 : i32
        %dma_wait3A_36 = tpu.memref_slice %arg6[%dma_wait3A, %dma_wait3A_35] : memref<10008x128xf32, #tpu.memory_space<vmem_shared>> -> memref<16x128xf32, #tpu.memory_space<vmem_shared>>
        %dma_wait3A_37 = arith.constant 0 : i32
        %dma_wait3A_38 = arith.constant 0 : i32
        %dma_wait3A_39 = tpu.memref_slice %arg3[%dma_wait3A_37, %dma_wait3A_38] : memref<624x128xf32, #tpu.memory_space<hbm>> -> memref<16x128xf32, #tpu.memory_space<hbm>>
        tpu.wait_dma2 semaphore(%run_scoped3A : memref<!tpu.dma_semaphore, #tpu.memory_space<semaphore_mem>>) src(%dma_wait3A_39 : memref<16x128xf32, #tpu.memory_space<hbm>>) dst(%dma_wait3A_36 : memref<16x128xf32, #tpu.memory_space<vmem_shared>>)
        tpu.yield
      }) : () -> ()
    } else {
    }
    %barrier3A = arith.constant 0 : index
    tpu.barrier barrier_id(%barrier3A)
    %dma_start3A = arith.constant 0 : i32
    %dma_start3A_5 = arith.constant 0 : i32
    %dma_start3A_6 = tpu.memref_slice %arg2[%add3A, %dma_start3A, %dma_start3A_5] : memref<32x81x128xi32, #tpu.memory_space<hbm>> -> memref<1x1x128xi32, #tpu.memory_space<hbm>>
    %dma_start3A_7 = tpu.memref_squeeze %dma_start3A_6 : memref<1x1x128xi32, #tpu.memory_space<hbm>> -> memref<128xi32, #tpu.memory_space<hbm>>
    %dma_start3A_8 = arith.constant 0 : i32
    %dma_start3A_9 = tpu.memref_slice %arg2[%add3A, %dma_start3A, %dma_start3A_8] : memref<32x81x128xi32, #tpu.memory_space<hbm>> -> memref<1x1x128xi32, #tpu.memory_space<hbm>>
    %dma_start3A_10 = tpu.memref_squeeze %dma_start3A_9 : memref<1x1x128xi32, #tpu.memory_space<hbm>> -> memref<128xi32, #tpu.memory_space<hbm>>
    tpu.enqueue_dma source(%dma_start3A_10 : memref<128xi32, #tpu.memory_space<hbm>>) target(%arg7 : memref<128xi32, #tpu.memory_space<vmem>>) target_semaphore(%arg10 : memref<!tpu.dma_semaphore, #tpu.memory_space<semaphore_mem>>)
    %dma_start3A_11 = arith.constant 1 : i32
    %dma_start3A_12 = arith.constant 0 : i32
    %dma_start3A_13 = tpu.memref_slice %arg2[%add3A, %dma_start3A_11, %dma_start3A_12] : memref<32x81x128xi32, #tpu.memory_space<hbm>> -> memref<1x1x128xi32, #tpu.memory_space<hbm>>
    %dma_start3A_14 = tpu.memref_squeeze %dma_start3A_13 : memref<1x1x128xi32, #tpu.memory_space<hbm>> -> memref<128xi32, #tpu.memory_space<hbm>>
    %dma_start3A_15 = arith.constant 0 : i32
    %dma_start3A_16 = tpu.memref_slice %arg2[%add3A, %dma_start3A_11, %dma_start3A_15] : memref<32x81x128xi32, #tpu.memory_space<hbm>> -> memref<1x1x128xi32, #tpu.memory_space<hbm>>
    %dma_start3A_17 = tpu.memref_squeeze %dma_start3A_16 : memref<1x1x128xi32, #tpu.memory_space<hbm>> -> memref<128xi32, #tpu.memory_space<hbm>>
    tpu.enqueue_dma source(%dma_start3A_17 : memref<128xi32, #tpu.memory_space<hbm>>) target(%arg8 : memref<128xi32, #tpu.memory_space<vmem>>) target_semaphore(%arg11 : memref<!tpu.dma_semaphore, #tpu.memory_space<semaphore_mem>>)
    %scan3A = arith.constant 0 : i32
    %scan3A_18 = arith.constant 0 : i32
    %scan3A_19 = arith.constant 41 : i32
    %scan3A_20 = arith.addi %scan3A_18, %scan3A_19 : i32
    %scan3A_21 = arith.constant 1 : i32
    scf.for %scan3A_29 = %scan3A_18 to %scan3A_20 step %scan3A_21  : i32 {
      %mul3A_30 = arith.constant 2 : i32
      %mul3A_31 = arith.muli %scan3A_29, %mul3A_30 : i32
      %add3A_32 = arith.constant 0 : i32
      %add3A_33 = arith.addi %mul3A_31, %add3A_32 : i32
      %lt3A = arith.constant 81 : i32
      %lt3A_34 = arith.cmpi slt, %add3A_33, %lt3A : i32
      %convert_element_type3A_35 = arith.extui %lt3A_34 : i1 to i32
      %cond3A_36 = arith.constant 0 : i32
      %cond3A_37 = arith.cmpi ne, %convert_element_type3A_35, %cond3A_36 : i32
      scf.if %cond3A_37 {
        %dma_wait3A = arith.constant 0 : i32
        %dma_wait3A_47 = tpu.memref_slice %arg2[%add3A, %add3A_33, %dma_wait3A] : memref<32x81x128xi32, #tpu.memory_space<hbm>> -> memref<1x1x128xi32, #tpu.memory_space<hbm>>
        %dma_wait3A_48 = tpu.memref_squeeze %dma_wait3A_47 : memref<1x1x128xi32, #tpu.memory_space<hbm>> -> memref<128xi32, #tpu.memory_space<hbm>>
        %dma_wait3A_49 = arith.constant 0 : i32
        %dma_wait3A_50 = tpu.memref_slice %arg2[%add3A, %add3A_33, %dma_wait3A_49] : memref<32x81x128xi32, #tpu.memory_space<hbm>> -> memref<1x1x128xi32, #tpu.memory_space<hbm>>
        %dma_wait3A_51 = tpu.memref_squeeze %dma_wait3A_50 : memref<1x1x128xi32, #tpu.memory_space<hbm>> -> memref<128xi32, #tpu.memory_space<hbm>>
        tpu.wait_dma2 semaphore(%arg10 : memref<!tpu.dma_semaphore, #tpu.memory_space<semaphore_mem>>) src(%dma_wait3A_51 : memref<128xi32, #tpu.memory_space<hbm>>) dst(%arg7 : memref<128xi32, #tpu.memory_space<vmem>>)
        "tpu.region"() ({
          %run_scoped3A = tpu.sem_alloc : memref<!tpu.dma_semaphore, #tpu.memory_space<semaphore_mem>>
          %dma_start3A_59 = arith.constant 0 : i32
          %dma_start3A_60 = arith.constant 0 : i32
          %dma_start3A_61 = tpu.memref_slice %arg6[%dma_start3A_59, %dma_start3A_60] : memref<10008x128xf32, #tpu.memory_space<vmem_shared>> -> memref<10008x128xf32, #tpu.memory_space<vmem_shared>>
          tpu.enqueue_indirect_dma source(%arg9 : memref<128x128xf32, #tpu.memory_space<vmem>>) target(%dma_start3A_61 : memref<10008x128xf32, #tpu.memory_space<vmem_shared>>) offsets(%arg7 : memref<128xi32, #tpu.memory_space<vmem>>) semaphore(%run_scoped3A : memref<!tpu.dma_semaphore, #tpu.memory_space<semaphore_mem>>) {add = true}
          %dma_wait3A_62 = arith.constant 0 : i32
          %dma_wait3A_63 = arith.constant 0 : i32
          %dma_wait3A_64 = tpu.memref_slice %arg6[%dma_wait3A_62, %dma_wait3A_63] : memref<10008x128xf32, #tpu.memory_space<vmem_shared>> -> memref<10008x128xf32, #tpu.memory_space<vmem_shared>>
          tpu.wait_indirect_dma semaphore(%run_scoped3A : memref<!tpu.dma_semaphore, #tpu.memory_space<semaphore_mem>>) src(%arg9 : memref<128x128xf32, #tpu.memory_space<vmem>>) dst(%dma_wait3A_64 : memref<10008x128xf32, #tpu.memory_space<vmem_shared>>)
          tpu.yield
        }) : () -> ()
        %add3A_52 = arith.constant 2 : i32
        %add3A_53 = arith.addi %add3A_33, %add3A_52 : i32
        %lt3A_54 = arith.constant 81 : i32
        %lt3A_55 = arith.cmpi slt, %add3A_53, %lt3A_54 : i32
        %convert_element_type3A_56 = arith.extui %lt3A_55 : i1 to i32
        %cond3A_57 = arith.constant 0 : i32
        %cond3A_58 = arith.cmpi ne, %convert_element_type3A_56, %cond3A_57 : i32
        scf.if %cond3A_58 {
          %add3A_59 = arith.constant 2 : i32
          %add3A_60 = arith.addi %add3A_33, %add3A_59 : i32
          %dma_start3A_61 = arith.constant 0 : i32
          %dma_start3A_62 = tpu.memref_slice %arg2[%add3A, %add3A_60, %dma_start3A_61] : memref<32x81x128xi32, #tpu.memory_space<hbm>> -> memref<1x1x128xi32, #tpu.memory_space<hbm>>
          %dma_start3A_63 = tpu.memref_squeeze %dma_start3A_62 : memref<1x1x128xi32, #tpu.memory_space<hbm>> -> memref<128xi32, #tpu.memory_space<hbm>>
          %dma_start3A_64 = arith.constant 0 : i32
          %dma_start3A_65 = tpu.memref_slice %arg2[%add3A, %add3A_60, %dma_start3A_64] : memref<32x81x128xi32, #tpu.memory_space<hbm>> -> memref<1x1x128xi32, #tpu.memory_space<hbm>>
          %dma_start3A_66 = tpu.memref_squeeze %dma_start3A_65 : memref<1x1x128xi32, #tpu.memory_space<hbm>> -> memref<128xi32, #tpu.memory_space<hbm>>
          tpu.enqueue_dma source(%dma_start3A_66 : memref<128xi32, #tpu.memory_space<hbm>>) target(%arg7 : memref<128xi32, #tpu.memory_space<vmem>>) target_semaphore(%arg10 : memref<!tpu.dma_semaphore, #tpu.memory_space<semaphore_mem>>)
        } else {
        }
      } else {
      }
      %mul3A_38 = arith.constant 2 : i32
      %mul3A_39 = arith.muli %scan3A_29, %mul3A_38 : i32
      %add3A_40 = arith.constant 1 : i32
      %add3A_41 = arith.addi %mul3A_39, %add3A_40 : i32
      %lt3A_42 = arith.constant 81 : i32
      %lt3A_43 = arith.cmpi slt, %add3A_41, %lt3A_42 : i32
      %convert_element_type3A_44 = arith.extui %lt3A_43 : i1 to i32
      %cond3A_45 = arith.constant 0 : i32
      %cond3A_46 = arith.cmpi ne, %convert_element_type3A_44, %cond3A_45 : i32
      scf.if %cond3A_46 {
        %dma_wait3A = arith.constant 0 : i32
        %dma_wait3A_47 = tpu.memref_slice %arg2[%add3A, %add3A_41, %dma_wait3A] : memref<32x81x128xi32, #tpu.memory_space<hbm>> -> memref<1x1x128xi32, #tpu.memory_space<hbm>>
        %dma_wait3A_48 = tpu.memref_squeeze %dma_wait3A_47 : memref<1x1x128xi32, #tpu.memory_space<hbm>> -> memref<128xi32, #tpu.memory_space<hbm>>
        %dma_wait3A_49 = arith.constant 0 : i32
        %dma_wait3A_50 = tpu.memref_slice %arg2[%add3A, %add3A_41, %dma_wait3A_49] : memref<32x81x128xi32, #tpu.memory_space<hbm>> -> memref<1x1x128xi32, #tpu.memory_space<hbm>>
        %dma_wait3A_51 = tpu.memref_squeeze %dma_wait3A_50 : memref<1x1x128xi32, #tpu.memory_space<hbm>> -> memref<128xi32, #tpu.memory_space<hbm>>
        tpu.wait_dma2 semaphore(%arg11 : memref<!tpu.dma_semaphore, #tpu.memory_space<semaphore_mem>>) src(%dma_wait3A_51 : memref<128xi32, #tpu.memory_space<hbm>>) dst(%arg8 : memref<128xi32, #tpu.memory_space<vmem>>)
        "tpu.region"() ({
          %run_scoped3A = tpu.sem_alloc : memref<!tpu.dma_semaphore, #tpu.memory_space<semaphore_mem>>
          %dma_start3A_59 = arith.constant 0 : i32
          %dma_start3A_60 = arith.constant 0 : i32
          %dma_start3A_61 = tpu.memref_slice %arg6[%dma_start3A_59, %dma_start3A_60] : memref<10008x128xf32, #tpu.memory_space<vmem_shared>> -> memref<10008x128xf32, #tpu.memory_space<vmem_shared>>
          tpu.enqueue_indirect_dma source(%arg9 : memref<128x128xf32, #tpu.memory_space<vmem>>) target(%dma_start3A_61 : memref<10008x128xf32, #tpu.memory_space<vmem_shared>>) offsets(%arg8 : memref<128xi32, #tpu.memory_space<vmem>>) semaphore(%run_scoped3A : memref<!tpu.dma_semaphore, #tpu.memory_space<semaphore_mem>>) {add = true}
          %dma_wait3A_62 = arith.constant 0 : i32
          %dma_wait3A_63 = arith.constant 0 : i32
          %dma_wait3A_64 = tpu.memref_slice %arg6[%dma_wait3A_62, %dma_wait3A_63] : memref<10008x128xf32, #tpu.memory_space<vmem_shared>> -> memref<10008x128xf32, #tpu.memory_space<vmem_shared>>
          tpu.wait_indirect_dma semaphore(%run_scoped3A : memref<!tpu.dma_semaphore, #tpu.memory_space<semaphore_mem>>) src(%arg9 : memref<128x128xf32, #tpu.memory_space<vmem>>) dst(%dma_wait3A_64 : memref<10008x128xf32, #tpu.memory_space<vmem_shared>>)
          tpu.yield
        }) : () -> ()
        %add3A_52 = arith.constant 2 : i32
        %add3A_53 = arith.addi %add3A_41, %add3A_52 : i32
        %lt3A_54 = arith.constant 81 : i32
        %lt3A_55 = arith.cmpi slt, %add3A_53, %lt3A_54 : i32
        %convert_element_type3A_56 = arith.extui %lt3A_55 : i1 to i32
        %cond3A_57 = arith.constant 0 : i32
        %cond3A_58 = arith.cmpi ne, %convert_element_type3A_56, %cond3A_57 : i32
        scf.if %cond3A_58 {
          %add3A_59 = arith.constant 2 : i32
          %add3A_60 = arith.addi %add3A_41, %add3A_59 : i32
          %dma_start3A_61 = arith.constant 0 : i32
          %dma_start3A_62 = tpu.memref_slice %arg2[%add3A, %add3A_60, %dma_start3A_61] : memref<32x81x128xi32, #tpu.memory_space<hbm>> -> memref<1x1x128xi32, #tpu.memory_space<hbm>>
          %dma_start3A_63 = tpu.memref_squeeze %dma_start3A_62 : memref<1x1x128xi32, #tpu.memory_space<hbm>> -> memref<128xi32, #tpu.memory_space<hbm>>
          %dma_start3A_64 = arith.constant 0 : i32
          %dma_start3A_65 = tpu.memref_slice %arg2[%add3A, %add3A_60, %dma_start3A_64] : memref<32x81x128xi32, #tpu.memory_space<hbm>> -> memref<1x1x128xi32, #tpu.memory_space<hbm>>
          %dma_start3A_66 = tpu.memref_squeeze %dma_start3A_65 : memref<1x1x128xi32, #tpu.memory_space<hbm>> -> memref<128xi32, #tpu.memory_space<hbm>>
          tpu.enqueue_dma source(%dma_start3A_66 : memref<128xi32, #tpu.memory_space<hbm>>) target(%arg8 : memref<128xi32, #tpu.memory_space<vmem>>) target_semaphore(%arg11 : memref<!tpu.dma_semaphore, #tpu.memory_space<semaphore_mem>>)
        } else {
        }
      } else {
      }
    }
    %scan3A_22 = arith.constant 41 : i32
    %barrier3A_23 = arith.constant 0 : index
    tpu.barrier barrier_id(%barrier3A_23)
    "tpu.region"() ({
      %run_scoped3A = tpu.sem_alloc : memref<!tpu.dma_semaphore, #tpu.memory_space<semaphore_mem>>
      %dma_start3A_29 = arith.constant 0 : i32
      %dma_start3A_30 = tpu.memref_slice %arg5[%arg0, %multiple_of3A, %dma_start3A_29] : memref<2x10000x128xf32, #tpu.memory_space<hbm>> -> memref<1x624x128xf32, #tpu.memory_space<hbm>>
      %dma_start3A_31 = tpu.memref_squeeze %dma_start3A_30 : memref<1x624x128xf32, #tpu.memory_space<hbm>> -> memref<624x128xf32, #tpu.memory_space<hbm>>
      %dma_start3A_32 = arith.constant 0 : i32
      %dma_start3A_33 = tpu.memref_slice %arg6[%multiple_of3A, %dma_start3A_32] : memref<10008x128xf32, #tpu.memory_space<vmem_shared>> -> memref<624x128xf32, #tpu.memory_space<vmem_shared>>
      tpu.enqueue_dma source(%dma_start3A_33 : memref<624x128xf32, #tpu.memory_space<vmem_shared>>) target(%dma_start3A_31 : memref<624x128xf32, #tpu.memory_space<hbm>>) target_semaphore(%run_scoped3A : memref<!tpu.dma_semaphore, #tpu.memory_space<semaphore_mem>>)
      %dma_wait3A = arith.constant 0 : i32
      %dma_wait3A_34 = tpu.memref_slice %arg5[%arg0, %multiple_of3A, %dma_wait3A] : memref<2x10000x128xf32, #tpu.memory_space<hbm>> -> memref<1x624x128xf32, #tpu.memory_space<hbm>>
      %dma_wait3A_35 = tpu.memref_squeeze %dma_wait3A_34 : memref<1x624x128xf32, #tpu.memory_space<hbm>> -> memref<624x128xf32, #tpu.memory_space<hbm>>
      %dma_wait3A_36 = arith.constant 0 : i32
      %dma_wait3A_37 = tpu.memref_slice %arg6[%multiple_of3A, %dma_wait3A_36] : memref<10008x128xf32, #tpu.memory_space<vmem_shared>> -> memref<624x128xf32, #tpu.memory_space<vmem_shared>>
      tpu.wait_dma2 semaphore(%run_scoped3A : memref<!tpu.dma_semaphore, #tpu.memory_space<semaphore_mem>>) src(%dma_wait3A_37 : memref<624x128xf32, #tpu.memory_space<vmem_shared>>) dst(%dma_wait3A_35 : memref<624x128xf32, #tpu.memory_space<hbm>>)
      tpu.yield
    }) : () -> ()
    %eq3A_24 = arith.constant 15 : i32
    %eq3A_25 = arith.cmpi eq, %arg1, %eq3A_24 : i32
    %convert_element_type3A_26 = arith.extui %eq3A_25 : i1 to i32
    %cond3A_27 = arith.constant 0 : i32
    %cond3A_28 = arith.cmpi ne, %convert_element_type3A_26, %cond3A_27 : i32
    scf.if %cond3A_28 {
      "tpu.region"() ({
        %run_scoped3A = tpu.sem_alloc : memref<!tpu.dma_semaphore, #tpu.memory_space<semaphore_mem>>
        %dma_start3A_29 = arith.constant 9984 : i32
        %dma_start3A_30 = arith.constant 0 : i32
        %dma_start3A_31 = tpu.memref_slice %arg5[%arg0, %dma_start3A_29, %dma_start3A_30] : memref<2x10000x128xf32, #tpu.memory_space<hbm>> -> memref<1x16x128xf32, #tpu.memory_space<hbm>>
        %dma_start3A_32 = tpu.memref_squeeze %dma_start3A_31 : memref<1x16x128xf32, #tpu.memory_space<hbm>> -> memref<16x128xf32, #tpu.memory_space<hbm>>
        %dma_start3A_33 = arith.constant 9984 : i32
        %dma_start3A_34 = arith.constant 0 : i32
        %dma_start3A_35 = tpu.memref_slice %arg6[%dma_start3A_33, %dma_start3A_34] : memref<10008x128xf32, #tpu.memory_space<vmem_shared>> -> memref<16x128xf32, #tpu.memory_space<vmem_shared>>
        tpu.enqueue_dma source(%dma_start3A_35 : memref<16x128xf32, #tpu.memory_space<vmem_shared>>) target(%dma_start3A_32 : memref<16x128xf32, #tpu.memory_space<hbm>>) target_semaphore(%run_scoped3A : memref<!tpu.dma_semaphore, #tpu.memory_space<semaphore_mem>>)
        %dma_wait3A = arith.constant 9984 : i32
        %dma_wait3A_36 = arith.constant 0 : i32
        %dma_wait3A_37 = tpu.memref_slice %arg5[%arg0, %dma_wait3A, %dma_wait3A_36] : memref<2x10000x128xf32, #tpu.memory_space<hbm>> -> memref<1x16x128xf32, #tpu.memory_space<hbm>>
        %dma_wait3A_38 = tpu.memref_squeeze %dma_wait3A_37 : memref<1x16x128xf32, #tpu.memory_space<hbm>> -> memref<16x128xf32, #tpu.memory_space<hbm>>
        %dma_wait3A_39 = arith.constant 9984 : i32
        %dma_wait3A_40 = arith.constant 0 : i32
        %dma_wait3A_41 = tpu.memref_slice %arg6[%dma_wait3A_39, %dma_wait3A_40] : memref<10008x128xf32, #tpu.memory_space<vmem_shared>> -> memref<16x128xf32, #tpu.memory_space<vmem_shared>>
        tpu.wait_dma2 semaphore(%run_scoped3A : memref<!tpu.dma_semaphore, #tpu.memory_space<semaphore_mem>>) src(%dma_wait3A_41 : memref<16x128xf32, #tpu.memory_space<vmem_shared>>) dst(%dma_wait3A_38 : memref<16x128xf32, #tpu.memory_space<hbm>>)
        tpu.yield
      }) : () -> ()
    } else {
    }
    return
  }
}

#map = affine_map<(d0, d1) -> (0, 0)>
#map1 = affine_map<(d0, d1) -> (0, 0, 0)>
module attributes {stable_mosaic.version = 14 : i64} {
  func.func @_agg_body(%arg0: i32, %arg1: i32, %arg2: memref<10000x128xf32, #tpu.memory_space<hbm>>, %arg3: memref<32x81x128xi32, #tpu.memory_space<hbm>>, %arg4: memref<32x81x128xi32, #tpu.memory_space<hbm>>, %arg5: memref<624x128xf32, #tpu.memory_space<hbm>>, %arg6: memref<2x10000x128xf32, #tpu.memory_space<hbm>>, %arg7: memref<10008x128xf32, #tpu.memory_space<vmem_shared>>, %arg8: memref<128xi32, #tpu.memory_space<vmem>>, %arg9: memref<128xi32, #tpu.memory_space<vmem>>, %arg10: memref<128xi32, #tpu.memory_space<vmem>>, %arg11: memref<128xi32, #tpu.memory_space<vmem>>, %arg12: memref<128xi32, #tpu.memory_space<vmem>>, %arg13: memref<128xi32, #tpu.memory_space<vmem>>, %arg14: memref<128x128xf32, #tpu.memory_space<vmem>>, %arg15: memref<128x128xf32, #tpu.memory_space<vmem>>, %arg16: memref<128x128xf32, #tpu.memory_space<vmem>>, %arg17: memref<!tpu.dma_semaphore, #tpu.memory_space<semaphore_mem>>, %arg18: memref<!tpu.dma_semaphore, #tpu.memory_space<semaphore_mem>>, %arg19: memref<!tpu.dma_semaphore, #tpu.memory_space<semaphore_mem>>, %arg20: memref<!tpu.dma_semaphore, #tpu.memory_space<semaphore_mem>>, %arg21: memref<!tpu.dma_semaphore, #tpu.memory_space<semaphore_mem>>, %arg22: memref<!tpu.dma_semaphore, #tpu.memory_space<semaphore_mem>>, %arg23: memref<!tpu.dma_semaphore, #tpu.memory_space<semaphore_mem>>, %arg24: memref<!tpu.dma_semaphore, #tpu.memory_space<semaphore_mem>>, %arg25: memref<!tpu.dma_semaphore, #tpu.memory_space<semaphore_mem>>) attributes {dimension_semantics = [#tpu.dimension_semantics<core_parallel>, #tpu.dimension_semantics<subcore_parallel>], iteration_bounds = array<i64: 2, 16>, scalar_prefetch = 0 : i64, scratch_operands = 19 : i64, tpu.core_type = #tpu.core_type<sc_vector_subcore>, window_params = [{transform_indices = #map}, {transform_indices = #map1}, {transform_indices = #map1}, {transform_indices = #map}, {transform_indices = #map1}]} {
    %mul3A = arith.constant 2 : i32
    %mul3A_0 = arith.muli %arg1, %mul3A : i32
    %add3A = arith.addi %mul3A_0, %arg0 : i32
    %mul3A_1 = arith.constant 624 : i32
    %mul3A_2 = arith.muli %arg1, %mul3A_1 : i32
    %multiple_of3A = tpu.assume_multiple %mul3A_2, 8 : i32
    "tpu.region"() ({
      %run_scoped3A = tpu.sem_alloc : memref<!tpu.dma_semaphore, #tpu.memory_space<semaphore_mem>>
      %dma_start3A_90 = arith.constant 0 : i32
      %dma_start3A_91 = tpu.memref_slice %arg7[%multiple_of3A, %dma_start3A_90] : memref<10008x128xf32, #tpu.memory_space<vmem_shared>> -> memref<624x128xf32, #tpu.memory_space<vmem_shared>>
      tpu.enqueue_dma source(%arg5 : memref<624x128xf32, #tpu.memory_space<hbm>>) target(%dma_start3A_91 : memref<624x128xf32, #tpu.memory_space<vmem_shared>>) target_semaphore(%run_scoped3A : memref<!tpu.dma_semaphore, #tpu.memory_space<semaphore_mem>>)
      %dma_wait3A_92 = arith.constant 0 : i32
      %dma_wait3A_93 = tpu.memref_slice %arg7[%multiple_of3A, %dma_wait3A_92] : memref<10008x128xf32, #tpu.memory_space<vmem_shared>> -> memref<624x128xf32, #tpu.memory_space<vmem_shared>>
      tpu.wait_dma2 semaphore(%run_scoped3A : memref<!tpu.dma_semaphore, #tpu.memory_space<semaphore_mem>>) src(%arg5 : memref<624x128xf32, #tpu.memory_space<hbm>>) dst(%dma_wait3A_93 : memref<624x128xf32, #tpu.memory_space<vmem_shared>>)
      tpu.yield
    }) : () -> ()
    %eq3A = arith.constant 15 : i32
    %eq3A_3 = arith.cmpi eq, %arg1, %eq3A : i32
    %convert_element_type3A = arith.extui %eq3A_3 : i1 to i32
    %cond3A = arith.constant 0 : i32
    %cond3A_4 = arith.cmpi ne, %convert_element_type3A, %cond3A : i32
    scf.if %cond3A_4 {
      "tpu.region"() ({
        %run_scoped3A = tpu.sem_alloc : memref<!tpu.dma_semaphore, #tpu.memory_space<semaphore_mem>>
        %dma_start3A_90 = arith.constant 9984 : i32
        %dma_start3A_91 = arith.constant 0 : i32
        %dma_start3A_92 = tpu.memref_slice %arg7[%dma_start3A_90, %dma_start3A_91] : memref<10008x128xf32, #tpu.memory_space<vmem_shared>> -> memref<16x128xf32, #tpu.memory_space<vmem_shared>>
        %dma_start3A_93 = arith.constant 0 : i32
        %dma_start3A_94 = arith.constant 0 : i32
        %dma_start3A_95 = tpu.memref_slice %arg5[%dma_start3A_93, %dma_start3A_94] : memref<624x128xf32, #tpu.memory_space<hbm>> -> memref<16x128xf32, #tpu.memory_space<hbm>>
        tpu.enqueue_dma source(%dma_start3A_95 : memref<16x128xf32, #tpu.memory_space<hbm>>) target(%dma_start3A_92 : memref<16x128xf32, #tpu.memory_space<vmem_shared>>) target_semaphore(%run_scoped3A : memref<!tpu.dma_semaphore, #tpu.memory_space<semaphore_mem>>)
        %dma_wait3A_96 = arith.constant 9984 : i32
        %dma_wait3A_97 = arith.constant 0 : i32
        %dma_wait3A_98 = tpu.memref_slice %arg7[%dma_wait3A_96, %dma_wait3A_97] : memref<10008x128xf32, #tpu.memory_space<vmem_shared>> -> memref<16x128xf32, #tpu.memory_space<vmem_shared>>
        %dma_wait3A_99 = arith.constant 0 : i32
        %dma_wait3A_100 = arith.constant 0 : i32
        %dma_wait3A_101 = tpu.memref_slice %arg5[%dma_wait3A_99, %dma_wait3A_100] : memref<624x128xf32, #tpu.memory_space<hbm>> -> memref<16x128xf32, #tpu.memory_space<hbm>>
        tpu.wait_dma2 semaphore(%run_scoped3A : memref<!tpu.dma_semaphore, #tpu.memory_space<semaphore_mem>>) src(%dma_wait3A_101 : memref<16x128xf32, #tpu.memory_space<hbm>>) dst(%dma_wait3A_98 : memref<16x128xf32, #tpu.memory_space<vmem_shared>>)
        tpu.yield
      }) : () -> ()
    } else {
    }
    %barrier3A = arith.constant 0 : index
    tpu.barrier barrier_id(%barrier3A)
    %dma_start3A = arith.constant 0 : i32
    %dma_start3A_5 = arith.constant 0 : i32
    %dma_start3A_6 = tpu.memref_slice %arg3[%add3A, %dma_start3A, %dma_start3A_5] : memref<32x81x128xi32, #tpu.memory_space<hbm>> -> memref<1x1x128xi32, #tpu.memory_space<hbm>>
    %dma_start3A_7 = tpu.memref_squeeze %dma_start3A_6 : memref<1x1x128xi32, #tpu.memory_space<hbm>> -> memref<128xi32, #tpu.memory_space<hbm>>
    %dma_start3A_8 = arith.constant 0 : i32
    %dma_start3A_9 = tpu.memref_slice %arg3[%add3A, %dma_start3A, %dma_start3A_8] : memref<32x81x128xi32, #tpu.memory_space<hbm>> -> memref<1x1x128xi32, #tpu.memory_space<hbm>>
    %dma_start3A_10 = tpu.memref_squeeze %dma_start3A_9 : memref<1x1x128xi32, #tpu.memory_space<hbm>> -> memref<128xi32, #tpu.memory_space<hbm>>
    tpu.enqueue_dma source(%dma_start3A_10 : memref<128xi32, #tpu.memory_space<hbm>>) target(%arg8 : memref<128xi32, #tpu.memory_space<vmem>>) target_semaphore(%arg17 : memref<!tpu.dma_semaphore, #tpu.memory_space<semaphore_mem>>)
    %dma_start3A_11 = arith.constant 0 : i32
    %dma_start3A_12 = arith.constant 0 : i32
    %dma_start3A_13 = tpu.memref_slice %arg4[%add3A, %dma_start3A_11, %dma_start3A_12] : memref<32x81x128xi32, #tpu.memory_space<hbm>> -> memref<1x1x128xi32, #tpu.memory_space<hbm>>
    %dma_start3A_14 = tpu.memref_squeeze %dma_start3A_13 : memref<1x1x128xi32, #tpu.memory_space<hbm>> -> memref<128xi32, #tpu.memory_space<hbm>>
    %dma_start3A_15 = arith.constant 0 : i32
    %dma_start3A_16 = tpu.memref_slice %arg4[%add3A, %dma_start3A_11, %dma_start3A_15] : memref<32x81x128xi32, #tpu.memory_space<hbm>> -> memref<1x1x128xi32, #tpu.memory_space<hbm>>
    %dma_start3A_17 = tpu.memref_squeeze %dma_start3A_16 : memref<1x1x128xi32, #tpu.memory_space<hbm>> -> memref<128xi32, #tpu.memory_space<hbm>>
    tpu.enqueue_dma source(%dma_start3A_17 : memref<128xi32, #tpu.memory_space<hbm>>) target(%arg11 : memref<128xi32, #tpu.memory_space<vmem>>) target_semaphore(%arg20 : memref<!tpu.dma_semaphore, #tpu.memory_space<semaphore_mem>>)
    %dma_start3A_18 = arith.constant 1 : i32
    %dma_start3A_19 = arith.constant 0 : i32
    %dma_start3A_20 = tpu.memref_slice %arg3[%add3A, %dma_start3A_18, %dma_start3A_19] : memref<32x81x128xi32, #tpu.memory_space<hbm>> -> memref<1x1x128xi32, #tpu.memory_space<hbm>>
    %dma_start3A_21 = tpu.memref_squeeze %dma_start3A_20 : memref<1x1x128xi32, #tpu.memory_space<hbm>> -> memref<128xi32, #tpu.memory_space<hbm>>
    %dma_start3A_22 = arith.constant 0 : i32
    %dma_start3A_23 = tpu.memref_slice %arg3[%add3A, %dma_start3A_18, %dma_start3A_22] : memref<32x81x128xi32, #tpu.memory_space<hbm>> -> memref<1x1x128xi32, #tpu.memory_space<hbm>>
    %dma_start3A_24 = tpu.memref_squeeze %dma_start3A_23 : memref<1x1x128xi32, #tpu.memory_space<hbm>> -> memref<128xi32, #tpu.memory_space<hbm>>
    tpu.enqueue_dma source(%dma_start3A_24 : memref<128xi32, #tpu.memory_space<hbm>>) target(%arg9 : memref<128xi32, #tpu.memory_space<vmem>>) target_semaphore(%arg18 : memref<!tpu.dma_semaphore, #tpu.memory_space<semaphore_mem>>)
    %dma_start3A_25 = arith.constant 1 : i32
    %dma_start3A_26 = arith.constant 0 : i32
    %dma_start3A_27 = tpu.memref_slice %arg4[%add3A, %dma_start3A_25, %dma_start3A_26] : memref<32x81x128xi32, #tpu.memory_space<hbm>> -> memref<1x1x128xi32, #tpu.memory_space<hbm>>
    %dma_start3A_28 = tpu.memref_squeeze %dma_start3A_27 : memref<1x1x128xi32, #tpu.memory_space<hbm>> -> memref<128xi32, #tpu.memory_space<hbm>>
    %dma_start3A_29 = arith.constant 0 : i32
    %dma_start3A_30 = tpu.memref_slice %arg4[%add3A, %dma_start3A_25, %dma_start3A_29] : memref<32x81x128xi32, #tpu.memory_space<hbm>> -> memref<1x1x128xi32, #tpu.memory_space<hbm>>
    %dma_start3A_31 = tpu.memref_squeeze %dma_start3A_30 : memref<1x1x128xi32, #tpu.memory_space<hbm>> -> memref<128xi32, #tpu.memory_space<hbm>>
    tpu.enqueue_dma source(%dma_start3A_31 : memref<128xi32, #tpu.memory_space<hbm>>) target(%arg12 : memref<128xi32, #tpu.memory_space<vmem>>) target_semaphore(%arg21 : memref<!tpu.dma_semaphore, #tpu.memory_space<semaphore_mem>>)
    %dma_start3A_32 = arith.constant 2 : i32
    %dma_start3A_33 = arith.constant 0 : i32
    %dma_start3A_34 = tpu.memref_slice %arg3[%add3A, %dma_start3A_32, %dma_start3A_33] : memref<32x81x128xi32, #tpu.memory_space<hbm>> -> memref<1x1x128xi32, #tpu.memory_space<hbm>>
    %dma_start3A_35 = tpu.memref_squeeze %dma_start3A_34 : memref<1x1x128xi32, #tpu.memory_space<hbm>> -> memref<128xi32, #tpu.memory_space<hbm>>
    %dma_start3A_36 = arith.constant 0 : i32
    %dma_start3A_37 = tpu.memref_slice %arg3[%add3A, %dma_start3A_32, %dma_start3A_36] : memref<32x81x128xi32, #tpu.memory_space<hbm>> -> memref<1x1x128xi32, #tpu.memory_space<hbm>>
    %dma_start3A_38 = tpu.memref_squeeze %dma_start3A_37 : memref<1x1x128xi32, #tpu.memory_space<hbm>> -> memref<128xi32, #tpu.memory_space<hbm>>
    tpu.enqueue_dma source(%dma_start3A_38 : memref<128xi32, #tpu.memory_space<hbm>>) target(%arg10 : memref<128xi32, #tpu.memory_space<vmem>>) target_semaphore(%arg19 : memref<!tpu.dma_semaphore, #tpu.memory_space<semaphore_mem>>)
    %dma_start3A_39 = arith.constant 2 : i32
    %dma_start3A_40 = arith.constant 0 : i32
    %dma_start3A_41 = tpu.memref_slice %arg4[%add3A, %dma_start3A_39, %dma_start3A_40] : memref<32x81x128xi32, #tpu.memory_space<hbm>> -> memref<1x1x128xi32, #tpu.memory_space<hbm>>
    %dma_start3A_42 = tpu.memref_squeeze %dma_start3A_41 : memref<1x1x128xi32, #tpu.memory_space<hbm>> -> memref<128xi32, #tpu.memory_space<hbm>>
    %dma_start3A_43 = arith.constant 0 : i32
    %dma_start3A_44 = tpu.memref_slice %arg4[%add3A, %dma_start3A_39, %dma_start3A_43] : memref<32x81x128xi32, #tpu.memory_space<hbm>> -> memref<1x1x128xi32, #tpu.memory_space<hbm>>
    %dma_start3A_45 = tpu.memref_squeeze %dma_start3A_44 : memref<1x1x128xi32, #tpu.memory_space<hbm>> -> memref<128xi32, #tpu.memory_space<hbm>>
    tpu.enqueue_dma source(%dma_start3A_45 : memref<128xi32, #tpu.memory_space<hbm>>) target(%arg13 : memref<128xi32, #tpu.memory_space<vmem>>) target_semaphore(%arg22 : memref<!tpu.dma_semaphore, #tpu.memory_space<semaphore_mem>>)
    %dma_wait3A = arith.constant 0 : i32
    %dma_wait3A_46 = arith.constant 0 : i32
    %dma_wait3A_47 = tpu.memref_slice %arg3[%add3A, %dma_wait3A, %dma_wait3A_46] : memref<32x81x128xi32, #tpu.memory_space<hbm>> -> memref<1x1x128xi32, #tpu.memory_space<hbm>>
    %dma_wait3A_48 = tpu.memref_squeeze %dma_wait3A_47 : memref<1x1x128xi32, #tpu.memory_space<hbm>> -> memref<128xi32, #tpu.memory_space<hbm>>
    %dma_wait3A_49 = arith.constant 0 : i32
    %dma_wait3A_50 = tpu.memref_slice %arg3[%add3A, %dma_wait3A, %dma_wait3A_49] : memref<32x81x128xi32, #tpu.memory_space<hbm>> -> memref<1x1x128xi32, #tpu.memory_space<hbm>>
    %dma_wait3A_51 = tpu.memref_squeeze %dma_wait3A_50 : memref<1x1x128xi32, #tpu.memory_space<hbm>> -> memref<128xi32, #tpu.memory_space<hbm>>
    tpu.wait_dma2 semaphore(%arg17 : memref<!tpu.dma_semaphore, #tpu.memory_space<semaphore_mem>>) src(%dma_wait3A_51 : memref<128xi32, #tpu.memory_space<hbm>>) dst(%arg8 : memref<128xi32, #tpu.memory_space<vmem>>)
    %dma_wait3A_52 = arith.constant 0 : i32
    %dma_wait3A_53 = arith.constant 0 : i32
    %dma_wait3A_54 = tpu.memref_slice %arg4[%add3A, %dma_wait3A_52, %dma_wait3A_53] : memref<32x81x128xi32, #tpu.memory_space<hbm>> -> memref<1x1x128xi32, #tpu.memory_space<hbm>>
    %dma_wait3A_55 = tpu.memref_squeeze %dma_wait3A_54 : memref<1x1x128xi32, #tpu.memory_space<hbm>> -> memref<128xi32, #tpu.memory_space<hbm>>
    %dma_wait3A_56 = arith.constant 0 : i32
    %dma_wait3A_57 = tpu.memref_slice %arg4[%add3A, %dma_wait3A_52, %dma_wait3A_56] : memref<32x81x128xi32, #tpu.memory_space<hbm>> -> memref<1x1x128xi32, #tpu.memory_space<hbm>>
    %dma_wait3A_58 = tpu.memref_squeeze %dma_wait3A_57 : memref<1x1x128xi32, #tpu.memory_space<hbm>> -> memref<128xi32, #tpu.memory_space<hbm>>
    tpu.wait_dma2 semaphore(%arg20 : memref<!tpu.dma_semaphore, #tpu.memory_space<semaphore_mem>>) src(%dma_wait3A_58 : memref<128xi32, #tpu.memory_space<hbm>>) dst(%arg11 : memref<128xi32, #tpu.memory_space<vmem>>)
    %dma_start3A_59 = arith.constant 0 : i32
    %dma_start3A_60 = arith.constant 0 : i32
    %dma_start3A_61 = tpu.memref_slice %arg2[%dma_start3A_59, %dma_start3A_60] : memref<10000x128xf32, #tpu.memory_space<hbm>> -> memref<10000x128xf32, #tpu.memory_space<hbm>>
    tpu.enqueue_indirect_dma source(%dma_start3A_61 : memref<10000x128xf32, #tpu.memory_space<hbm>>) target(%arg14 : memref<128x128xf32, #tpu.memory_space<vmem>>) offsets(%arg8 : memref<128xi32, #tpu.memory_space<vmem>>) semaphore(%arg23 : memref<!tpu.dma_semaphore, #tpu.memory_space<semaphore_mem>>)
    %dma_wait3A_62 = arith.constant 1 : i32
    %dma_wait3A_63 = arith.constant 0 : i32
    %dma_wait3A_64 = tpu.memref_slice %arg3[%add3A, %dma_wait3A_62, %dma_wait3A_63] : memref<32x81x128xi32, #tpu.memory_space<hbm>> -> memref<1x1x128xi32, #tpu.memory_space<hbm>>
    %dma_wait3A_65 = tpu.memref_squeeze %dma_wait3A_64 : memref<1x1x128xi32, #tpu.memory_space<hbm>> -> memref<128xi32, #tpu.memory_space<hbm>>
    %dma_wait3A_66 = arith.constant 0 : i32
    %dma_wait3A_67 = tpu.memref_slice %arg3[%add3A, %dma_wait3A_62, %dma_wait3A_66] : memref<32x81x128xi32, #tpu.memory_space<hbm>> -> memref<1x1x128xi32, #tpu.memory_space<hbm>>
    %dma_wait3A_68 = tpu.memref_squeeze %dma_wait3A_67 : memref<1x1x128xi32, #tpu.memory_space<hbm>> -> memref<128xi32, #tpu.memory_space<hbm>>
    tpu.wait_dma2 semaphore(%arg18 : memref<!tpu.dma_semaphore, #tpu.memory_space<semaphore_mem>>) src(%dma_wait3A_68 : memref<128xi32, #tpu.memory_space<hbm>>) dst(%arg9 : memref<128xi32, #tpu.memory_space<vmem>>)
    %dma_wait3A_69 = arith.constant 1 : i32
    %dma_wait3A_70 = arith.constant 0 : i32
    %dma_wait3A_71 = tpu.memref_slice %arg4[%add3A, %dma_wait3A_69, %dma_wait3A_70] : memref<32x81x128xi32, #tpu.memory_space<hbm>> -> memref<1x1x128xi32, #tpu.memory_space<hbm>>
    %dma_wait3A_72 = tpu.memref_squeeze %dma_wait3A_71 : memref<1x1x128xi32, #tpu.memory_space<hbm>> -> memref<128xi32, #tpu.memory_space<hbm>>
    %dma_wait3A_73 = arith.constant 0 : i32
    %dma_wait3A_74 = tpu.memref_slice %arg4[%add3A, %dma_wait3A_69, %dma_wait3A_73] : memref<32x81x128xi32, #tpu.memory_space<hbm>> -> memref<1x1x128xi32, #tpu.memory_space<hbm>>
    %dma_wait3A_75 = tpu.memref_squeeze %dma_wait3A_74 : memref<1x1x128xi32, #tpu.memory_space<hbm>> -> memref<128xi32, #tpu.memory_space<hbm>>
    tpu.wait_dma2 semaphore(%arg21 : memref<!tpu.dma_semaphore, #tpu.memory_space<semaphore_mem>>) src(%dma_wait3A_75 : memref<128xi32, #tpu.memory_space<hbm>>) dst(%arg12 : memref<128xi32, #tpu.memory_space<vmem>>)
    %dma_start3A_76 = arith.constant 0 : i32
    %dma_start3A_77 = arith.constant 0 : i32
    %dma_start3A_78 = tpu.memref_slice %arg2[%dma_start3A_76, %dma_start3A_77] : memref<10000x128xf32, #tpu.memory_space<hbm>> -> memref<10000x128xf32, #tpu.memory_space<hbm>>
    tpu.enqueue_indirect_dma source(%dma_start3A_78 : memref<10000x128xf32, #tpu.memory_space<hbm>>) target(%arg15 : memref<128x128xf32, #tpu.memory_space<vmem>>) offsets(%arg9 : memref<128xi32, #tpu.memory_space<vmem>>) semaphore(%arg24 : memref<!tpu.dma_semaphore, #tpu.memory_space<semaphore_mem>>)
    %scan3A = arith.constant 0 : i32
    %scan3A_79 = arith.constant 0 : i32
    %scan3A_80 = arith.constant 27 : i32
    %scan3A_81 = arith.addi %scan3A_79, %scan3A_80 : i32
    %scan3A_82 = arith.constant 1 : i32
    scf.for %scan3A_90 = %scan3A_79 to %scan3A_81 step %scan3A_82  : i32 {
      %mul3A_91 = arith.constant 3 : i32
      %mul3A_92 = arith.muli %scan3A_90, %mul3A_91 : i32
      %add3A_93 = arith.constant 0 : i32
      %add3A_94 = arith.addi %mul3A_92, %add3A_93 : i32
      %add3A_95 = arith.constant 2 : i32
      %add3A_96 = arith.addi %add3A_94, %add3A_95 : i32
      %lt3A = arith.constant 81 : i32
      %lt3A_97 = arith.cmpi slt, %add3A_96, %lt3A : i32
      %convert_element_type3A_98 = arith.extui %lt3A_97 : i1 to i32
      %cond3A_99 = arith.constant 0 : i32
      %cond3A_100 = arith.cmpi ne, %convert_element_type3A_98, %cond3A_99 : i32
      scf.if %cond3A_100 {
        %add3A_153 = arith.constant 2 : i32
        %add3A_154 = arith.addi %add3A_94, %add3A_153 : i32
        %dma_wait3A_155 = arith.constant 0 : i32
        %dma_wait3A_156 = tpu.memref_slice %arg3[%add3A, %add3A_154, %dma_wait3A_155] : memref<32x81x128xi32, #tpu.memory_space<hbm>> -> memref<1x1x128xi32, #tpu.memory_space<hbm>>
        %dma_wait3A_157 = tpu.memref_squeeze %dma_wait3A_156 : memref<1x1x128xi32, #tpu.memory_space<hbm>> -> memref<128xi32, #tpu.memory_space<hbm>>
        %dma_wait3A_158 = arith.constant 0 : i32
        %dma_wait3A_159 = tpu.memref_slice %arg3[%add3A, %add3A_154, %dma_wait3A_158] : memref<32x81x128xi32, #tpu.memory_space<hbm>> -> memref<1x1x128xi32, #tpu.memory_space<hbm>>
        %dma_wait3A_160 = tpu.memref_squeeze %dma_wait3A_159 : memref<1x1x128xi32, #tpu.memory_space<hbm>> -> memref<128xi32, #tpu.memory_space<hbm>>
        tpu.wait_dma2 semaphore(%arg19 : memref<!tpu.dma_semaphore, #tpu.memory_space<semaphore_mem>>) src(%dma_wait3A_160 : memref<128xi32, #tpu.memory_space<hbm>>) dst(%arg10 : memref<128xi32, #tpu.memory_space<vmem>>)
        %dma_wait3A_161 = arith.constant 0 : i32
        %dma_wait3A_162 = tpu.memref_slice %arg4[%add3A, %add3A_154, %dma_wait3A_161] : memref<32x81x128xi32, #tpu.memory_space<hbm>> -> memref<1x1x128xi32, #tpu.memory_space<hbm>>
        %dma_wait3A_163 = tpu.memref_squeeze %dma_wait3A_162 : memref<1x1x128xi32, #tpu.memory_space<hbm>> -> memref<128xi32, #tpu.memory_space<hbm>>
        %dma_wait3A_164 = arith.constant 0 : i32
        %dma_wait3A_165 = tpu.memref_slice %arg4[%add3A, %add3A_154, %dma_wait3A_164] : memref<32x81x128xi32, #tpu.memory_space<hbm>> -> memref<1x1x128xi32, #tpu.memory_space<hbm>>
        %dma_wait3A_166 = tpu.memref_squeeze %dma_wait3A_165 : memref<1x1x128xi32, #tpu.memory_space<hbm>> -> memref<128xi32, #tpu.memory_space<hbm>>
        tpu.wait_dma2 semaphore(%arg22 : memref<!tpu.dma_semaphore, #tpu.memory_space<semaphore_mem>>) src(%dma_wait3A_166 : memref<128xi32, #tpu.memory_space<hbm>>) dst(%arg13 : memref<128xi32, #tpu.memory_space<vmem>>)
        %dma_start3A_167 = arith.constant 0 : i32
        %dma_start3A_168 = arith.constant 0 : i32
        %dma_start3A_169 = tpu.memref_slice %arg2[%dma_start3A_167, %dma_start3A_168] : memref<10000x128xf32, #tpu.memory_space<hbm>> -> memref<10000x128xf32, #tpu.memory_space<hbm>>
        tpu.enqueue_indirect_dma source(%dma_start3A_169 : memref<10000x128xf32, #tpu.memory_space<hbm>>) target(%arg16 : memref<128x128xf32, #tpu.memory_space<vmem>>) offsets(%arg10 : memref<128xi32, #tpu.memory_space<vmem>>) semaphore(%arg25 : memref<!tpu.dma_semaphore, #tpu.memory_space<semaphore_mem>>)
      } else {
      }
      %dma_wait3A_101 = arith.constant 0 : i32
      %dma_wait3A_102 = arith.constant 0 : i32
      %dma_wait3A_103 = tpu.memref_slice %arg2[%dma_wait3A_101, %dma_wait3A_102] : memref<10000x128xf32, #tpu.memory_space<hbm>> -> memref<10000x128xf32, #tpu.memory_space<hbm>>
      tpu.wait_indirect_dma semaphore(%arg23 : memref<!tpu.dma_semaphore, #tpu.memory_space<semaphore_mem>>) src(%dma_wait3A_103 : memref<10000x128xf32, #tpu.memory_space<hbm>>) dst(%arg14 : memref<128x128xf32, #tpu.memory_space<vmem>>)
      "tpu.region"() ({
        %run_scoped3A = tpu.sem_alloc : memref<!tpu.dma_semaphore, #tpu.memory_space<semaphore_mem>>
        %dma_start3A_153 = arith.constant 0 : i32
        %dma_start3A_154 = arith.constant 0 : i32
        %dma_start3A_155 = tpu.memref_slice %arg7[%dma_start3A_153, %dma_start3A_154] : memref<10008x128xf32, #tpu.memory_space<vmem_shared>> -> memref<10008x128xf32, #tpu.memory_space<vmem_shared>>
        tpu.enqueue_indirect_dma source(%arg14 : memref<128x128xf32, #tpu.memory_space<vmem>>) target(%dma_start3A_155 : memref<10008x128xf32, #tpu.memory_space<vmem_shared>>) offsets(%arg11 : memref<128xi32, #tpu.memory_space<vmem>>) semaphore(%run_scoped3A : memref<!tpu.dma_semaphore, #tpu.memory_space<semaphore_mem>>) {add = true}
        %dma_wait3A_156 = arith.constant 0 : i32
        %dma_wait3A_157 = arith.constant 0 : i32
        %dma_wait3A_158 = tpu.memref_slice %arg7[%dma_wait3A_156, %dma_wait3A_157] : memref<10008x128xf32, #tpu.memory_space<vmem_shared>> -> memref<10008x128xf32, #tpu.memory_space<vmem_shared>>
        tpu.wait_indirect_dma semaphore(%run_scoped3A : memref<!tpu.dma_semaphore, #tpu.memory_space<semaphore_mem>>) src(%arg14 : memref<128x128xf32, #tpu.memory_space<vmem>>) dst(%dma_wait3A_158 : memref<10008x128xf32, #tpu.memory_space<vmem_shared>>)
        tpu.yield
      }) : () -> ()
      %add3A_104 = arith.constant 3 : i32
      %add3A_105 = arith.addi %add3A_94, %add3A_104 : i32
      %lt3A_106 = arith.constant 81 : i32
      %lt3A_107 = arith.cmpi slt, %add3A_105, %lt3A_106 : i32
      %convert_element_type3A_108 = arith.extui %lt3A_107 : i1 to i32
      %cond3A_109 = arith.constant 0 : i32
      %cond3A_110 = arith.cmpi ne, %convert_element_type3A_108, %cond3A_109 : i32
      scf.if %cond3A_110 {
        %add3A_153 = arith.constant 3 : i32
        %add3A_154 = arith.addi %add3A_94, %add3A_153 : i32
        %dma_start3A_155 = arith.constant 0 : i32
        %dma_start3A_156 = tpu.memref_slice %arg3[%add3A, %add3A_154, %dma_start3A_155] : memref<32x81x128xi32, #tpu.memory_space<hbm>> -> memref<1x1x128xi32, #tpu.memory_space<hbm>>
        %dma_start3A_157 = tpu.memref_squeeze %dma_start3A_156 : memref<1x1x128xi32, #tpu.memory_space<hbm>> -> memref<128xi32, #tpu.memory_space<hbm>>
        %dma_start3A_158 = arith.constant 0 : i32
        %dma_start3A_159 = tpu.memref_slice %arg3[%add3A, %add3A_154, %dma_start3A_158] : memref<32x81x128xi32, #tpu.memory_space<hbm>> -> memref<1x1x128xi32, #tpu.memory_space<hbm>>
        %dma_start3A_160 = tpu.memref_squeeze %dma_start3A_159 : memref<1x1x128xi32, #tpu.memory_space<hbm>> -> memref<128xi32, #tpu.memory_space<hbm>>
        tpu.enqueue_dma source(%dma_start3A_160 : memref<128xi32, #tpu.memory_space<hbm>>) target(%arg8 : memref<128xi32, #tpu.memory_space<vmem>>) target_semaphore(%arg17 : memref<!tpu.dma_semaphore, #tpu.memory_space<semaphore_mem>>)
        %dma_start3A_161 = arith.constant 0 : i32
        %dma_start3A_162 = tpu.memref_slice %arg4[%add3A, %add3A_154, %dma_start3A_161] : memref<32x81x128xi32, #tpu.memory_space<hbm>> -> memref<1x1x128xi32, #tpu.memory_space<hbm>>
        %dma_start3A_163 = tpu.memref_squeeze %dma_start3A_162 : memref<1x1x128xi32, #tpu.memory_space<hbm>> -> memref<128xi32, #tpu.memory_space<hbm>>
        %dma_start3A_164 = arith.constant 0 : i32
        %dma_start3A_165 = tpu.memref_slice %arg4[%add3A, %add3A_154, %dma_start3A_164] : memref<32x81x128xi32, #tpu.memory_space<hbm>> -> memref<1x1x128xi32, #tpu.memory_space<hbm>>
        %dma_start3A_166 = tpu.memref_squeeze %dma_start3A_165 : memref<1x1x128xi32, #tpu.memory_space<hbm>> -> memref<128xi32, #tpu.memory_space<hbm>>
        tpu.enqueue_dma source(%dma_start3A_166 : memref<128xi32, #tpu.memory_space<hbm>>) target(%arg11 : memref<128xi32, #tpu.memory_space<vmem>>) target_semaphore(%arg20 : memref<!tpu.dma_semaphore, #tpu.memory_space<semaphore_mem>>)
      } else {
      }
      %mul3A_111 = arith.constant 3 : i32
      %mul3A_112 = arith.muli %scan3A_90, %mul3A_111 : i32
      %add3A_113 = arith.constant 1 : i32
      %add3A_114 = arith.addi %mul3A_112, %add3A_113 : i32
      %add3A_115 = arith.constant 2 : i32
      %add3A_116 = arith.addi %add3A_114, %add3A_115 : i32
      %lt3A_117 = arith.constant 81 : i32
      %lt3A_118 = arith.cmpi slt, %add3A_116, %lt3A_117 : i32
      %convert_element_type3A_119 = arith.extui %lt3A_118 : i1 to i32
      %cond3A_120 = arith.constant 0 : i32
      %cond3A_121 = arith.cmpi ne, %convert_element_type3A_119, %cond3A_120 : i32
      scf.if %cond3A_121 {
        %add3A_153 = arith.constant 2 : i32
        %add3A_154 = arith.addi %add3A_114, %add3A_153 : i32
        %dma_wait3A_155 = arith.constant 0 : i32
        %dma_wait3A_156 = tpu.memref_slice %arg3[%add3A, %add3A_154, %dma_wait3A_155] : memref<32x81x128xi32, #tpu.memory_space<hbm>> -> memref<1x1x128xi32, #tpu.memory_space<hbm>>
        %dma_wait3A_157 = tpu.memref_squeeze %dma_wait3A_156 : memref<1x1x128xi32, #tpu.memory_space<hbm>> -> memref<128xi32, #tpu.memory_space<hbm>>
        %dma_wait3A_158 = arith.constant 0 : i32
        %dma_wait3A_159 = tpu.memref_slice %arg3[%add3A, %add3A_154, %dma_wait3A_158] : memref<32x81x128xi32, #tpu.memory_space<hbm>> -> memref<1x1x128xi32, #tpu.memory_space<hbm>>
        %dma_wait3A_160 = tpu.memref_squeeze %dma_wait3A_159 : memref<1x1x128xi32, #tpu.memory_space<hbm>> -> memref<128xi32, #tpu.memory_space<hbm>>
        tpu.wait_dma2 semaphore(%arg17 : memref<!tpu.dma_semaphore, #tpu.memory_space<semaphore_mem>>) src(%dma_wait3A_160 : memref<128xi32, #tpu.memory_space<hbm>>) dst(%arg8 : memref<128xi32, #tpu.memory_space<vmem>>)
        %dma_wait3A_161 = arith.constant 0 : i32
        %dma_wait3A_162 = tpu.memref_slice %arg4[%add3A, %add3A_154, %dma_wait3A_161] : memref<32x81x128xi32, #tpu.memory_space<hbm>> -> memref<1x1x128xi32, #tpu.memory_space<hbm>>
        %dma_wait3A_163 = tpu.memref_squeeze %dma_wait3A_162 : memref<1x1x128xi32, #tpu.memory_space<hbm>> -> memref<128xi32, #tpu.memory_space<hbm>>
        %dma_wait3A_164 = arith.constant 0 : i32
        %dma_wait3A_165 = tpu.memref_slice %arg4[%add3A, %add3A_154, %dma_wait3A_164] : memref<32x81x128xi32, #tpu.memory_space<hbm>> -> memref<1x1x128xi32, #tpu.memory_space<hbm>>
        %dma_wait3A_166 = tpu.memref_squeeze %dma_wait3A_165 : memref<1x1x128xi32, #tpu.memory_space<hbm>> -> memref<128xi32, #tpu.memory_space<hbm>>
        tpu.wait_dma2 semaphore(%arg20 : memref<!tpu.dma_semaphore, #tpu.memory_space<semaphore_mem>>) src(%dma_wait3A_166 : memref<128xi32, #tpu.memory_space<hbm>>) dst(%arg11 : memref<128xi32, #tpu.memory_space<vmem>>)
        %dma_start3A_167 = arith.constant 0 : i32
        %dma_start3A_168 = arith.constant 0 : i32
        %dma_start3A_169 = tpu.memref_slice %arg2[%dma_start3A_167, %dma_start3A_168] : memref<10000x128xf32, #tpu.memory_space<hbm>> -> memref<10000x128xf32, #tpu.memory_space<hbm>>
        tpu.enqueue_indirect_dma source(%dma_start3A_169 : memref<10000x128xf32, #tpu.memory_space<hbm>>) target(%arg14 : memref<128x128xf32, #tpu.memory_space<vmem>>) offsets(%arg8 : memref<128xi32, #tpu.memory_space<vmem>>) semaphore(%arg23 : memref<!tpu.dma_semaphore, #tpu.memory_space<semaphore_mem>>)
      } else {
      }
      %dma_wait3A_122 = arith.constant 0 : i32
      %dma_wait3A_123 = arith.constant 0 : i32
      %dma_wait3A_124 = tpu.memref_slice %arg2[%dma_wait3A_122, %dma_wait3A_123] : memref<10000x128xf32, #tpu.memory_space<hbm>> -> memref<10000x128xf32, #tpu.memory_space<hbm>>
      tpu.wait_indirect_dma semaphore(%arg24 : memref<!tpu.dma_semaphore, #tpu.memory_space<semaphore_mem>>) src(%dma_wait3A_124 : memref<10000x128xf32, #tpu.memory_space<hbm>>) dst(%arg15 : memref<128x128xf32, #tpu.memory_space<vmem>>)
      "tpu.region"() ({
        %run_scoped3A = tpu.sem_alloc : memref<!tpu.dma_semaphore, #tpu.memory_space<semaphore_mem>>
        %dma_start3A_153 = arith.constant 0 : i32
        %dma_start3A_154 = arith.constant 0 : i32
        %dma_start3A_155 = tpu.memref_slice %arg7[%dma_start3A_153, %dma_start3A_154] : memref<10008x128xf32, #tpu.memory_space<vmem_shared>> -> memref<10008x128xf32, #tpu.memory_space<vmem_shared>>
        tpu.enqueue_indirect_dma source(%arg15 : memref<128x128xf32, #tpu.memory_space<vmem>>) target(%dma_start3A_155 : memref<10008x128xf32, #tpu.memory_space<vmem_shared>>) offsets(%arg12 : memref<128xi32, #tpu.memory_space<vmem>>) semaphore(%run_scoped3A : memref<!tpu.dma_semaphore, #tpu.memory_space<semaphore_mem>>) {add = true}
        %dma_wait3A_156 = arith.constant 0 : i32
        %dma_wait3A_157 = arith.constant 0 : i32
        %dma_wait3A_158 = tpu.memref_slice %arg7[%dma_wait3A_156, %dma_wait3A_157] : memref<10008x128xf32, #tpu.memory_space<vmem_shared>> -> memref<10008x128xf32, #tpu.memory_space<vmem_shared>>
        tpu.wait_indirect_dma semaphore(%run_scoped3A : memref<!tpu.dma_semaphore, #tpu.memory_space<semaphore_mem>>) src(%arg15 : memref<128x128xf32, #tpu.memory_space<vmem>>) dst(%dma_wait3A_158 : memref<10008x128xf32, #tpu.memory_space<vmem_shared>>)
        tpu.yield
      }) : () -> ()
      %add3A_125 = arith.constant 3 : i32
      %add3A_126 = arith.addi %add3A_114, %add3A_125 : i32
      %lt3A_127 = arith.constant 81 : i32
      %lt3A_128 = arith.cmpi slt, %add3A_126, %lt3A_127 : i32
      %convert_element_type3A_129 = arith.extui %lt3A_128 : i1 to i32
      %cond3A_130 = arith.constant 0 : i32
      %cond3A_131 = arith.cmpi ne, %convert_element_type3A_129, %cond3A_130 : i32
      scf.if %cond3A_131 {
        %add3A_153 = arith.constant 3 : i32
        %add3A_154 = arith.addi %add3A_114, %add3A_153 : i32
        %dma_start3A_155 = arith.constant 0 : i32
        %dma_start3A_156 = tpu.memref_slice %arg3[%add3A, %add3A_154, %dma_start3A_155] : memref<32x81x128xi32, #tpu.memory_space<hbm>> -> memref<1x1x128xi32, #tpu.memory_space<hbm>>
        %dma_start3A_157 = tpu.memref_squeeze %dma_start3A_156 : memref<1x1x128xi32, #tpu.memory_space<hbm>> -> memref<128xi32, #tpu.memory_space<hbm>>
        %dma_start3A_158 = arith.constant 0 : i32
        %dma_start3A_159 = tpu.memref_slice %arg3[%add3A, %add3A_154, %dma_start3A_158] : memref<32x81x128xi32, #tpu.memory_space<hbm>> -> memref<1x1x128xi32, #tpu.memory_space<hbm>>
        %dma_start3A_160 = tpu.memref_squeeze %dma_start3A_159 : memref<1x1x128xi32, #tpu.memory_space<hbm>> -> memref<128xi32, #tpu.memory_space<hbm>>
        tpu.enqueue_dma source(%dma_start3A_160 : memref<128xi32, #tpu.memory_space<hbm>>) target(%arg9 : memref<128xi32, #tpu.memory_space<vmem>>) target_semaphore(%arg18 : memref<!tpu.dma_semaphore, #tpu.memory_space<semaphore_mem>>)
        %dma_start3A_161 = arith.constant 0 : i32
        %dma_start3A_162 = tpu.memref_slice %arg4[%add3A, %add3A_154, %dma_start3A_161] : memref<32x81x128xi32, #tpu.memory_space<hbm>> -> memref<1x1x128xi32, #tpu.memory_space<hbm>>
        %dma_start3A_163 = tpu.memref_squeeze %dma_start3A_162 : memref<1x1x128xi32, #tpu.memory_space<hbm>> -> memref<128xi32, #tpu.memory_space<hbm>>
        %dma_start3A_164 = arith.constant 0 : i32
        %dma_start3A_165 = tpu.memref_slice %arg4[%add3A, %add3A_154, %dma_start3A_164] : memref<32x81x128xi32, #tpu.memory_space<hbm>> -> memref<1x1x128xi32, #tpu.memory_space<hbm>>
        %dma_start3A_166 = tpu.memref_squeeze %dma_start3A_165 : memref<1x1x128xi32, #tpu.memory_space<hbm>> -> memref<128xi32, #tpu.memory_space<hbm>>
        tpu.enqueue_dma source(%dma_start3A_166 : memref<128xi32, #tpu.memory_space<hbm>>) target(%arg12 : memref<128xi32, #tpu.memory_space<vmem>>) target_semaphore(%arg21 : memref<!tpu.dma_semaphore, #tpu.memory_space<semaphore_mem>>)
      } else {
      }
      %mul3A_132 = arith.constant 3 : i32
      %mul3A_133 = arith.muli %scan3A_90, %mul3A_132 : i32
      %add3A_134 = arith.constant 2 : i32
      %add3A_135 = arith.addi %mul3A_133, %add3A_134 : i32
      %add3A_136 = arith.constant 2 : i32
      %add3A_137 = arith.addi %add3A_135, %add3A_136 : i32
      %lt3A_138 = arith.constant 81 : i32
      %lt3A_139 = arith.cmpi slt, %add3A_137, %lt3A_138 : i32
      %convert_element_type3A_140 = arith.extui %lt3A_139 : i1 to i32
      %cond3A_141 = arith.constant 0 : i32
      %cond3A_142 = arith.cmpi ne, %convert_element_type3A_140, %cond3A_141 : i32
      scf.if %cond3A_142 {
        %add3A_153 = arith.constant 2 : i32
        %add3A_154 = arith.addi %add3A_135, %add3A_153 : i32
        %dma_wait3A_155 = arith.constant 0 : i32
        %dma_wait3A_156 = tpu.memref_slice %arg3[%add3A, %add3A_154, %dma_wait3A_155] : memref<32x81x128xi32, #tpu.memory_space<hbm>> -> memref<1x1x128xi32, #tpu.memory_space<hbm>>
        %dma_wait3A_157 = tpu.memref_squeeze %dma_wait3A_156 : memref<1x1x128xi32, #tpu.memory_space<hbm>> -> memref<128xi32, #tpu.memory_space<hbm>>
        %dma_wait3A_158 = arith.constant 0 : i32
        %dma_wait3A_159 = tpu.memref_slice %arg3[%add3A, %add3A_154, %dma_wait3A_158] : memref<32x81x128xi32, #tpu.memory_space<hbm>> -> memref<1x1x128xi32, #tpu.memory_space<hbm>>
        %dma_wait3A_160 = tpu.memref_squeeze %dma_wait3A_159 : memref<1x1x128xi32, #tpu.memory_space<hbm>> -> memref<128xi32, #tpu.memory_space<hbm>>
        tpu.wait_dma2 semaphore(%arg18 : memref<!tpu.dma_semaphore, #tpu.memory_space<semaphore_mem>>) src(%dma_wait3A_160 : memref<128xi32, #tpu.memory_space<hbm>>) dst(%arg9 : memref<128xi32, #tpu.memory_space<vmem>>)
        %dma_wait3A_161 = arith.constant 0 : i32
        %dma_wait3A_162 = tpu.memref_slice %arg4[%add3A, %add3A_154, %dma_wait3A_161] : memref<32x81x128xi32, #tpu.memory_space<hbm>> -> memref<1x1x128xi32, #tpu.memory_space<hbm>>
        %dma_wait3A_163 = tpu.memref_squeeze %dma_wait3A_162 : memref<1x1x128xi32, #tpu.memory_space<hbm>> -> memref<128xi32, #tpu.memory_space<hbm>>
        %dma_wait3A_164 = arith.constant 0 : i32
        %dma_wait3A_165 = tpu.memref_slice %arg4[%add3A, %add3A_154, %dma_wait3A_164] : memref<32x81x128xi32, #tpu.memory_space<hbm>> -> memref<1x1x128xi32, #tpu.memory_space<hbm>>
        %dma_wait3A_166 = tpu.memref_squeeze %dma_wait3A_165 : memref<1x1x128xi32, #tpu.memory_space<hbm>> -> memref<128xi32, #tpu.memory_space<hbm>>
        tpu.wait_dma2 semaphore(%arg21 : memref<!tpu.dma_semaphore, #tpu.memory_space<semaphore_mem>>) src(%dma_wait3A_166 : memref<128xi32, #tpu.memory_space<hbm>>) dst(%arg12 : memref<128xi32, #tpu.memory_space<vmem>>)
        %dma_start3A_167 = arith.constant 0 : i32
        %dma_start3A_168 = arith.constant 0 : i32
        %dma_start3A_169 = tpu.memref_slice %arg2[%dma_start3A_167, %dma_start3A_168] : memref<10000x128xf32, #tpu.memory_space<hbm>> -> memref<10000x128xf32, #tpu.memory_space<hbm>>
        tpu.enqueue_indirect_dma source(%dma_start3A_169 : memref<10000x128xf32, #tpu.memory_space<hbm>>) target(%arg15 : memref<128x128xf32, #tpu.memory_space<vmem>>) offsets(%arg9 : memref<128xi32, #tpu.memory_space<vmem>>) semaphore(%arg24 : memref<!tpu.dma_semaphore, #tpu.memory_space<semaphore_mem>>)
      } else {
      }
      %dma_wait3A_143 = arith.constant 0 : i32
      %dma_wait3A_144 = arith.constant 0 : i32
      %dma_wait3A_145 = tpu.memref_slice %arg2[%dma_wait3A_143, %dma_wait3A_144] : memref<10000x128xf32, #tpu.memory_space<hbm>> -> memref<10000x128xf32, #tpu.memory_space<hbm>>
      tpu.wait_indirect_dma semaphore(%arg25 : memref<!tpu.dma_semaphore, #tpu.memory_space<semaphore_mem>>) src(%dma_wait3A_145 : memref<10000x128xf32, #tpu.memory_space<hbm>>) dst(%arg16 : memref<128x128xf32, #tpu.memory_space<vmem>>)
      "tpu.region"() ({
        %run_scoped3A = tpu.sem_alloc : memref<!tpu.dma_semaphore, #tpu.memory_space<semaphore_mem>>
        %dma_start3A_153 = arith.constant 0 : i32
        %dma_start3A_154 = arith.constant 0 : i32
        %dma_start3A_155 = tpu.memref_slice %arg7[%dma_start3A_153, %dma_start3A_154] : memref<10008x128xf32, #tpu.memory_space<vmem_shared>> -> memref<10008x128xf32, #tpu.memory_space<vmem_shared>>
        tpu.enqueue_indirect_dma source(%arg16 : memref<128x128xf32, #tpu.memory_space<vmem>>) target(%dma_start3A_155 : memref<10008x128xf32, #tpu.memory_space<vmem_shared>>) offsets(%arg13 : memref<128xi32, #tpu.memory_space<vmem>>) semaphore(%run_scoped3A : memref<!tpu.dma_semaphore, #tpu.memory_space<semaphore_mem>>) {add = true}
        %dma_wait3A_156 = arith.constant 0 : i32
        %dma_wait3A_157 = arith.constant 0 : i32
        %dma_wait3A_158 = tpu.memref_slice %arg7[%dma_wait3A_156, %dma_wait3A_157] : memref<10008x128xf32, #tpu.memory_space<vmem_shared>> -> memref<10008x128xf32, #tpu.memory_space<vmem_shared>>
        tpu.wait_indirect_dma semaphore(%run_scoped3A : memref<!tpu.dma_semaphore, #tpu.memory_space<semaphore_mem>>) src(%arg16 : memref<128x128xf32, #tpu.memory_space<vmem>>) dst(%dma_wait3A_158 : memref<10008x128xf32, #tpu.memory_space<vmem_shared>>)
        tpu.yield
      }) : () -> ()
      %add3A_146 = arith.constant 3 : i32
      %add3A_147 = arith.addi %add3A_135, %add3A_146 : i32
      %lt3A_148 = arith.constant 81 : i32
      %lt3A_149 = arith.cmpi slt, %add3A_147, %lt3A_148 : i32
      %convert_element_type3A_150 = arith.extui %lt3A_149 : i1 to i32
      %cond3A_151 = arith.constant 0 : i32
      %cond3A_152 = arith.cmpi ne, %convert_element_type3A_150, %cond3A_151 : i32
      scf.if %cond3A_152 {
        %add3A_153 = arith.constant 3 : i32
        %add3A_154 = arith.addi %add3A_135, %add3A_153 : i32
        %dma_start3A_155 = arith.constant 0 : i32
        %dma_start3A_156 = tpu.memref_slice %arg3[%add3A, %add3A_154, %dma_start3A_155] : memref<32x81x128xi32, #tpu.memory_space<hbm>> -> memref<1x1x128xi32, #tpu.memory_space<hbm>>
        %dma_start3A_157 = tpu.memref_squeeze %dma_start3A_156 : memref<1x1x128xi32, #tpu.memory_space<hbm>> -> memref<128xi32, #tpu.memory_space<hbm>>
        %dma_start3A_158 = arith.constant 0 : i32
        %dma_start3A_159 = tpu.memref_slice %arg3[%add3A, %add3A_154, %dma_start3A_158] : memref<32x81x128xi32, #tpu.memory_space<hbm>> -> memref<1x1x128xi32, #tpu.memory_space<hbm>>
        %dma_start3A_160 = tpu.memref_squeeze %dma_start3A_159 : memref<1x1x128xi32, #tpu.memory_space<hbm>> -> memref<128xi32, #tpu.memory_space<hbm>>
        tpu.enqueue_dma source(%dma_start3A_160 : memref<128xi32, #tpu.memory_space<hbm>>) target(%arg10 : memref<128xi32, #tpu.memory_space<vmem>>) target_semaphore(%arg19 : memref<!tpu.dma_semaphore, #tpu.memory_space<semaphore_mem>>)
        %dma_start3A_161 = arith.constant 0 : i32
        %dma_start3A_162 = tpu.memref_slice %arg4[%add3A, %add3A_154, %dma_start3A_161] : memref<32x81x128xi32, #tpu.memory_space<hbm>> -> memref<1x1x128xi32, #tpu.memory_space<hbm>>
        %dma_start3A_163 = tpu.memref_squeeze %dma_start3A_162 : memref<1x1x128xi32, #tpu.memory_space<hbm>> -> memref<128xi32, #tpu.memory_space<hbm>>
        %dma_start3A_164 = arith.constant 0 : i32
        %dma_start3A_165 = tpu.memref_slice %arg4[%add3A, %add3A_154, %dma_start3A_164] : memref<32x81x128xi32, #tpu.memory_space<hbm>> -> memref<1x1x128xi32, #tpu.memory_space<hbm>>
        %dma_start3A_166 = tpu.memref_squeeze %dma_start3A_165 : memref<1x1x128xi32, #tpu.memory_space<hbm>> -> memref<128xi32, #tpu.memory_space<hbm>>
        tpu.enqueue_dma source(%dma_start3A_166 : memref<128xi32, #tpu.memory_space<hbm>>) target(%arg13 : memref<128xi32, #tpu.memory_space<vmem>>) target_semaphore(%arg22 : memref<!tpu.dma_semaphore, #tpu.memory_space<semaphore_mem>>)
      } else {
      }
    }
    %scan3A_83 = arith.constant 27 : i32
    %barrier3A_84 = arith.constant 0 : index
    tpu.barrier barrier_id(%barrier3A_84)
    "tpu.region"() ({
      %run_scoped3A = tpu.sem_alloc : memref<!tpu.dma_semaphore, #tpu.memory_space<semaphore_mem>>
      %dma_start3A_90 = arith.constant 0 : i32
      %dma_start3A_91 = tpu.memref_slice %arg6[%arg0, %multiple_of3A, %dma_start3A_90] : memref<2x10000x128xf32, #tpu.memory_space<hbm>> -> memref<1x624x128xf32, #tpu.memory_space<hbm>>
      %dma_start3A_92 = tpu.memref_squeeze %dma_start3A_91 : memref<1x624x128xf32, #tpu.memory_space<hbm>> -> memref<624x128xf32, #tpu.memory_space<hbm>>
      %dma_start3A_93 = arith.constant 0 : i32
      %dma_start3A_94 = tpu.memref_slice %arg7[%multiple_of3A, %dma_start3A_93] : memref<10008x128xf32, #tpu.memory_space<vmem_shared>> -> memref<624x128xf32, #tpu.memory_space<vmem_shared>>
      tpu.enqueue_dma source(%dma_start3A_94 : memref<624x128xf32, #tpu.memory_space<vmem_shared>>) target(%dma_start3A_92 : memref<624x128xf32, #tpu.memory_space<hbm>>) target_semaphore(%run_scoped3A : memref<!tpu.dma_semaphore, #tpu.memory_space<semaphore_mem>>)
      %dma_wait3A_95 = arith.constant 0 : i32
      %dma_wait3A_96 = tpu.memref_slice %arg6[%arg0, %multiple_of3A, %dma_wait3A_95] : memref<2x10000x128xf32, #tpu.memory_space<hbm>> -> memref<1x624x128xf32, #tpu.memory_space<hbm>>
      %dma_wait3A_97 = tpu.memref_squeeze %dma_wait3A_96 : memref<1x624x128xf32, #tpu.memory_space<hbm>> -> memref<624x128xf32, #tpu.memory_space<hbm>>
      %dma_wait3A_98 = arith.constant 0 : i32
      %dma_wait3A_99 = tpu.memref_slice %arg7[%multiple_of3A, %dma_wait3A_98] : memref<10008x128xf32, #tpu.memory_space<vmem_shared>> -> memref<624x128xf32, #tpu.memory_space<vmem_shared>>
      tpu.wait_dma2 semaphore(%run_scoped3A : memref<!tpu.dma_semaphore, #tpu.memory_space<semaphore_mem>>) src(%dma_wait3A_99 : memref<624x128xf32, #tpu.memory_space<vmem_shared>>) dst(%dma_wait3A_97 : memref<624x128xf32, #tpu.memory_space<hbm>>)
      tpu.yield
    }) : () -> ()
    %eq3A_85 = arith.constant 15 : i32
    %eq3A_86 = arith.cmpi eq, %arg1, %eq3A_85 : i32
    %convert_element_type3A_87 = arith.extui %eq3A_86 : i1 to i32
    %cond3A_88 = arith.constant 0 : i32
    %cond3A_89 = arith.cmpi ne, %convert_element_type3A_87, %cond3A_88 : i32
    scf.if %cond3A_89 {
      "tpu.region"() ({
        %run_scoped3A = tpu.sem_alloc : memref<!tpu.dma_semaphore, #tpu.memory_space<semaphore_mem>>
        %dma_start3A_90 = arith.constant 9984 : i32
        %dma_start3A_91 = arith.constant 0 : i32
        %dma_start3A_92 = tpu.memref_slice %arg6[%arg0, %dma_start3A_90, %dma_start3A_91] : memref<2x10000x128xf32, #tpu.memory_space<hbm>> -> memref<1x16x128xf32, #tpu.memory_space<hbm>>
        %dma_start3A_93 = tpu.memref_squeeze %dma_start3A_92 : memref<1x16x128xf32, #tpu.memory_space<hbm>> -> memref<16x128xf32, #tpu.memory_space<hbm>>
        %dma_start3A_94 = arith.constant 9984 : i32
        %dma_start3A_95 = arith.constant 0 : i32
        %dma_start3A_96 = tpu.memref_slice %arg7[%dma_start3A_94, %dma_start3A_95] : memref<10008x128xf32, #tpu.memory_space<vmem_shared>> -> memref<16x128xf32, #tpu.memory_space<vmem_shared>>
        tpu.enqueue_dma source(%dma_start3A_96 : memref<16x128xf32, #tpu.memory_space<vmem_shared>>) target(%dma_start3A_93 : memref<16x128xf32, #tpu.memory_space<hbm>>) target_semaphore(%run_scoped3A : memref<!tpu.dma_semaphore, #tpu.memory_space<semaphore_mem>>)
        %dma_wait3A_97 = arith.constant 9984 : i32
        %dma_wait3A_98 = arith.constant 0 : i32
        %dma_wait3A_99 = tpu.memref_slice %arg6[%arg0, %dma_wait3A_97, %dma_wait3A_98] : memref<2x10000x128xf32, #tpu.memory_space<hbm>> -> memref<1x16x128xf32, #tpu.memory_space<hbm>>
        %dma_wait3A_100 = tpu.memref_squeeze %dma_wait3A_99 : memref<1x16x128xf32, #tpu.memory_space<hbm>> -> memref<16x128xf32, #tpu.memory_space<hbm>>
        %dma_wait3A_101 = arith.constant 9984 : i32
        %dma_wait3A_102 = arith.constant 0 : i32
        %dma_wait3A_103 = tpu.memref_slice %arg7[%dma_wait3A_101, %dma_wait3A_102] : memref<10008x128xf32, #tpu.memory_space<vmem_shared>> -> memref<16x128xf32, #tpu.memory_space<vmem_shared>>
        tpu.wait_dma2 semaphore(%run_scoped3A : memref<!tpu.dma_semaphore, #tpu.memory_space<semaphore_mem>>) src(%dma_wait3A_103 : memref<16x128xf32, #tpu.memory_space<vmem_shared>>) dst(%dma_wait3A_100 : memref<16x128xf32, #tpu.memory_space<hbm>>)
        tpu.yield
      }) : () -> ()
    } else {
    }
    return
  }
}

#map = affine_map<(d0, d1) -> (0, 0)>
#map1 = affine_map<(d0, d1) -> (0, 0, 0)>
module attributes {stable_mosaic.version = 14 : i64} {
  func.func @_agg_body(%arg0: i32, %arg1: i32, %arg2: memref<10000x128xf32, #tpu.memory_space<hbm>>, %arg3: memref<32x81x128xi32, #tpu.memory_space<hbm>>, %arg4: memref<32x81x128xi32, #tpu.memory_space<hbm>>, %arg5: memref<624x128xf32, #tpu.memory_space<hbm>>, %arg6: memref<2x10000x128xf32, #tpu.memory_space<hbm>>, %arg7: memref<10008x128xf32, #tpu.memory_space<vmem_shared>>, %arg8: memref<128xi32, #tpu.memory_space<vmem>>, %arg9: memref<128xi32, #tpu.memory_space<vmem>>, %arg10: memref<128xi32, #tpu.memory_space<vmem>>, %arg11: memref<128xi32, #tpu.memory_space<vmem>>, %arg12: memref<128xi32, #tpu.memory_space<vmem>>, %arg13: memref<128xi32, #tpu.memory_space<vmem>>, %arg14: memref<128x128xf32, #tpu.memory_space<vmem>>, %arg15: memref<128x128xf32, #tpu.memory_space<vmem>>, %arg16: memref<128x128xf32, #tpu.memory_space<vmem>>, %arg17: memref<!tpu.dma_semaphore, #tpu.memory_space<semaphore_mem>>, %arg18: memref<!tpu.dma_semaphore, #tpu.memory_space<semaphore_mem>>, %arg19: memref<!tpu.dma_semaphore, #tpu.memory_space<semaphore_mem>>, %arg20: memref<!tpu.dma_semaphore, #tpu.memory_space<semaphore_mem>>, %arg21: memref<!tpu.dma_semaphore, #tpu.memory_space<semaphore_mem>>, %arg22: memref<!tpu.dma_semaphore, #tpu.memory_space<semaphore_mem>>, %arg23: memref<!tpu.dma_semaphore, #tpu.memory_space<semaphore_mem>>, %arg24: memref<!tpu.dma_semaphore, #tpu.memory_space<semaphore_mem>>, %arg25: memref<!tpu.dma_semaphore, #tpu.memory_space<semaphore_mem>>) attributes {dimension_semantics = [#tpu.dimension_semantics<core_parallel>, #tpu.dimension_semantics<subcore_parallel>], iteration_bounds = array<i64: 2, 16>, scalar_prefetch = 0 : i64, scratch_operands = 19 : i64, tpu.core_type = #tpu.core_type<sc_vector_subcore>, window_params = [{transform_indices = #map}, {transform_indices = #map1}, {transform_indices = #map1}, {transform_indices = #map}, {transform_indices = #map1}]} {
    %mul3A = arith.constant 2 : i32
    %mul3A_0 = arith.muli %arg1, %mul3A : i32
    %add3A = arith.addi %mul3A_0, %arg0 : i32
    %mul3A_1 = arith.constant 624 : i32
    %mul3A_2 = arith.muli %arg1, %mul3A_1 : i32
    %multiple_of3A = tpu.assume_multiple %mul3A_2, 8 : i32
    "tpu.region"() ({
      %run_scoped3A = tpu.sem_alloc : memref<!tpu.dma_semaphore, #tpu.memory_space<semaphore_mem>>
      %dma_start3A_90 = arith.constant 0 : i32
      %dma_start3A_91 = tpu.memref_slice %arg7[%multiple_of3A, %dma_start3A_90] : memref<10008x128xf32, #tpu.memory_space<vmem_shared>> -> memref<624x128xf32, #tpu.memory_space<vmem_shared>>
      tpu.enqueue_dma source(%arg5 : memref<624x128xf32, #tpu.memory_space<hbm>>) target(%dma_start3A_91 : memref<624x128xf32, #tpu.memory_space<vmem_shared>>) target_semaphore(%run_scoped3A : memref<!tpu.dma_semaphore, #tpu.memory_space<semaphore_mem>>)
      %dma_wait3A_92 = arith.constant 0 : i32
      %dma_wait3A_93 = tpu.memref_slice %arg7[%multiple_of3A, %dma_wait3A_92] : memref<10008x128xf32, #tpu.memory_space<vmem_shared>> -> memref<624x128xf32, #tpu.memory_space<vmem_shared>>
      tpu.wait_dma2 semaphore(%run_scoped3A : memref<!tpu.dma_semaphore, #tpu.memory_space<semaphore_mem>>) src(%arg5 : memref<624x128xf32, #tpu.memory_space<hbm>>) dst(%dma_wait3A_93 : memref<624x128xf32, #tpu.memory_space<vmem_shared>>)
      tpu.yield
    }) : () -> ()
    %eq3A = arith.constant 15 : i32
    %eq3A_3 = arith.cmpi eq, %arg1, %eq3A : i32
    %convert_element_type3A = arith.extui %eq3A_3 : i1 to i32
    %cond3A = arith.constant 0 : i32
    %cond3A_4 = arith.cmpi ne, %convert_element_type3A, %cond3A : i32
    scf.if %cond3A_4 {
      "tpu.region"() ({
        %run_scoped3A = tpu.sem_alloc : memref<!tpu.dma_semaphore, #tpu.memory_space<semaphore_mem>>
        %dma_start3A_90 = arith.constant 9984 : i32
        %dma_start3A_91 = arith.constant 0 : i32
        %dma_start3A_92 = tpu.memref_slice %arg7[%dma_start3A_90, %dma_start3A_91] : memref<10008x128xf32, #tpu.memory_space<vmem_shared>> -> memref<16x128xf32, #tpu.memory_space<vmem_shared>>
        %dma_start3A_93 = arith.constant 0 : i32
        %dma_start3A_94 = arith.constant 0 : i32
        %dma_start3A_95 = tpu.memref_slice %arg5[%dma_start3A_93, %dma_start3A_94] : memref<624x128xf32, #tpu.memory_space<hbm>> -> memref<16x128xf32, #tpu.memory_space<hbm>>
        tpu.enqueue_dma source(%dma_start3A_95 : memref<16x128xf32, #tpu.memory_space<hbm>>) target(%dma_start3A_92 : memref<16x128xf32, #tpu.memory_space<vmem_shared>>) target_semaphore(%run_scoped3A : memref<!tpu.dma_semaphore, #tpu.memory_space<semaphore_mem>>)
        %dma_wait3A_96 = arith.constant 9984 : i32
        %dma_wait3A_97 = arith.constant 0 : i32
        %dma_wait3A_98 = tpu.memref_slice %arg7[%dma_wait3A_96, %dma_wait3A_97] : memref<10008x128xf32, #tpu.memory_space<vmem_shared>> -> memref<16x128xf32, #tpu.memory_space<vmem_shared>>
        %dma_wait3A_99 = arith.constant 0 : i32
        %dma_wait3A_100 = arith.constant 0 : i32
        %dma_wait3A_101 = tpu.memref_slice %arg5[%dma_wait3A_99, %dma_wait3A_100] : memref<624x128xf32, #tpu.memory_space<hbm>> -> memref<16x128xf32, #tpu.memory_space<hbm>>
        tpu.wait_dma2 semaphore(%run_scoped3A : memref<!tpu.dma_semaphore, #tpu.memory_space<semaphore_mem>>) src(%dma_wait3A_101 : memref<16x128xf32, #tpu.memory_space<hbm>>) dst(%dma_wait3A_98 : memref<16x128xf32, #tpu.memory_space<vmem_shared>>)
        tpu.yield
      }) : () -> ()
    } else {
    }
    %barrier3A = arith.constant 0 : index
    tpu.barrier barrier_id(%barrier3A)
    %dma_start3A = arith.constant 0 : i32
    %dma_start3A_5 = arith.constant 0 : i32
    %dma_start3A_6 = tpu.memref_slice %arg3[%add3A, %dma_start3A, %dma_start3A_5] : memref<32x81x128xi32, #tpu.memory_space<hbm>> -> memref<1x1x128xi32, #tpu.memory_space<hbm>>
    %dma_start3A_7 = tpu.memref_squeeze %dma_start3A_6 : memref<1x1x128xi32, #tpu.memory_space<hbm>> -> memref<128xi32, #tpu.memory_space<hbm>>
    %dma_start3A_8 = arith.constant 0 : i32
    %dma_start3A_9 = tpu.memref_slice %arg3[%add3A, %dma_start3A, %dma_start3A_8] : memref<32x81x128xi32, #tpu.memory_space<hbm>> -> memref<1x1x128xi32, #tpu.memory_space<hbm>>
    %dma_start3A_10 = tpu.memref_squeeze %dma_start3A_9 : memref<1x1x128xi32, #tpu.memory_space<hbm>> -> memref<128xi32, #tpu.memory_space<hbm>>
    tpu.enqueue_dma source(%dma_start3A_10 : memref<128xi32, #tpu.memory_space<hbm>>) target(%arg8 : memref<128xi32, #tpu.memory_space<vmem>>) target_semaphore(%arg17 : memref<!tpu.dma_semaphore, #tpu.memory_space<semaphore_mem>>)
    %dma_start3A_11 = arith.constant 0 : i32
    %dma_start3A_12 = arith.constant 0 : i32
    %dma_start3A_13 = tpu.memref_slice %arg4[%add3A, %dma_start3A_11, %dma_start3A_12] : memref<32x81x128xi32, #tpu.memory_space<hbm>> -> memref<1x1x128xi32, #tpu.memory_space<hbm>>
    %dma_start3A_14 = tpu.memref_squeeze %dma_start3A_13 : memref<1x1x128xi32, #tpu.memory_space<hbm>> -> memref<128xi32, #tpu.memory_space<hbm>>
    %dma_start3A_15 = arith.constant 0 : i32
    %dma_start3A_16 = tpu.memref_slice %arg4[%add3A, %dma_start3A_11, %dma_start3A_15] : memref<32x81x128xi32, #tpu.memory_space<hbm>> -> memref<1x1x128xi32, #tpu.memory_space<hbm>>
    %dma_start3A_17 = tpu.memref_squeeze %dma_start3A_16 : memref<1x1x128xi32, #tpu.memory_space<hbm>> -> memref<128xi32, #tpu.memory_space<hbm>>
    tpu.enqueue_dma source(%dma_start3A_17 : memref<128xi32, #tpu.memory_space<hbm>>) target(%arg11 : memref<128xi32, #tpu.memory_space<vmem>>) target_semaphore(%arg20 : memref<!tpu.dma_semaphore, #tpu.memory_space<semaphore_mem>>)
    %dma_start3A_18 = arith.constant 1 : i32
    %dma_start3A_19 = arith.constant 0 : i32
    %dma_start3A_20 = tpu.memref_slice %arg3[%add3A, %dma_start3A_18, %dma_start3A_19] : memref<32x81x128xi32, #tpu.memory_space<hbm>> -> memref<1x1x128xi32, #tpu.memory_space<hbm>>
    %dma_start3A_21 = tpu.memref_squeeze %dma_start3A_20 : memref<1x1x128xi32, #tpu.memory_space<hbm>> -> memref<128xi32, #tpu.memory_space<hbm>>
    %dma_start3A_22 = arith.constant 0 : i32
    %dma_start3A_23 = tpu.memref_slice %arg3[%add3A, %dma_start3A_18, %dma_start3A_22] : memref<32x81x128xi32, #tpu.memory_space<hbm>> -> memref<1x1x128xi32, #tpu.memory_space<hbm>>
    %dma_start3A_24 = tpu.memref_squeeze %dma_start3A_23 : memref<1x1x128xi32, #tpu.memory_space<hbm>> -> memref<128xi32, #tpu.memory_space<hbm>>
    tpu.enqueue_dma source(%dma_start3A_24 : memref<128xi32, #tpu.memory_space<hbm>>) target(%arg9 : memref<128xi32, #tpu.memory_space<vmem>>) target_semaphore(%arg18 : memref<!tpu.dma_semaphore, #tpu.memory_space<semaphore_mem>>)
    %dma_start3A_25 = arith.constant 1 : i32
    %dma_start3A_26 = arith.constant 0 : i32
    %dma_start3A_27 = tpu.memref_slice %arg4[%add3A, %dma_start3A_25, %dma_start3A_26] : memref<32x81x128xi32, #tpu.memory_space<hbm>> -> memref<1x1x128xi32, #tpu.memory_space<hbm>>
    %dma_start3A_28 = tpu.memref_squeeze %dma_start3A_27 : memref<1x1x128xi32, #tpu.memory_space<hbm>> -> memref<128xi32, #tpu.memory_space<hbm>>
    %dma_start3A_29 = arith.constant 0 : i32
    %dma_start3A_30 = tpu.memref_slice %arg4[%add3A, %dma_start3A_25, %dma_start3A_29] : memref<32x81x128xi32, #tpu.memory_space<hbm>> -> memref<1x1x128xi32, #tpu.memory_space<hbm>>
    %dma_start3A_31 = tpu.memref_squeeze %dma_start3A_30 : memref<1x1x128xi32, #tpu.memory_space<hbm>> -> memref<128xi32, #tpu.memory_space<hbm>>
    tpu.enqueue_dma source(%dma_start3A_31 : memref<128xi32, #tpu.memory_space<hbm>>) target(%arg12 : memref<128xi32, #tpu.memory_space<vmem>>) target_semaphore(%arg21 : memref<!tpu.dma_semaphore, #tpu.memory_space<semaphore_mem>>)
    %dma_start3A_32 = arith.constant 2 : i32
    %dma_start3A_33 = arith.constant 0 : i32
    %dma_start3A_34 = tpu.memref_slice %arg3[%add3A, %dma_start3A_32, %dma_start3A_33] : memref<32x81x128xi32, #tpu.memory_space<hbm>> -> memref<1x1x128xi32, #tpu.memory_space<hbm>>
    %dma_start3A_35 = tpu.memref_squeeze %dma_start3A_34 : memref<1x1x128xi32, #tpu.memory_space<hbm>> -> memref<128xi32, #tpu.memory_space<hbm>>
    %dma_start3A_36 = arith.constant 0 : i32
    %dma_start3A_37 = tpu.memref_slice %arg3[%add3A, %dma_start3A_32, %dma_start3A_36] : memref<32x81x128xi32, #tpu.memory_space<hbm>> -> memref<1x1x128xi32, #tpu.memory_space<hbm>>
    %dma_start3A_38 = tpu.memref_squeeze %dma_start3A_37 : memref<1x1x128xi32, #tpu.memory_space<hbm>> -> memref<128xi32, #tpu.memory_space<hbm>>
    tpu.enqueue_dma source(%dma_start3A_38 : memref<128xi32, #tpu.memory_space<hbm>>) target(%arg10 : memref<128xi32, #tpu.memory_space<vmem>>) target_semaphore(%arg19 : memref<!tpu.dma_semaphore, #tpu.memory_space<semaphore_mem>>)
    %dma_start3A_39 = arith.constant 2 : i32
    %dma_start3A_40 = arith.constant 0 : i32
    %dma_start3A_41 = tpu.memref_slice %arg4[%add3A, %dma_start3A_39, %dma_start3A_40] : memref<32x81x128xi32, #tpu.memory_space<hbm>> -> memref<1x1x128xi32, #tpu.memory_space<hbm>>
    %dma_start3A_42 = tpu.memref_squeeze %dma_start3A_41 : memref<1x1x128xi32, #tpu.memory_space<hbm>> -> memref<128xi32, #tpu.memory_space<hbm>>
    %dma_start3A_43 = arith.constant 0 : i32
    %dma_start3A_44 = tpu.memref_slice %arg4[%add3A, %dma_start3A_39, %dma_start3A_43] : memref<32x81x128xi32, #tpu.memory_space<hbm>> -> memref<1x1x128xi32, #tpu.memory_space<hbm>>
    %dma_start3A_45 = tpu.memref_squeeze %dma_start3A_44 : memref<1x1x128xi32, #tpu.memory_space<hbm>> -> memref<128xi32, #tpu.memory_space<hbm>>
    tpu.enqueue_dma source(%dma_start3A_45 : memref<128xi32, #tpu.memory_space<hbm>>) target(%arg13 : memref<128xi32, #tpu.memory_space<vmem>>) target_semaphore(%arg22 : memref<!tpu.dma_semaphore, #tpu.memory_space<semaphore_mem>>)
    %dma_wait3A = arith.constant 0 : i32
    %dma_wait3A_46 = arith.constant 0 : i32
    %dma_wait3A_47 = tpu.memref_slice %arg3[%add3A, %dma_wait3A, %dma_wait3A_46] : memref<32x81x128xi32, #tpu.memory_space<hbm>> -> memref<1x1x128xi32, #tpu.memory_space<hbm>>
    %dma_wait3A_48 = tpu.memref_squeeze %dma_wait3A_47 : memref<1x1x128xi32, #tpu.memory_space<hbm>> -> memref<128xi32, #tpu.memory_space<hbm>>
    %dma_wait3A_49 = arith.constant 0 : i32
    %dma_wait3A_50 = tpu.memref_slice %arg3[%add3A, %dma_wait3A, %dma_wait3A_49] : memref<32x81x128xi32, #tpu.memory_space<hbm>> -> memref<1x1x128xi32, #tpu.memory_space<hbm>>
    %dma_wait3A_51 = tpu.memref_squeeze %dma_wait3A_50 : memref<1x1x128xi32, #tpu.memory_space<hbm>> -> memref<128xi32, #tpu.memory_space<hbm>>
    tpu.wait_dma2 semaphore(%arg17 : memref<!tpu.dma_semaphore, #tpu.memory_space<semaphore_mem>>) src(%dma_wait3A_51 : memref<128xi32, #tpu.memory_space<hbm>>) dst(%arg8 : memref<128xi32, #tpu.memory_space<vmem>>)
    %dma_wait3A_52 = arith.constant 0 : i32
    %dma_wait3A_53 = arith.constant 0 : i32
    %dma_wait3A_54 = tpu.memref_slice %arg4[%add3A, %dma_wait3A_52, %dma_wait3A_53] : memref<32x81x128xi32, #tpu.memory_space<hbm>> -> memref<1x1x128xi32, #tpu.memory_space<hbm>>
    %dma_wait3A_55 = tpu.memref_squeeze %dma_wait3A_54 : memref<1x1x128xi32, #tpu.memory_space<hbm>> -> memref<128xi32, #tpu.memory_space<hbm>>
    %dma_wait3A_56 = arith.constant 0 : i32
    %dma_wait3A_57 = tpu.memref_slice %arg4[%add3A, %dma_wait3A_52, %dma_wait3A_56] : memref<32x81x128xi32, #tpu.memory_space<hbm>> -> memref<1x1x128xi32, #tpu.memory_space<hbm>>
    %dma_wait3A_58 = tpu.memref_squeeze %dma_wait3A_57 : memref<1x1x128xi32, #tpu.memory_space<hbm>> -> memref<128xi32, #tpu.memory_space<hbm>>
    tpu.wait_dma2 semaphore(%arg20 : memref<!tpu.dma_semaphore, #tpu.memory_space<semaphore_mem>>) src(%dma_wait3A_58 : memref<128xi32, #tpu.memory_space<hbm>>) dst(%arg11 : memref<128xi32, #tpu.memory_space<vmem>>)
    %dma_start3A_59 = arith.constant 0 : i32
    %dma_start3A_60 = arith.constant 0 : i32
    %dma_start3A_61 = tpu.memref_slice %arg2[%dma_start3A_59, %dma_start3A_60] : memref<10000x128xf32, #tpu.memory_space<hbm>> -> memref<10000x128xf32, #tpu.memory_space<hbm>>
    tpu.enqueue_indirect_dma source(%dma_start3A_61 : memref<10000x128xf32, #tpu.memory_space<hbm>>) target(%arg14 : memref<128x128xf32, #tpu.memory_space<vmem>>) offsets(%arg8 : memref<128xi32, #tpu.memory_space<vmem>>) semaphore(%arg23 : memref<!tpu.dma_semaphore, #tpu.memory_space<semaphore_mem>>)
    %dma_wait3A_62 = arith.constant 1 : i32
    %dma_wait3A_63 = arith.constant 0 : i32
    %dma_wait3A_64 = tpu.memref_slice %arg3[%add3A, %dma_wait3A_62, %dma_wait3A_63] : memref<32x81x128xi32, #tpu.memory_space<hbm>> -> memref<1x1x128xi32, #tpu.memory_space<hbm>>
    %dma_wait3A_65 = tpu.memref_squeeze %dma_wait3A_64 : memref<1x1x128xi32, #tpu.memory_space<hbm>> -> memref<128xi32, #tpu.memory_space<hbm>>
    %dma_wait3A_66 = arith.constant 0 : i32
    %dma_wait3A_67 = tpu.memref_slice %arg3[%add3A, %dma_wait3A_62, %dma_wait3A_66] : memref<32x81x128xi32, #tpu.memory_space<hbm>> -> memref<1x1x128xi32, #tpu.memory_space<hbm>>
    %dma_wait3A_68 = tpu.memref_squeeze %dma_wait3A_67 : memref<1x1x128xi32, #tpu.memory_space<hbm>> -> memref<128xi32, #tpu.memory_space<hbm>>
    tpu.wait_dma2 semaphore(%arg18 : memref<!tpu.dma_semaphore, #tpu.memory_space<semaphore_mem>>) src(%dma_wait3A_68 : memref<128xi32, #tpu.memory_space<hbm>>) dst(%arg9 : memref<128xi32, #tpu.memory_space<vmem>>)
    %dma_wait3A_69 = arith.constant 1 : i32
    %dma_wait3A_70 = arith.constant 0 : i32
    %dma_wait3A_71 = tpu.memref_slice %arg4[%add3A, %dma_wait3A_69, %dma_wait3A_70] : memref<32x81x128xi32, #tpu.memory_space<hbm>> -> memref<1x1x128xi32, #tpu.memory_space<hbm>>
    %dma_wait3A_72 = tpu.memref_squeeze %dma_wait3A_71 : memref<1x1x128xi32, #tpu.memory_space<hbm>> -> memref<128xi32, #tpu.memory_space<hbm>>
    %dma_wait3A_73 = arith.constant 0 : i32
    %dma_wait3A_74 = tpu.memref_slice %arg4[%add3A, %dma_wait3A_69, %dma_wait3A_73] : memref<32x81x128xi32, #tpu.memory_space<hbm>> -> memref<1x1x128xi32, #tpu.memory_space<hbm>>
    %dma_wait3A_75 = tpu.memref_squeeze %dma_wait3A_74 : memref<1x1x128xi32, #tpu.memory_space<hbm>> -> memref<128xi32, #tpu.memory_space<hbm>>
    tpu.wait_dma2 semaphore(%arg21 : memref<!tpu.dma_semaphore, #tpu.memory_space<semaphore_mem>>) src(%dma_wait3A_75 : memref<128xi32, #tpu.memory_space<hbm>>) dst(%arg12 : memref<128xi32, #tpu.memory_space<vmem>>)
    %dma_start3A_76 = arith.constant 0 : i32
    %dma_start3A_77 = arith.constant 0 : i32
    %dma_start3A_78 = tpu.memref_slice %arg2[%dma_start3A_76, %dma_start3A_77] : memref<10000x128xf32, #tpu.memory_space<hbm>> -> memref<10000x128xf32, #tpu.memory_space<hbm>>
    tpu.enqueue_indirect_dma source(%dma_start3A_78 : memref<10000x128xf32, #tpu.memory_space<hbm>>) target(%arg15 : memref<128x128xf32, #tpu.memory_space<vmem>>) offsets(%arg9 : memref<128xi32, #tpu.memory_space<vmem>>) semaphore(%arg24 : memref<!tpu.dma_semaphore, #tpu.memory_space<semaphore_mem>>)
    %scan3A = arith.constant 0 : i32
    %scan3A_79 = arith.constant 0 : i32
    %scan3A_80 = arith.constant 27 : i32
    %scan3A_81 = arith.addi %scan3A_79, %scan3A_80 : i32
    %scan3A_82 = arith.constant 1 : i32
    scf.for %scan3A_90 = %scan3A_79 to %scan3A_81 step %scan3A_82  : i32 {
      %mul3A_91 = arith.constant 3 : i32
      %mul3A_92 = arith.muli %scan3A_90, %mul3A_91 : i32
      %add3A_93 = arith.constant 0 : i32
      %add3A_94 = arith.addi %mul3A_92, %add3A_93 : i32
      %add3A_95 = arith.constant 2 : i32
      %add3A_96 = arith.addi %add3A_94, %add3A_95 : i32
      %lt3A = arith.constant 81 : i32
      %lt3A_97 = arith.cmpi slt, %add3A_96, %lt3A : i32
      %convert_element_type3A_98 = arith.extui %lt3A_97 : i1 to i32
      %cond3A_99 = arith.constant 0 : i32
      %cond3A_100 = arith.cmpi ne, %convert_element_type3A_98, %cond3A_99 : i32
      scf.if %cond3A_100 {
        %add3A_153 = arith.constant 2 : i32
        %add3A_154 = arith.addi %add3A_94, %add3A_153 : i32
        %dma_wait3A_155 = arith.constant 0 : i32
        %dma_wait3A_156 = tpu.memref_slice %arg3[%add3A, %add3A_154, %dma_wait3A_155] : memref<32x81x128xi32, #tpu.memory_space<hbm>> -> memref<1x1x128xi32, #tpu.memory_space<hbm>>
        %dma_wait3A_157 = tpu.memref_squeeze %dma_wait3A_156 : memref<1x1x128xi32, #tpu.memory_space<hbm>> -> memref<128xi32, #tpu.memory_space<hbm>>
        %dma_wait3A_158 = arith.constant 0 : i32
        %dma_wait3A_159 = tpu.memref_slice %arg3[%add3A, %add3A_154, %dma_wait3A_158] : memref<32x81x128xi32, #tpu.memory_space<hbm>> -> memref<1x1x128xi32, #tpu.memory_space<hbm>>
        %dma_wait3A_160 = tpu.memref_squeeze %dma_wait3A_159 : memref<1x1x128xi32, #tpu.memory_space<hbm>> -> memref<128xi32, #tpu.memory_space<hbm>>
        tpu.wait_dma2 semaphore(%arg19 : memref<!tpu.dma_semaphore, #tpu.memory_space<semaphore_mem>>) src(%dma_wait3A_160 : memref<128xi32, #tpu.memory_space<hbm>>) dst(%arg10 : memref<128xi32, #tpu.memory_space<vmem>>)
        %dma_wait3A_161 = arith.constant 0 : i32
        %dma_wait3A_162 = tpu.memref_slice %arg4[%add3A, %add3A_154, %dma_wait3A_161] : memref<32x81x128xi32, #tpu.memory_space<hbm>> -> memref<1x1x128xi32, #tpu.memory_space<hbm>>
        %dma_wait3A_163 = tpu.memref_squeeze %dma_wait3A_162 : memref<1x1x128xi32, #tpu.memory_space<hbm>> -> memref<128xi32, #tpu.memory_space<hbm>>
        %dma_wait3A_164 = arith.constant 0 : i32
        %dma_wait3A_165 = tpu.memref_slice %arg4[%add3A, %add3A_154, %dma_wait3A_164] : memref<32x81x128xi32, #tpu.memory_space<hbm>> -> memref<1x1x128xi32, #tpu.memory_space<hbm>>
        %dma_wait3A_166 = tpu.memref_squeeze %dma_wait3A_165 : memref<1x1x128xi32, #tpu.memory_space<hbm>> -> memref<128xi32, #tpu.memory_space<hbm>>
        tpu.wait_dma2 semaphore(%arg22 : memref<!tpu.dma_semaphore, #tpu.memory_space<semaphore_mem>>) src(%dma_wait3A_166 : memref<128xi32, #tpu.memory_space<hbm>>) dst(%arg13 : memref<128xi32, #tpu.memory_space<vmem>>)
        %dma_start3A_167 = arith.constant 0 : i32
        %dma_start3A_168 = arith.constant 0 : i32
        %dma_start3A_169 = tpu.memref_slice %arg2[%dma_start3A_167, %dma_start3A_168] : memref<10000x128xf32, #tpu.memory_space<hbm>> -> memref<10000x128xf32, #tpu.memory_space<hbm>>
        tpu.enqueue_indirect_dma source(%dma_start3A_169 : memref<10000x128xf32, #tpu.memory_space<hbm>>) target(%arg16 : memref<128x128xf32, #tpu.memory_space<vmem>>) offsets(%arg10 : memref<128xi32, #tpu.memory_space<vmem>>) semaphore(%arg25 : memref<!tpu.dma_semaphore, #tpu.memory_space<semaphore_mem>>)
      } else {
      }
      %dma_wait3A_101 = arith.constant 0 : i32
      %dma_wait3A_102 = arith.constant 0 : i32
      %dma_wait3A_103 = tpu.memref_slice %arg2[%dma_wait3A_101, %dma_wait3A_102] : memref<10000x128xf32, #tpu.memory_space<hbm>> -> memref<10000x128xf32, #tpu.memory_space<hbm>>
      tpu.wait_indirect_dma semaphore(%arg23 : memref<!tpu.dma_semaphore, #tpu.memory_space<semaphore_mem>>) src(%dma_wait3A_103 : memref<10000x128xf32, #tpu.memory_space<hbm>>) dst(%arg14 : memref<128x128xf32, #tpu.memory_space<vmem>>)
      "tpu.region"() ({
        %run_scoped3A = tpu.sem_alloc : memref<!tpu.dma_semaphore, #tpu.memory_space<semaphore_mem>>
        %dma_start3A_153 = arith.constant 0 : i32
        %dma_start3A_154 = arith.constant 0 : i32
        %dma_start3A_155 = tpu.memref_slice %arg7[%dma_start3A_153, %dma_start3A_154] : memref<10008x128xf32, #tpu.memory_space<vmem_shared>> -> memref<10008x128xf32, #tpu.memory_space<vmem_shared>>
        tpu.enqueue_indirect_dma source(%arg14 : memref<128x128xf32, #tpu.memory_space<vmem>>) target(%dma_start3A_155 : memref<10008x128xf32, #tpu.memory_space<vmem_shared>>) offsets(%arg11 : memref<128xi32, #tpu.memory_space<vmem>>) semaphore(%run_scoped3A : memref<!tpu.dma_semaphore, #tpu.memory_space<semaphore_mem>>) {add = true}
        %dma_wait3A_156 = arith.constant 0 : i32
        %dma_wait3A_157 = arith.constant 0 : i32
        %dma_wait3A_158 = tpu.memref_slice %arg7[%dma_wait3A_156, %dma_wait3A_157] : memref<10008x128xf32, #tpu.memory_space<vmem_shared>> -> memref<10008x128xf32, #tpu.memory_space<vmem_shared>>
        tpu.wait_indirect_dma semaphore(%run_scoped3A : memref<!tpu.dma_semaphore, #tpu.memory_space<semaphore_mem>>) src(%arg14 : memref<128x128xf32, #tpu.memory_space<vmem>>) dst(%dma_wait3A_158 : memref<10008x128xf32, #tpu.memory_space<vmem_shared>>)
        tpu.yield
      }) : () -> ()
      %add3A_104 = arith.constant 3 : i32
      %add3A_105 = arith.addi %add3A_94, %add3A_104 : i32
      %lt3A_106 = arith.constant 81 : i32
      %lt3A_107 = arith.cmpi slt, %add3A_105, %lt3A_106 : i32
      %convert_element_type3A_108 = arith.extui %lt3A_107 : i1 to i32
      %cond3A_109 = arith.constant 0 : i32
      %cond3A_110 = arith.cmpi ne, %convert_element_type3A_108, %cond3A_109 : i32
      scf.if %cond3A_110 {
        %add3A_153 = arith.constant 3 : i32
        %add3A_154 = arith.addi %add3A_94, %add3A_153 : i32
        %dma_start3A_155 = arith.constant 0 : i32
        %dma_start3A_156 = tpu.memref_slice %arg3[%add3A, %add3A_154, %dma_start3A_155] : memref<32x81x128xi32, #tpu.memory_space<hbm>> -> memref<1x1x128xi32, #tpu.memory_space<hbm>>
        %dma_start3A_157 = tpu.memref_squeeze %dma_start3A_156 : memref<1x1x128xi32, #tpu.memory_space<hbm>> -> memref<128xi32, #tpu.memory_space<hbm>>
        %dma_start3A_158 = arith.constant 0 : i32
        %dma_start3A_159 = tpu.memref_slice %arg3[%add3A, %add3A_154, %dma_start3A_158] : memref<32x81x128xi32, #tpu.memory_space<hbm>> -> memref<1x1x128xi32, #tpu.memory_space<hbm>>
        %dma_start3A_160 = tpu.memref_squeeze %dma_start3A_159 : memref<1x1x128xi32, #tpu.memory_space<hbm>> -> memref<128xi32, #tpu.memory_space<hbm>>
        tpu.enqueue_dma source(%dma_start3A_160 : memref<128xi32, #tpu.memory_space<hbm>>) target(%arg8 : memref<128xi32, #tpu.memory_space<vmem>>) target_semaphore(%arg17 : memref<!tpu.dma_semaphore, #tpu.memory_space<semaphore_mem>>)
        %dma_start3A_161 = arith.constant 0 : i32
        %dma_start3A_162 = tpu.memref_slice %arg4[%add3A, %add3A_154, %dma_start3A_161] : memref<32x81x128xi32, #tpu.memory_space<hbm>> -> memref<1x1x128xi32, #tpu.memory_space<hbm>>
        %dma_start3A_163 = tpu.memref_squeeze %dma_start3A_162 : memref<1x1x128xi32, #tpu.memory_space<hbm>> -> memref<128xi32, #tpu.memory_space<hbm>>
        %dma_start3A_164 = arith.constant 0 : i32
        %dma_start3A_165 = tpu.memref_slice %arg4[%add3A, %add3A_154, %dma_start3A_164] : memref<32x81x128xi32, #tpu.memory_space<hbm>> -> memref<1x1x128xi32, #tpu.memory_space<hbm>>
        %dma_start3A_166 = tpu.memref_squeeze %dma_start3A_165 : memref<1x1x128xi32, #tpu.memory_space<hbm>> -> memref<128xi32, #tpu.memory_space<hbm>>
        tpu.enqueue_dma source(%dma_start3A_166 : memref<128xi32, #tpu.memory_space<hbm>>) target(%arg11 : memref<128xi32, #tpu.memory_space<vmem>>) target_semaphore(%arg20 : memref<!tpu.dma_semaphore, #tpu.memory_space<semaphore_mem>>)
      } else {
      }
      %mul3A_111 = arith.constant 3 : i32
      %mul3A_112 = arith.muli %scan3A_90, %mul3A_111 : i32
      %add3A_113 = arith.constant 1 : i32
      %add3A_114 = arith.addi %mul3A_112, %add3A_113 : i32
      %add3A_115 = arith.constant 2 : i32
      %add3A_116 = arith.addi %add3A_114, %add3A_115 : i32
      %lt3A_117 = arith.constant 81 : i32
      %lt3A_118 = arith.cmpi slt, %add3A_116, %lt3A_117 : i32
      %convert_element_type3A_119 = arith.extui %lt3A_118 : i1 to i32
      %cond3A_120 = arith.constant 0 : i32
      %cond3A_121 = arith.cmpi ne, %convert_element_type3A_119, %cond3A_120 : i32
      scf.if %cond3A_121 {
        %add3A_153 = arith.constant 2 : i32
        %add3A_154 = arith.addi %add3A_114, %add3A_153 : i32
        %dma_wait3A_155 = arith.constant 0 : i32
        %dma_wait3A_156 = tpu.memref_slice %arg3[%add3A, %add3A_154, %dma_wait3A_155] : memref<32x81x128xi32, #tpu.memory_space<hbm>> -> memref<1x1x128xi32, #tpu.memory_space<hbm>>
        %dma_wait3A_157 = tpu.memref_squeeze %dma_wait3A_156 : memref<1x1x128xi32, #tpu.memory_space<hbm>> -> memref<128xi32, #tpu.memory_space<hbm>>
        %dma_wait3A_158 = arith.constant 0 : i32
        %dma_wait3A_159 = tpu.memref_slice %arg3[%add3A, %add3A_154, %dma_wait3A_158] : memref<32x81x128xi32, #tpu.memory_space<hbm>> -> memref<1x1x128xi32, #tpu.memory_space<hbm>>
        %dma_wait3A_160 = tpu.memref_squeeze %dma_wait3A_159 : memref<1x1x128xi32, #tpu.memory_space<hbm>> -> memref<128xi32, #tpu.memory_space<hbm>>
        tpu.wait_dma2 semaphore(%arg17 : memref<!tpu.dma_semaphore, #tpu.memory_space<semaphore_mem>>) src(%dma_wait3A_160 : memref<128xi32, #tpu.memory_space<hbm>>) dst(%arg8 : memref<128xi32, #tpu.memory_space<vmem>>)
        %dma_wait3A_161 = arith.constant 0 : i32
        %dma_wait3A_162 = tpu.memref_slice %arg4[%add3A, %add3A_154, %dma_wait3A_161] : memref<32x81x128xi32, #tpu.memory_space<hbm>> -> memref<1x1x128xi32, #tpu.memory_space<hbm>>
        %dma_wait3A_163 = tpu.memref_squeeze %dma_wait3A_162 : memref<1x1x128xi32, #tpu.memory_space<hbm>> -> memref<128xi32, #tpu.memory_space<hbm>>
        %dma_wait3A_164 = arith.constant 0 : i32
        %dma_wait3A_165 = tpu.memref_slice %arg4[%add3A, %add3A_154, %dma_wait3A_164] : memref<32x81x128xi32, #tpu.memory_space<hbm>> -> memref<1x1x128xi32, #tpu.memory_space<hbm>>
        %dma_wait3A_166 = tpu.memref_squeeze %dma_wait3A_165 : memref<1x1x128xi32, #tpu.memory_space<hbm>> -> memref<128xi32, #tpu.memory_space<hbm>>
        tpu.wait_dma2 semaphore(%arg20 : memref<!tpu.dma_semaphore, #tpu.memory_space<semaphore_mem>>) src(%dma_wait3A_166 : memref<128xi32, #tpu.memory_space<hbm>>) dst(%arg11 : memref<128xi32, #tpu.memory_space<vmem>>)
        %dma_start3A_167 = arith.constant 0 : i32
        %dma_start3A_168 = arith.constant 0 : i32
        %dma_start3A_169 = tpu.memref_slice %arg2[%dma_start3A_167, %dma_start3A_168] : memref<10000x128xf32, #tpu.memory_space<hbm>> -> memref<10000x128xf32, #tpu.memory_space<hbm>>
        tpu.enqueue_indirect_dma source(%dma_start3A_169 : memref<10000x128xf32, #tpu.memory_space<hbm>>) target(%arg14 : memref<128x128xf32, #tpu.memory_space<vmem>>) offsets(%arg8 : memref<128xi32, #tpu.memory_space<vmem>>) semaphore(%arg23 : memref<!tpu.dma_semaphore, #tpu.memory_space<semaphore_mem>>)
      } else {
      }
      %dma_wait3A_122 = arith.constant 0 : i32
      %dma_wait3A_123 = arith.constant 0 : i32
      %dma_wait3A_124 = tpu.memref_slice %arg2[%dma_wait3A_122, %dma_wait3A_123] : memref<10000x128xf32, #tpu.memory_space<hbm>> -> memref<10000x128xf32, #tpu.memory_space<hbm>>
      tpu.wait_indirect_dma semaphore(%arg24 : memref<!tpu.dma_semaphore, #tpu.memory_space<semaphore_mem>>) src(%dma_wait3A_124 : memref<10000x128xf32, #tpu.memory_space<hbm>>) dst(%arg15 : memref<128x128xf32, #tpu.memory_space<vmem>>)
      "tpu.region"() ({
        %run_scoped3A = tpu.sem_alloc : memref<!tpu.dma_semaphore, #tpu.memory_space<semaphore_mem>>
        %dma_start3A_153 = arith.constant 0 : i32
        %dma_start3A_154 = arith.constant 0 : i32
        %dma_start3A_155 = tpu.memref_slice %arg7[%dma_start3A_153, %dma_start3A_154] : memref<10008x128xf32, #tpu.memory_space<vmem_shared>> -> memref<10008x128xf32, #tpu.memory_space<vmem_shared>>
        tpu.enqueue_indirect_dma source(%arg15 : memref<128x128xf32, #tpu.memory_space<vmem>>) target(%dma_start3A_155 : memref<10008x128xf32, #tpu.memory_space<vmem_shared>>) offsets(%arg12 : memref<128xi32, #tpu.memory_space<vmem>>) semaphore(%run_scoped3A : memref<!tpu.dma_semaphore, #tpu.memory_space<semaphore_mem>>) {add = true}
        %dma_wait3A_156 = arith.constant 0 : i32
        %dma_wait3A_157 = arith.constant 0 : i32
        %dma_wait3A_158 = tpu.memref_slice %arg7[%dma_wait3A_156, %dma_wait3A_157] : memref<10008x128xf32, #tpu.memory_space<vmem_shared>> -> memref<10008x128xf32, #tpu.memory_space<vmem_shared>>
        tpu.wait_indirect_dma semaphore(%run_scoped3A : memref<!tpu.dma_semaphore, #tpu.memory_space<semaphore_mem>>) src(%arg15 : memref<128x128xf32, #tpu.memory_space<vmem>>) dst(%dma_wait3A_158 : memref<10008x128xf32, #tpu.memory_space<vmem_shared>>)
        tpu.yield
      }) : () -> ()
      %add3A_125 = arith.constant 3 : i32
      %add3A_126 = arith.addi %add3A_114, %add3A_125 : i32
      %lt3A_127 = arith.constant 81 : i32
      %lt3A_128 = arith.cmpi slt, %add3A_126, %lt3A_127 : i32
      %convert_element_type3A_129 = arith.extui %lt3A_128 : i1 to i32
      %cond3A_130 = arith.constant 0 : i32
      %cond3A_131 = arith.cmpi ne, %convert_element_type3A_129, %cond3A_130 : i32
      scf.if %cond3A_131 {
        %add3A_153 = arith.constant 3 : i32
        %add3A_154 = arith.addi %add3A_114, %add3A_153 : i32
        %dma_start3A_155 = arith.constant 0 : i32
        %dma_start3A_156 = tpu.memref_slice %arg3[%add3A, %add3A_154, %dma_start3A_155] : memref<32x81x128xi32, #tpu.memory_space<hbm>> -> memref<1x1x128xi32, #tpu.memory_space<hbm>>
        %dma_start3A_157 = tpu.memref_squeeze %dma_start3A_156 : memref<1x1x128xi32, #tpu.memory_space<hbm>> -> memref<128xi32, #tpu.memory_space<hbm>>
        %dma_start3A_158 = arith.constant 0 : i32
        %dma_start3A_159 = tpu.memref_slice %arg3[%add3A, %add3A_154, %dma_start3A_158] : memref<32x81x128xi32, #tpu.memory_space<hbm>> -> memref<1x1x128xi32, #tpu.memory_space<hbm>>
        %dma_start3A_160 = tpu.memref_squeeze %dma_start3A_159 : memref<1x1x128xi32, #tpu.memory_space<hbm>> -> memref<128xi32, #tpu.memory_space<hbm>>
        tpu.enqueue_dma source(%dma_start3A_160 : memref<128xi32, #tpu.memory_space<hbm>>) target(%arg9 : memref<128xi32, #tpu.memory_space<vmem>>) target_semaphore(%arg18 : memref<!tpu.dma_semaphore, #tpu.memory_space<semaphore_mem>>)
        %dma_start3A_161 = arith.constant 0 : i32
        %dma_start3A_162 = tpu.memref_slice %arg4[%add3A, %add3A_154, %dma_start3A_161] : memref<32x81x128xi32, #tpu.memory_space<hbm>> -> memref<1x1x128xi32, #tpu.memory_space<hbm>>
        %dma_start3A_163 = tpu.memref_squeeze %dma_start3A_162 : memref<1x1x128xi32, #tpu.memory_space<hbm>> -> memref<128xi32, #tpu.memory_space<hbm>>
        %dma_start3A_164 = arith.constant 0 : i32
        %dma_start3A_165 = tpu.memref_slice %arg4[%add3A, %add3A_154, %dma_start3A_164] : memref<32x81x128xi32, #tpu.memory_space<hbm>> -> memref<1x1x128xi32, #tpu.memory_space<hbm>>
        %dma_start3A_166 = tpu.memref_squeeze %dma_start3A_165 : memref<1x1x128xi32, #tpu.memory_space<hbm>> -> memref<128xi32, #tpu.memory_space<hbm>>
        tpu.enqueue_dma source(%dma_start3A_166 : memref<128xi32, #tpu.memory_space<hbm>>) target(%arg12 : memref<128xi32, #tpu.memory_space<vmem>>) target_semaphore(%arg21 : memref<!tpu.dma_semaphore, #tpu.memory_space<semaphore_mem>>)
      } else {
      }
      %mul3A_132 = arith.constant 3 : i32
      %mul3A_133 = arith.muli %scan3A_90, %mul3A_132 : i32
      %add3A_134 = arith.constant 2 : i32
      %add3A_135 = arith.addi %mul3A_133, %add3A_134 : i32
      %add3A_136 = arith.constant 2 : i32
      %add3A_137 = arith.addi %add3A_135, %add3A_136 : i32
      %lt3A_138 = arith.constant 81 : i32
      %lt3A_139 = arith.cmpi slt, %add3A_137, %lt3A_138 : i32
      %convert_element_type3A_140 = arith.extui %lt3A_139 : i1 to i32
      %cond3A_141 = arith.constant 0 : i32
      %cond3A_142 = arith.cmpi ne, %convert_element_type3A_140, %cond3A_141 : i32
      scf.if %cond3A_142 {
        %add3A_153 = arith.constant 2 : i32
        %add3A_154 = arith.addi %add3A_135, %add3A_153 : i32
        %dma_wait3A_155 = arith.constant 0 : i32
        %dma_wait3A_156 = tpu.memref_slice %arg3[%add3A, %add3A_154, %dma_wait3A_155] : memref<32x81x128xi32, #tpu.memory_space<hbm>> -> memref<1x1x128xi32, #tpu.memory_space<hbm>>
        %dma_wait3A_157 = tpu.memref_squeeze %dma_wait3A_156 : memref<1x1x128xi32, #tpu.memory_space<hbm>> -> memref<128xi32, #tpu.memory_space<hbm>>
        %dma_wait3A_158 = arith.constant 0 : i32
        %dma_wait3A_159 = tpu.memref_slice %arg3[%add3A, %add3A_154, %dma_wait3A_158] : memref<32x81x128xi32, #tpu.memory_space<hbm>> -> memref<1x1x128xi32, #tpu.memory_space<hbm>>
        %dma_wait3A_160 = tpu.memref_squeeze %dma_wait3A_159 : memref<1x1x128xi32, #tpu.memory_space<hbm>> -> memref<128xi32, #tpu.memory_space<hbm>>
        tpu.wait_dma2 semaphore(%arg18 : memref<!tpu.dma_semaphore, #tpu.memory_space<semaphore_mem>>) src(%dma_wait3A_160 : memref<128xi32, #tpu.memory_space<hbm>>) dst(%arg9 : memref<128xi32, #tpu.memory_space<vmem>>)
        %dma_wait3A_161 = arith.constant 0 : i32
        %dma_wait3A_162 = tpu.memref_slice %arg4[%add3A, %add3A_154, %dma_wait3A_161] : memref<32x81x128xi32, #tpu.memory_space<hbm>> -> memref<1x1x128xi32, #tpu.memory_space<hbm>>
        %dma_wait3A_163 = tpu.memref_squeeze %dma_wait3A_162 : memref<1x1x128xi32, #tpu.memory_space<hbm>> -> memref<128xi32, #tpu.memory_space<hbm>>
        %dma_wait3A_164 = arith.constant 0 : i32
        %dma_wait3A_165 = tpu.memref_slice %arg4[%add3A, %add3A_154, %dma_wait3A_164] : memref<32x81x128xi32, #tpu.memory_space<hbm>> -> memref<1x1x128xi32, #tpu.memory_space<hbm>>
        %dma_wait3A_166 = tpu.memref_squeeze %dma_wait3A_165 : memref<1x1x128xi32, #tpu.memory_space<hbm>> -> memref<128xi32, #tpu.memory_space<hbm>>
        tpu.wait_dma2 semaphore(%arg21 : memref<!tpu.dma_semaphore, #tpu.memory_space<semaphore_mem>>) src(%dma_wait3A_166 : memref<128xi32, #tpu.memory_space<hbm>>) dst(%arg12 : memref<128xi32, #tpu.memory_space<vmem>>)
        %dma_start3A_167 = arith.constant 0 : i32
        %dma_start3A_168 = arith.constant 0 : i32
        %dma_start3A_169 = tpu.memref_slice %arg2[%dma_start3A_167, %dma_start3A_168] : memref<10000x128xf32, #tpu.memory_space<hbm>> -> memref<10000x128xf32, #tpu.memory_space<hbm>>
        tpu.enqueue_indirect_dma source(%dma_start3A_169 : memref<10000x128xf32, #tpu.memory_space<hbm>>) target(%arg15 : memref<128x128xf32, #tpu.memory_space<vmem>>) offsets(%arg9 : memref<128xi32, #tpu.memory_space<vmem>>) semaphore(%arg24 : memref<!tpu.dma_semaphore, #tpu.memory_space<semaphore_mem>>)
      } else {
      }
      %dma_wait3A_143 = arith.constant 0 : i32
      %dma_wait3A_144 = arith.constant 0 : i32
      %dma_wait3A_145 = tpu.memref_slice %arg2[%dma_wait3A_143, %dma_wait3A_144] : memref<10000x128xf32, #tpu.memory_space<hbm>> -> memref<10000x128xf32, #tpu.memory_space<hbm>>
      tpu.wait_indirect_dma semaphore(%arg25 : memref<!tpu.dma_semaphore, #tpu.memory_space<semaphore_mem>>) src(%dma_wait3A_145 : memref<10000x128xf32, #tpu.memory_space<hbm>>) dst(%arg16 : memref<128x128xf32, #tpu.memory_space<vmem>>)
      "tpu.region"() ({
        %run_scoped3A = tpu.sem_alloc : memref<!tpu.dma_semaphore, #tpu.memory_space<semaphore_mem>>
        %dma_start3A_153 = arith.constant 0 : i32
        %dma_start3A_154 = arith.constant 0 : i32
        %dma_start3A_155 = tpu.memref_slice %arg7[%dma_start3A_153, %dma_start3A_154] : memref<10008x128xf32, #tpu.memory_space<vmem_shared>> -> memref<10008x128xf32, #tpu.memory_space<vmem_shared>>
        tpu.enqueue_indirect_dma source(%arg16 : memref<128x128xf32, #tpu.memory_space<vmem>>) target(%dma_start3A_155 : memref<10008x128xf32, #tpu.memory_space<vmem_shared>>) offsets(%arg13 : memref<128xi32, #tpu.memory_space<vmem>>) semaphore(%run_scoped3A : memref<!tpu.dma_semaphore, #tpu.memory_space<semaphore_mem>>) {add = true}
        %dma_wait3A_156 = arith.constant 0 : i32
        %dma_wait3A_157 = arith.constant 0 : i32
        %dma_wait3A_158 = tpu.memref_slice %arg7[%dma_wait3A_156, %dma_wait3A_157] : memref<10008x128xf32, #tpu.memory_space<vmem_shared>> -> memref<10008x128xf32, #tpu.memory_space<vmem_shared>>
        tpu.wait_indirect_dma semaphore(%run_scoped3A : memref<!tpu.dma_semaphore, #tpu.memory_space<semaphore_mem>>) src(%arg16 : memref<128x128xf32, #tpu.memory_space<vmem>>) dst(%dma_wait3A_158 : memref<10008x128xf32, #tpu.memory_space<vmem_shared>>)
        tpu.yield
      }) : () -> ()
      %add3A_146 = arith.constant 3 : i32
      %add3A_147 = arith.addi %add3A_135, %add3A_146 : i32
      %lt3A_148 = arith.constant 81 : i32
      %lt3A_149 = arith.cmpi slt, %add3A_147, %lt3A_148 : i32
      %convert_element_type3A_150 = arith.extui %lt3A_149 : i1 to i32
      %cond3A_151 = arith.constant 0 : i32
      %cond3A_152 = arith.cmpi ne, %convert_element_type3A_150, %cond3A_151 : i32
      scf.if %cond3A_152 {
        %add3A_153 = arith.constant 3 : i32
        %add3A_154 = arith.addi %add3A_135, %add3A_153 : i32
        %dma_start3A_155 = arith.constant 0 : i32
        %dma_start3A_156 = tpu.memref_slice %arg3[%add3A, %add3A_154, %dma_start3A_155] : memref<32x81x128xi32, #tpu.memory_space<hbm>> -> memref<1x1x128xi32, #tpu.memory_space<hbm>>
        %dma_start3A_157 = tpu.memref_squeeze %dma_start3A_156 : memref<1x1x128xi32, #tpu.memory_space<hbm>> -> memref<128xi32, #tpu.memory_space<hbm>>
        %dma_start3A_158 = arith.constant 0 : i32
        %dma_start3A_159 = tpu.memref_slice %arg3[%add3A, %add3A_154, %dma_start3A_158] : memref<32x81x128xi32, #tpu.memory_space<hbm>> -> memref<1x1x128xi32, #tpu.memory_space<hbm>>
        %dma_start3A_160 = tpu.memref_squeeze %dma_start3A_159 : memref<1x1x128xi32, #tpu.memory_space<hbm>> -> memref<128xi32, #tpu.memory_space<hbm>>
        tpu.enqueue_dma source(%dma_start3A_160 : memref<128xi32, #tpu.memory_space<hbm>>) target(%arg10 : memref<128xi32, #tpu.memory_space<vmem>>) target_semaphore(%arg19 : memref<!tpu.dma_semaphore, #tpu.memory_space<semaphore_mem>>)
        %dma_start3A_161 = arith.constant 0 : i32
        %dma_start3A_162 = tpu.memref_slice %arg4[%add3A, %add3A_154, %dma_start3A_161] : memref<32x81x128xi32, #tpu.memory_space<hbm>> -> memref<1x1x128xi32, #tpu.memory_space<hbm>>
        %dma_start3A_163 = tpu.memref_squeeze %dma_start3A_162 : memref<1x1x128xi32, #tpu.memory_space<hbm>> -> memref<128xi32, #tpu.memory_space<hbm>>
        %dma_start3A_164 = arith.constant 0 : i32
        %dma_start3A_165 = tpu.memref_slice %arg4[%add3A, %add3A_154, %dma_start3A_164] : memref<32x81x128xi32, #tpu.memory_space<hbm>> -> memref<1x1x128xi32, #tpu.memory_space<hbm>>
        %dma_start3A_166 = tpu.memref_squeeze %dma_start3A_165 : memref<1x1x128xi32, #tpu.memory_space<hbm>> -> memref<128xi32, #tpu.memory_space<hbm>>
        tpu.enqueue_dma source(%dma_start3A_166 : memref<128xi32, #tpu.memory_space<hbm>>) target(%arg13 : memref<128xi32, #tpu.memory_space<vmem>>) target_semaphore(%arg22 : memref<!tpu.dma_semaphore, #tpu.memory_space<semaphore_mem>>)
      } else {
      }
    }
    %scan3A_83 = arith.constant 27 : i32
    %barrier3A_84 = arith.constant 0 : index
    tpu.barrier barrier_id(%barrier3A_84)
    "tpu.region"() ({
      %run_scoped3A = tpu.sem_alloc : memref<!tpu.dma_semaphore, #tpu.memory_space<semaphore_mem>>
      %dma_start3A_90 = arith.constant 0 : i32
      %dma_start3A_91 = tpu.memref_slice %arg6[%arg0, %multiple_of3A, %dma_start3A_90] : memref<2x10000x128xf32, #tpu.memory_space<hbm>> -> memref<1x624x128xf32, #tpu.memory_space<hbm>>
      %dma_start3A_92 = tpu.memref_squeeze %dma_start3A_91 : memref<1x624x128xf32, #tpu.memory_space<hbm>> -> memref<624x128xf32, #tpu.memory_space<hbm>>
      %dma_start3A_93 = arith.constant 0 : i32
      %dma_start3A_94 = tpu.memref_slice %arg7[%multiple_of3A, %dma_start3A_93] : memref<10008x128xf32, #tpu.memory_space<vmem_shared>> -> memref<624x128xf32, #tpu.memory_space<vmem_shared>>
      tpu.enqueue_dma source(%dma_start3A_94 : memref<624x128xf32, #tpu.memory_space<vmem_shared>>) target(%dma_start3A_92 : memref<624x128xf32, #tpu.memory_space<hbm>>) target_semaphore(%run_scoped3A : memref<!tpu.dma_semaphore, #tpu.memory_space<semaphore_mem>>)
      %dma_wait3A_95 = arith.constant 0 : i32
      %dma_wait3A_96 = tpu.memref_slice %arg6[%arg0, %multiple_of3A, %dma_wait3A_95] : memref<2x10000x128xf32, #tpu.memory_space<hbm>> -> memref<1x624x128xf32, #tpu.memory_space<hbm>>
      %dma_wait3A_97 = tpu.memref_squeeze %dma_wait3A_96 : memref<1x624x128xf32, #tpu.memory_space<hbm>> -> memref<624x128xf32, #tpu.memory_space<hbm>>
      %dma_wait3A_98 = arith.constant 0 : i32
      %dma_wait3A_99 = tpu.memref_slice %arg7[%multiple_of3A, %dma_wait3A_98] : memref<10008x128xf32, #tpu.memory_space<vmem_shared>> -> memref<624x128xf32, #tpu.memory_space<vmem_shared>>
      tpu.wait_dma2 semaphore(%run_scoped3A : memref<!tpu.dma_semaphore, #tpu.memory_space<semaphore_mem>>) src(%dma_wait3A_99 : memref<624x128xf32, #tpu.memory_space<vmem_shared>>) dst(%dma_wait3A_97 : memref<624x128xf32, #tpu.memory_space<hbm>>)
      tpu.yield
    }) : () -> ()
    %eq3A_85 = arith.constant 15 : i32
    %eq3A_86 = arith.cmpi eq, %arg1, %eq3A_85 : i32
    %convert_element_type3A_87 = arith.extui %eq3A_86 : i1 to i32
    %cond3A_88 = arith.constant 0 : i32
    %cond3A_89 = arith.cmpi ne, %convert_element_type3A_87, %cond3A_88 : i32
    scf.if %cond3A_89 {
      "tpu.region"() ({
        %run_scoped3A = tpu.sem_alloc : memref<!tpu.dma_semaphore, #tpu.memory_space<semaphore_mem>>
        %dma_start3A_90 = arith.constant 9984 : i32
        %dma_start3A_91 = arith.constant 0 : i32
        %dma_start3A_92 = tpu.memref_slice %arg6[%arg0, %dma_start3A_90, %dma_start3A_91] : memref<2x10000x128xf32, #tpu.memory_space<hbm>> -> memref<1x16x128xf32, #tpu.memory_space<hbm>>
        %dma_start3A_93 = tpu.memref_squeeze %dma_start3A_92 : memref<1x16x128xf32, #tpu.memory_space<hbm>> -> memref<16x128xf32, #tpu.memory_space<hbm>>
        %dma_start3A_94 = arith.constant 9984 : i32
        %dma_start3A_95 = arith.constant 0 : i32
        %dma_start3A_96 = tpu.memref_slice %arg7[%dma_start3A_94, %dma_start3A_95] : memref<10008x128xf32, #tpu.memory_space<vmem_shared>> -> memref<16x128xf32, #tpu.memory_space<vmem_shared>>
        tpu.enqueue_dma source(%dma_start3A_96 : memref<16x128xf32, #tpu.memory_space<vmem_shared>>) target(%dma_start3A_93 : memref<16x128xf32, #tpu.memory_space<hbm>>) target_semaphore(%run_scoped3A : memref<!tpu.dma_semaphore, #tpu.memory_space<semaphore_mem>>)
        %dma_wait3A_97 = arith.constant 9984 : i32
        %dma_wait3A_98 = arith.constant 0 : i32
        %dma_wait3A_99 = tpu.memref_slice %arg6[%arg0, %dma_wait3A_97, %dma_wait3A_98] : memref<2x10000x128xf32, #tpu.memory_space<hbm>> -> memref<1x16x128xf32, #tpu.memory_space<hbm>>
        %dma_wait3A_100 = tpu.memref_squeeze %dma_wait3A_99 : memref<1x16x128xf32, #tpu.memory_space<hbm>> -> memref<16x128xf32, #tpu.memory_space<hbm>>
        %dma_wait3A_101 = arith.constant 9984 : i32
        %dma_wait3A_102 = arith.constant 0 : i32
        %dma_wait3A_103 = tpu.memref_slice %arg7[%dma_wait3A_101, %dma_wait3A_102] : memref<10008x128xf32, #tpu.memory_space<vmem_shared>> -> memref<16x128xf32, #tpu.memory_space<vmem_shared>>
        tpu.wait_dma2 semaphore(%run_scoped3A : memref<!tpu.dma_semaphore, #tpu.memory_space<semaphore_mem>>) src(%dma_wait3A_103 : memref<16x128xf32, #tpu.memory_space<vmem_shared>>) dst(%dma_wait3A_100 : memref<16x128xf32, #tpu.memory_space<hbm>>)
        tpu.yield
      }) : () -> ()
    } else {
    }
    return
  }
}

module attributes {stable_mosaic.version = 14 : i64} {
  func.func @_combine_body(%arg0: i32, %arg1: memref<2x1000x128xf32, #tpu.memory_space<vmem>>, %arg2: memref<1000x8xf32, #tpu.memory_space<vmem>>, %arg3: memref<1000x128xf32, #tpu.memory_space<vmem>>, %arg4: memref<128x128xf32, #tpu.memory_space<vmem>>, %arg5: memref<128x128xf32, #tpu.memory_space<vmem>>, %arg6: memref<1x128xf32, #tpu.memory_space<vmem>>, %arg7: memref<1000x128xf32, #tpu.memory_space<vmem>>) attributes {dimension_semantics = [#tpu.dimension_semantics<arbitrary>], iteration_bounds = array<i64: 10>, scalar_prefetch = 0 : i64, scratch_operands = 0 : i64, tpu.core_type = #tpu.core_type<tc>, window_params = [{transform_indices = @transform_0, window_bounds = array<i64: 2, 1000, 128>}, {transform_indices = @transform_1, window_bounds = array<i64: 1000, 8>}, {transform_indices = @transform_2, window_bounds = array<i64: 1000, 128>}, {pipeline_mode = #tpu.pipeline_mode<synchronous>, transform_indices = @transform_3, window_bounds = array<i64: 128, 128>}, {pipeline_mode = #tpu.pipeline_mode<synchronous>, transform_indices = @transform_4, window_bounds = array<i64: 128, 128>}, {pipeline_mode = #tpu.pipeline_mode<synchronous>, transform_indices = @transform_5, window_bounds = array<i64: 1, 128>}, {transform_indices = @transform_6, window_bounds = array<i64: 1000, 128>}]} {
    %get3A = arith.constant 0 : index
    %get3A_0 = arith.constant 0 : index
    %get3A_1 = arith.constant 0 : index
    %get3A_2 = vector.load %arg1[%get3A, %get3A_0, %get3A_1] : memref<2x1000x128xf32, #tpu.memory_space<vmem>>, vector<1x1000x128xf32>
    %get3A_3 = vector.shape_cast %get3A_2 : vector<1x1000x128xf32> to vector<1000x128xf32>
    %get3A_4 = arith.constant 1 : index
    %get3A_5 = arith.constant 0 : index
    %get3A_6 = arith.constant 0 : index
    %get3A_7 = vector.load %arg1[%get3A_4, %get3A_5, %get3A_6] : memref<2x1000x128xf32, #tpu.memory_space<vmem>>, vector<1x1000x128xf32>
    %get3A_8 = vector.shape_cast %get3A_7 : vector<1x1000x128xf32> to vector<1000x128xf32>
    %add3A = arith.addf %get3A_3, %get3A_8 : vector<1000x128xf32>
    %get3A_9 = arith.constant 0 : index
    %get3A_10 = arith.constant 0 : index
    %get3A_11 = vector.load %arg2[%get3A_9, %get3A_10] : memref<1000x8xf32, #tpu.memory_space<vmem>>, vector<1000x1xf32>
    %mul3A = vector.broadcast %get3A_11 : vector<1000x1xf32> to vector<1000x128xf32>
    %mul3A_12 = arith.mulf %add3A, %mul3A : vector<1000x128xf32>
    %get3A_13 = arith.constant 0 : index
    %get3A_14 = arith.constant 0 : index
    %get3A_15 = vector.load %arg4[%get3A_13, %get3A_14] : memref<128x128xf32, #tpu.memory_space<vmem>>, vector<128x128xf32>
    %dot_general3A = arith.constant dense<0.000000e+00> : vector<1000x128xf32>
    %dot_general3A_16 = tpu.matmul %mul3A_12, %get3A_15, %dot_general3A {dimension_numbers = #tpu.dot_dimension_numbers<[1], [0], [0], [1], [0, 0, 1, 1], [], []>, precision = #tpu.contract_precision<fp32>, transpose_lhs_hint = false} : vector<1000x128xf32>, vector<128x128xf32>, vector<1000x128xf32> -> vector<1000x128xf32>
    %get3A_17 = arith.constant 0 : index
    %get3A_18 = arith.constant 0 : index
    %get3A_19 = vector.load %arg3[%get3A_17, %get3A_18] : memref<1000x128xf32, #tpu.memory_space<vmem>>, vector<1000x128xf32>
    %get3A_20 = arith.constant 0 : index
    %get3A_21 = arith.constant 0 : index
    %get3A_22 = vector.load %arg5[%get3A_20, %get3A_21] : memref<128x128xf32, #tpu.memory_space<vmem>>, vector<128x128xf32>
    %dot_general3A_23 = arith.constant dense<0.000000e+00> : vector<1000x128xf32>
    %dot_general3A_24 = tpu.matmul %get3A_19, %get3A_22, %dot_general3A_23 {dimension_numbers = #tpu.dot_dimension_numbers<[1], [0], [0], [1], [0, 0, 1, 1], [], []>, precision = #tpu.contract_precision<fp32>, transpose_lhs_hint = false} : vector<1000x128xf32>, vector<128x128xf32>, vector<1000x128xf32> -> vector<1000x128xf32>
    %add3A_25 = arith.addf %dot_general3A_16, %dot_general3A_24 : vector<1000x128xf32>
    %get3A_26 = arith.constant 0 : index
    %get3A_27 = arith.constant 0 : index
    %get3A_28 = vector.load %arg6[%get3A_26, %get3A_27] : memref<1x128xf32, #tpu.memory_space<vmem>>, vector<1x128xf32>
    %add3A_29 = vector.broadcast %get3A_28 : vector<1x128xf32> to vector<1000x128xf32>
    %add3A_30 = arith.addf %add3A_25, %add3A_29 : vector<1000x128xf32>
    %mul3A_31 = arith.mulf %add3A_30, %add3A_30 : vector<1000x128xf32>
    %reduce_sum3A = arith.constant dense<0.000000e+00> : vector<1000xf32>
    %reduce_sum3A_32 = vector.multi_reduction <add>, %mul3A_31, %reduce_sum3A [1] : vector<1000x128xf32> to vector<1000xf32>
    %broadcast_in_dim3A = vector.shape_cast %reduce_sum3A_32 : vector<1000xf32> to vector<1000x1xf32>
    %sqrt3A = math.sqrt %broadcast_in_dim3A : vector<1000x1xf32>
    %max3A = arith.constant 9.99999996E-13 : f32
    %max3A_33 = vector.broadcast %max3A : f32 to vector<1000x1xf32>
    %max3A_34 = arith.maximumf %sqrt3A, %max3A_33 : vector<1000x1xf32>
    %div3A = vector.broadcast %max3A_34 : vector<1000x1xf32> to vector<1000x128xf32>
    %div3A_35 = arith.divf %add3A_30, %div3A : vector<1000x128xf32>
    %max3A_36 = arith.constant 0.000000e+00 : f32
    %max3A_37 = vector.broadcast %max3A_36 : f32 to vector<1000x128xf32>
    %max3A_38 = arith.maximumf %div3A_35, %max3A_37 : vector<1000x128xf32>
    %swap3A = arith.constant 0 : index
    %swap3A_39 = arith.constant 0 : index
    %swap3A_40 = vector.load %arg7[%swap3A, %swap3A_39] : memref<1000x128xf32, #tpu.memory_space<vmem>>, vector<1000x128xf32>
    tpu.vector_store %arg7[%swap3A, %swap3A_39], %max3A_38 {strides = array<i32>} : memref<1000x128xf32, #tpu.memory_space<vmem>>, vector<1000x128xf32>,
    return
  }
  func.func @transform_0(%arg0: i32) -> (i32, i32, i32) {
    %c0_i32 = arith.constant 0 : i32
    %c0_i32_0 = arith.constant 0 : i32
    %c0_i32_1 = arith.constant 0 : i32
    return %c0_i32, %arg0, %c0_i32_0 : i32, i32, i32
  }
  func.func @transform_1(%arg0: i32) -> (i32, i32) {
    %c0_i32 = arith.constant 0 : i32
    %c0_i32_0 = arith.constant 0 : i32
    return %arg0, %c0_i32 : i32, i32
  }
  func.func @transform_2(%arg0: i32) -> (i32, i32) {
    %c0_i32 = arith.constant 0 : i32
    %c0_i32_0 = arith.constant 0 : i32
    return %arg0, %c0_i32 : i32, i32
  }
  func.func @transform_3(%arg0: i32) -> (i32, i32) {
    %c0_i32 = arith.constant 0 : i32
    %c0_i32_0 = arith.constant 0 : i32
    %c0_i32_1 = arith.constant 0 : i32
    return %c0_i32, %c0_i32_0 : i32, i32
  }
  func.func @transform_4(%arg0: i32) -> (i32, i32) {
    %c0_i32 = arith.constant 0 : i32
    %c0_i32_0 = arith.constant 0 : i32
    %c0_i32_1 = arith.constant 0 : i32
    return %c0_i32, %c0_i32_0 : i32, i32
  }
  func.func @transform_5(%arg0: i32) -> (i32, i32) {
    %c0_i32 = arith.constant 0 : i32
    %c0_i32_0 = arith.constant 0 : i32
    %c0_i32_1 = arith.constant 0 : i32
    return %c0_i32, %c0_i32_0 : i32, i32
  }
  func.func @transform_6(%arg0: i32) -> (i32, i32) {
    %c0_i32 = arith.constant 0 : i32
    %c0_i32_0 = arith.constant 0 : i32
    return %arg0, %c0_i32 : i32, i32
  }
}

module attributes {stable_mosaic.version = 14 : i64} {
  func.func @_combine1_body(%arg0: i32, %arg1: memref<2x1000x128xf32, #tpu.memory_space<vmem>>, %arg2: memref<2x1000x128xf32, #tpu.memory_space<vmem>>, %arg3: memref<1000x128xf32, #tpu.memory_space<vmem>>, %arg4: memref<128x128xf32, #tpu.memory_space<vmem>>, %arg5: memref<128x128xf32, #tpu.memory_space<vmem>>, %arg6: memref<1x128xf32, #tpu.memory_space<vmem>>, %arg7: memref<1000x128xf32, #tpu.memory_space<vmem>>, %arg8: memref<1000x8xf32, #tpu.memory_space<vmem>>) attributes {dimension_semantics = [#tpu.dimension_semantics<arbitrary>], iteration_bounds = array<i64: 10>, scalar_prefetch = 0 : i64, scratch_operands = 0 : i64, tpu.core_type = #tpu.core_type<tc>, window_params = [{transform_indices = @transform_0, window_bounds = array<i64: 2, 1000, 128>}, {transform_indices = @transform_1, window_bounds = array<i64: 2, 1000, 128>}, {transform_indices = @transform_2, window_bounds = array<i64: 1000, 128>}, {pipeline_mode = #tpu.pipeline_mode<synchronous>, transform_indices = @transform_3, window_bounds = array<i64: 128, 128>}, {pipeline_mode = #tpu.pipeline_mode<synchronous>, transform_indices = @transform_4, window_bounds = array<i64: 128, 128>}, {pipeline_mode = #tpu.pipeline_mode<synchronous>, transform_indices = @transform_5, window_bounds = array<i64: 1, 128>}, {transform_indices = @transform_6, window_bounds = array<i64: 1000, 128>}, {transform_indices = @transform_7, window_bounds = array<i64: 1000, 8>}]} {
    %get3A = arith.constant 0 : index
    %get3A_0 = arith.constant 0 : index
    %get3A_1 = arith.constant 0 : index
    %get3A_2 = vector.load %arg2[%get3A, %get3A_0, %get3A_1] : memref<2x1000x128xf32, #tpu.memory_space<vmem>>, vector<1x1000x1xf32>
    %get3A_3 = vector.shape_cast %get3A_2 : vector<1x1000x1xf32> to vector<1000x1xf32>
    %get3A_4 = arith.constant 1 : index
    %get3A_5 = arith.constant 0 : index
    %get3A_6 = arith.constant 0 : index
    %get3A_7 = vector.load %arg2[%get3A_4, %get3A_5, %get3A_6] : memref<2x1000x128xf32, #tpu.memory_space<vmem>>, vector<1x1000x1xf32>
    %get3A_8 = vector.shape_cast %get3A_7 : vector<1x1000x1xf32> to vector<1000x1xf32>
    %add3A = arith.addf %get3A_3, %get3A_8 : vector<1000x1xf32>
    %max3A = arith.constant 1.000000e+00 : f32
    %max3A_9 = vector.broadcast %max3A : f32 to vector<1000x1xf32>
    %max3A_10 = arith.maximumf %add3A, %max3A_9 : vector<1000x1xf32>
    %div3A = arith.constant 1.000000e+00 : f32
    %div3A_11 = vector.broadcast %div3A : f32 to vector<1000x1xf32>
    %div3A_12 = arith.divf %div3A_11, %max3A_10 : vector<1000x1xf32>
    %broadcast_in_dim3A = vector.shape_cast %div3A_12 : vector<1000x1xf32> to vector<1000x1xf32>
    %broadcast_in_dim3A_13 = vector.broadcast %broadcast_in_dim3A : vector<1000x1xf32> to vector<1000x8xf32>
    %swap3A = arith.constant 0 : index
    %swap3A_14 = arith.constant 0 : index
    %swap3A_15 = vector.load %arg8[%swap3A, %swap3A_14] : memref<1000x8xf32, #tpu.memory_space<vmem>>, vector<1000x8xf32>
    tpu.vector_store %arg8[%swap3A, %swap3A_14], %broadcast_in_dim3A_13 {strides = array<i32>} : memref<1000x8xf32, #tpu.memory_space<vmem>>, vector<1000x8xf32>,
    %get3A_16 = arith.constant 0 : index
    %get3A_17 = arith.constant 0 : index
    %get3A_18 = arith.constant 0 : index
    %get3A_19 = vector.load %arg1[%get3A_16, %get3A_17, %get3A_18] : memref<2x1000x128xf32, #tpu.memory_space<vmem>>, vector<1x1000x128xf32>
    %get3A_20 = vector.shape_cast %get3A_19 : vector<1x1000x128xf32> to vector<1000x128xf32>
    %get3A_21 = arith.constant 1 : index
    %get3A_22 = arith.constant 0 : index
    %get3A_23 = arith.constant 0 : index
    %get3A_24 = vector.load %arg1[%get3A_21, %get3A_22, %get3A_23] : memref<2x1000x128xf32, #tpu.memory_space<vmem>>, vector<1x1000x128xf32>
    %get3A_25 = vector.shape_cast %get3A_24 : vector<1x1000x128xf32> to vector<1000x128xf32>
    %add3A_26 = arith.addf %get3A_20, %get3A_25 : vector<1000x128xf32>
    %mul3A = vector.broadcast %div3A_12 : vector<1000x1xf32> to vector<1000x128xf32>
    %mul3A_27 = arith.mulf %add3A_26, %mul3A : vector<1000x128xf32>
    %get3A_28 = arith.constant 0 : index
    %get3A_29 = arith.constant 0 : index
    %get3A_30 = vector.load %arg4[%get3A_28, %get3A_29] : memref<128x128xf32, #tpu.memory_space<vmem>>, vector<128x128xf32>
    %dot_general3A = arith.constant dense<0.000000e+00> : vector<1000x128xf32>
    %dot_general3A_31 = tpu.matmul %mul3A_27, %get3A_30, %dot_general3A {dimension_numbers = #tpu.dot_dimension_numbers<[1], [0], [0], [1], [0, 0, 1, 1], [], []>, precision = #tpu.contract_precision<fp32>, transpose_lhs_hint = false} : vector<1000x128xf32>, vector<128x128xf32>, vector<1000x128xf32> -> vector<1000x128xf32>
    %get3A_32 = arith.constant 0 : index
    %get3A_33 = arith.constant 0 : index
    %get3A_34 = vector.load %arg3[%get3A_32, %get3A_33] : memref<1000x128xf32, #tpu.memory_space<vmem>>, vector<1000x128xf32>
    %get3A_35 = arith.constant 0 : index
    %get3A_36 = arith.constant 0 : index
    %get3A_37 = vector.load %arg5[%get3A_35, %get3A_36] : memref<128x128xf32, #tpu.memory_space<vmem>>, vector<128x128xf32>
    %dot_general3A_38 = arith.constant dense<0.000000e+00> : vector<1000x128xf32>
    %dot_general3A_39 = tpu.matmul %get3A_34, %get3A_37, %dot_general3A_38 {dimension_numbers = #tpu.dot_dimension_numbers<[1], [0], [0], [1], [0, 0, 1, 1], [], []>, precision = #tpu.contract_precision<fp32>, transpose_lhs_hint = false} : vector<1000x128xf32>, vector<128x128xf32>, vector<1000x128xf32> -> vector<1000x128xf32>
    %add3A_40 = arith.addf %dot_general3A_31, %dot_general3A_39 : vector<1000x128xf32>
    %get3A_41 = arith.constant 0 : index
    %get3A_42 = arith.constant 0 : index
    %get3A_43 = vector.load %arg6[%get3A_41, %get3A_42] : memref<1x128xf32, #tpu.memory_space<vmem>>, vector<1x128xf32>
    %add3A_44 = vector.broadcast %get3A_43 : vector<1x128xf32> to vector<1000x128xf32>
    %add3A_45 = arith.addf %add3A_40, %add3A_44 : vector<1000x128xf32>
    %mul3A_46 = arith.mulf %add3A_45, %add3A_45 : vector<1000x128xf32>
    %reduce_sum3A = arith.constant dense<0.000000e+00> : vector<1000xf32>
    %reduce_sum3A_47 = vector.multi_reduction <add>, %mul3A_46, %reduce_sum3A [1] : vector<1000x128xf32> to vector<1000xf32>
    %broadcast_in_dim3A_48 = vector.shape_cast %reduce_sum3A_47 : vector<1000xf32> to vector<1000x1xf32>
    %sqrt3A = math.sqrt %broadcast_in_dim3A_48 : vector<1000x1xf32>
    %max3A_49 = arith.constant 9.99999996E-13 : f32
    %max3A_50 = vector.broadcast %max3A_49 : f32 to vector<1000x1xf32>
    %max3A_51 = arith.maximumf %sqrt3A, %max3A_50 : vector<1000x1xf32>
    %div3A_52 = vector.broadcast %max3A_51 : vector<1000x1xf32> to vector<1000x128xf32>
    %div3A_53 = arith.divf %add3A_45, %div3A_52 : vector<1000x128xf32>
    %max3A_54 = arith.constant 0.000000e+00 : f32
    %max3A_55 = vector.broadcast %max3A_54 : f32 to vector<1000x128xf32>
    %max3A_56 = arith.maximumf %div3A_53, %max3A_55 : vector<1000x128xf32>
    %swap3A_57 = arith.constant 0 : index
    %swap3A_58 = arith.constant 0 : index
    %swap3A_59 = vector.load %arg7[%swap3A_57, %swap3A_58] : memref<1000x128xf32, #tpu.memory_space<vmem>>, vector<1000x128xf32>
    tpu.vector_store %arg7[%swap3A_57, %swap3A_58], %max3A_56 {strides = array<i32>} : memref<1000x128xf32, #tpu.memory_space<vmem>>, vector<1000x128xf32>,
    return
  }
  func.func @transform_0(%arg0: i32) -> (i32, i32, i32) {
    %c0_i32 = arith.constant 0 : i32
    %c0_i32_0 = arith.constant 0 : i32
    %c0_i32_1 = arith.constant 0 : i32
    return %c0_i32, %arg0, %c0_i32_0 : i32, i32, i32
  }
  func.func @transform_1(%arg0: i32) -> (i32, i32, i32) {
    %c0_i32 = arith.constant 0 : i32
    %c0_i32_0 = arith.constant 0 : i32
    %c0_i32_1 = arith.constant 0 : i32
    return %c0_i32, %arg0, %c0_i32_0 : i32, i32, i32
  }
  func.func @transform_2(%arg0: i32) -> (i32, i32) {
    %c0_i32 = arith.constant 0 : i32
    %c0_i32_0 = arith.constant 0 : i32
    return %arg0, %c0_i32 : i32, i32
  }
  func.func @transform_3(%arg0: i32) -> (i32, i32) {
    %c0_i32 = arith.constant 0 : i32
    %c0_i32_0 = arith.constant 0 : i32
    %c0_i32_1 = arith.constant 0 : i32
    return %c0_i32, %c0_i32_0 : i32, i32
  }
  func.func @transform_4(%arg0: i32) -> (i32, i32) {
    %c0_i32 = arith.constant 0 : i32
    %c0_i32_0 = arith.constant 0 : i32
    %c0_i32_1 = arith.constant 0 : i32
    return %c0_i32, %c0_i32_0 : i32, i32
  }
  func.func @transform_5(%arg0: i32) -> (i32, i32) {
    %c0_i32 = arith.constant 0 : i32
    %c0_i32_0 = arith.constant 0 : i32
    %c0_i32_1 = arith.constant 0 : i32
    return %c0_i32, %c0_i32_0 : i32, i32
  }
  func.func @transform_6(%arg0: i32) -> (i32, i32) {
    %c0_i32 = arith.constant 0 : i32
    %c0_i32_0 = arith.constant 0 : i32
    return %arg0, %c0_i32 : i32, i32
  }
  func.func @transform_7(%arg0: i32) -> (i32, i32) {
    %c0_i32 = arith.constant 0 : i32
    %c0_i32_0 = arith.constant 0 : i32
    return %arg0, %c0_i32 : i32, i32
  }
}

module attributes {stable_mosaic.version = 14 : i64} {
  func.func @_final_body(%arg0: i32, %arg1: memref<2x1000x128xf32, #tpu.memory_space<vmem>>, %arg2: memref<1000x8xf32, #tpu.memory_space<vmem>>, %arg3: memref<1000x128xf32, #tpu.memory_space<vmem>>, %arg4: memref<128x128xf32, #tpu.memory_space<vmem>>, %arg5: memref<128x128xf32, #tpu.memory_space<vmem>>, %arg6: memref<1x128xf32, #tpu.memory_space<vmem>>, %arg7: memref<128x64xf32, #tpu.memory_space<vmem>>, %arg8: memref<1x64xf32, #tpu.memory_space<vmem>>, %arg9: memref<1000x64xf32, #tpu.memory_space<vmem>>) attributes {dimension_semantics = [#tpu.dimension_semantics<arbitrary>], iteration_bounds = array<i64: 10>, scalar_prefetch = 0 : i64, scratch_operands = 0 : i64, tpu.core_type = #tpu.core_type<tc>, window_params = [{transform_indices = @transform_0, window_bounds = array<i64: 2, 1000, 128>}, {transform_indices = @transform_1, window_bounds = array<i64: 1000, 8>}, {transform_indices = @transform_2, window_bounds = array<i64: 1000, 128>}, {pipeline_mode = #tpu.pipeline_mode<synchronous>, transform_indices = @transform_3, window_bounds = array<i64: 128, 128>}, {pipeline_mode = #tpu.pipeline_mode<synchronous>, transform_indices = @transform_4, window_bounds = array<i64: 128, 128>}, {pipeline_mode = #tpu.pipeline_mode<synchronous>, transform_indices = @transform_5, window_bounds = array<i64: 1, 128>}, {pipeline_mode = #tpu.pipeline_mode<synchronous>, transform_indices = @transform_6, window_bounds = array<i64: 128, 64>}, {pipeline_mode = #tpu.pipeline_mode<synchronous>, transform_indices = @transform_7, window_bounds = array<i64: 1, 64>}, {transform_indices = @transform_8, window_bounds = array<i64: 1000, 64>}]} {
    %get3A = arith.constant 0 : index
    %get3A_0 = arith.constant 0 : index
    %get3A_1 = arith.constant 0 : index
    %get3A_2 = vector.load %arg1[%get3A, %get3A_0, %get3A_1] : memref<2x1000x128xf32, #tpu.memory_space<vmem>>, vector<1x1000x128xf32>
    %get3A_3 = vector.shape_cast %get3A_2 : vector<1x1000x128xf32> to vector<1000x128xf32>
    %get3A_4 = arith.constant 1 : index
    %get3A_5 = arith.constant 0 : index
    %get3A_6 = arith.constant 0 : index
    %get3A_7 = vector.load %arg1[%get3A_4, %get3A_5, %get3A_6] : memref<2x1000x128xf32, #tpu.memory_space<vmem>>, vector<1x1000x128xf32>
    %get3A_8 = vector.shape_cast %get3A_7 : vector<1x1000x128xf32> to vector<1000x128xf32>
    %add3A = arith.addf %get3A_3, %get3A_8 : vector<1000x128xf32>
    %get3A_9 = arith.constant 0 : index
    %get3A_10 = arith.constant 0 : index
    %get3A_11 = vector.load %arg2[%get3A_9, %get3A_10] : memref<1000x8xf32, #tpu.memory_space<vmem>>, vector<1000x1xf32>
    %mul3A = vector.broadcast %get3A_11 : vector<1000x1xf32> to vector<1000x128xf32>
    %mul3A_12 = arith.mulf %add3A, %mul3A : vector<1000x128xf32>
    %get3A_13 = arith.constant 0 : index
    %get3A_14 = arith.constant 0 : index
    %get3A_15 = vector.load %arg4[%get3A_13, %get3A_14] : memref<128x128xf32, #tpu.memory_space<vmem>>, vector<128x128xf32>
    %dot_general3A = arith.constant dense<0.000000e+00> : vector<1000x128xf32>
    %dot_general3A_16 = tpu.matmul %mul3A_12, %get3A_15, %dot_general3A {dimension_numbers = #tpu.dot_dimension_numbers<[1], [0], [0], [1], [0, 0, 1, 1], [], []>, precision = #tpu.contract_precision<fp32>, transpose_lhs_hint = false} : vector<1000x128xf32>, vector<128x128xf32>, vector<1000x128xf32> -> vector<1000x128xf32>
    %get3A_17 = arith.constant 0 : index
    %get3A_18 = arith.constant 0 : index
    %get3A_19 = vector.load %arg3[%get3A_17, %get3A_18] : memref<1000x128xf32, #tpu.memory_space<vmem>>, vector<1000x128xf32>
    %get3A_20 = arith.constant 0 : index
    %get3A_21 = arith.constant 0 : index
    %get3A_22 = vector.load %arg5[%get3A_20, %get3A_21] : memref<128x128xf32, #tpu.memory_space<vmem>>, vector<128x128xf32>
    %dot_general3A_23 = arith.constant dense<0.000000e+00> : vector<1000x128xf32>
    %dot_general3A_24 = tpu.matmul %get3A_19, %get3A_22, %dot_general3A_23 {dimension_numbers = #tpu.dot_dimension_numbers<[1], [0], [0], [1], [0, 0, 1, 1], [], []>, precision = #tpu.contract_precision<fp32>, transpose_lhs_hint = false} : vector<1000x128xf32>, vector<128x128xf32>, vector<1000x128xf32> -> vector<1000x128xf32>
    %add3A_25 = arith.addf %dot_general3A_16, %dot_general3A_24 : vector<1000x128xf32>
    %get3A_26 = arith.constant 0 : index
    %get3A_27 = arith.constant 0 : index
    %get3A_28 = vector.load %arg6[%get3A_26, %get3A_27] : memref<1x128xf32, #tpu.memory_space<vmem>>, vector<1x128xf32>
    %add3A_29 = vector.broadcast %get3A_28 : vector<1x128xf32> to vector<1000x128xf32>
    %add3A_30 = arith.addf %add3A_25, %add3A_29 : vector<1000x128xf32>
    %mul3A_31 = arith.mulf %add3A_30, %add3A_30 : vector<1000x128xf32>
    %reduce_sum3A = arith.constant dense<0.000000e+00> : vector<1000xf32>
    %reduce_sum3A_32 = vector.multi_reduction <add>, %mul3A_31, %reduce_sum3A [1] : vector<1000x128xf32> to vector<1000xf32>
    %broadcast_in_dim3A = vector.shape_cast %reduce_sum3A_32 : vector<1000xf32> to vector<1000x1xf32>
    %sqrt3A = math.sqrt %broadcast_in_dim3A : vector<1000x1xf32>
    %max3A = arith.constant 9.99999996E-13 : f32
    %max3A_33 = vector.broadcast %max3A : f32 to vector<1000x1xf32>
    %max3A_34 = arith.maximumf %sqrt3A, %max3A_33 : vector<1000x1xf32>
    %div3A = vector.broadcast %max3A_34 : vector<1000x1xf32> to vector<1000x128xf32>
    %div3A_35 = arith.divf %add3A_30, %div3A : vector<1000x128xf32>
    %get3A_36 = arith.constant 0 : index
    %get3A_37 = arith.constant 0 : index
    %get3A_38 = vector.load %arg7[%get3A_36, %get3A_37] : memref<128x64xf32, #tpu.memory_space<vmem>>, vector<128x64xf32>
    %dot_general3A_39 = arith.constant dense<0.000000e+00> : vector<1000x64xf32>
    %dot_general3A_40 = tpu.matmul %div3A_35, %get3A_38, %dot_general3A_39 {dimension_numbers = #tpu.dot_dimension_numbers<[1], [0], [0], [1], [0, 0, 1, 1], [], []>, precision = #tpu.contract_precision<fp32>, transpose_lhs_hint = false} : vector<1000x128xf32>, vector<128x64xf32>, vector<1000x64xf32> -> vector<1000x64xf32>
    %get3A_41 = arith.constant 0 : index
    %get3A_42 = arith.constant 0 : index
    %get3A_43 = vector.load %arg8[%get3A_41, %get3A_42] : memref<1x64xf32, #tpu.memory_space<vmem>>, vector<1x64xf32>
    %add3A_44 = vector.broadcast %get3A_43 : vector<1x64xf32> to vector<1000x64xf32>
    %add3A_45 = arith.addf %dot_general3A_40, %add3A_44 : vector<1000x64xf32>
    %reduce_max3A = arith.constant dense<0xFF800000> : vector<1000xf32>
    %reduce_max3A_46 = vector.multi_reduction <maximumf>, %add3A_45, %reduce_max3A [1] : vector<1000x64xf32> to vector<1000xf32>
    %broadcast_in_dim3A_47 = vector.shape_cast %reduce_max3A_46 : vector<1000xf32> to vector<1000x1xf32>
    %sub3A = vector.broadcast %broadcast_in_dim3A_47 : vector<1000x1xf32> to vector<1000x64xf32>
    %sub3A_48 = arith.subf %add3A_45, %sub3A : vector<1000x64xf32>
    %exp3A = math.exp %sub3A_48 : vector<1000x64xf32>
    %reduce_sum3A_49 = arith.constant dense<0.000000e+00> : vector<1000xf32>
    %reduce_sum3A_50 = vector.multi_reduction <add>, %exp3A, %reduce_sum3A_49 [1] : vector<1000x64xf32> to vector<1000xf32>
    %broadcast_in_dim3A_51 = vector.shape_cast %reduce_sum3A_50 : vector<1000xf32> to vector<1000x1xf32>
    %div3A_52 = vector.broadcast %broadcast_in_dim3A_51 : vector<1000x1xf32> to vector<1000x64xf32>
    %div3A_53 = arith.divf %exp3A, %div3A_52 : vector<1000x64xf32>
    %swap3A = arith.constant 0 : index
    %swap3A_54 = arith.constant 0 : index
    %swap3A_55 = vector.load %arg9[%swap3A, %swap3A_54] : memref<1000x64xf32, #tpu.memory_space<vmem>>, vector<1000x64xf32>
    tpu.vector_store %arg9[%swap3A, %swap3A_54], %div3A_53 {strides = array<i32>} : memref<1000x64xf32, #tpu.memory_space<vmem>>, vector<1000x64xf32>,
    return
  }
  func.func @transform_0(%arg0: i32) -> (i32, i32, i32) {
    %c0_i32 = arith.constant 0 : i32
    %c0_i32_0 = arith.constant 0 : i32
    %c0_i32_1 = arith.constant 0 : i32
    return %c0_i32, %arg0, %c0_i32_0 : i32, i32, i32
  }
  func.func @transform_1(%arg0: i32) -> (i32, i32) {
    %c0_i32 = arith.constant 0 : i32
    %c0_i32_0 = arith.constant 0 : i32
    return %arg0, %c0_i32 : i32, i32
  }
  func.func @transform_2(%arg0: i32) -> (i32, i32) {
    %c0_i32 = arith.constant 0 : i32
    %c0_i32_0 = arith.constant 0 : i32
    return %arg0, %c0_i32 : i32, i32
  }
  func.func @transform_3(%arg0: i32) -> (i32, i32) {
    %c0_i32 = arith.constant 0 : i32
    %c0_i32_0 = arith.constant 0 : i32
    %c0_i32_1 = arith.constant 0 : i32
    return %c0_i32, %c0_i32_0 : i32, i32
  }
  func.func @transform_4(%arg0: i32) -> (i32, i32) {
    %c0_i32 = arith.constant 0 : i32
    %c0_i32_0 = arith.constant 0 : i32
    %c0_i32_1 = arith.constant 0 : i32
    return %c0_i32, %c0_i32_0 : i32, i32
  }
  func.func @transform_5(%arg0: i32) -> (i32, i32) {
    %c0_i32 = arith.constant 0 : i32
    %c0_i32_0 = arith.constant 0 : i32
    %c0_i32_1 = arith.constant 0 : i32
    return %c0_i32, %c0_i32_0 : i32, i32
  }
  func.func @transform_6(%arg0: i32) -> (i32, i32) {
    %c0_i32 = arith.constant 0 : i32
    %c0_i32_0 = arith.constant 0 : i32
    %c0_i32_1 = arith.constant 0 : i32
    return %c0_i32, %c0_i32_0 : i32, i32
  }
  func.func @transform_7(%arg0: i32) -> (i32, i32) {
    %c0_i32 = arith.constant 0 : i32
    %c0_i32_0 = arith.constant 0 : i32
    %c0_i32_1 = arith.constant 0 : i32
    return %c0_i32, %c0_i32_0 : i32, i32
  }
  func.func @transform_8(%arg0: i32) -> (i32, i32) {
    %c0_i32 = arith.constant 0 : i32
    %c0_i32_0 = arith.constant 0 : i32
    return %arg0, %c0_i32 : i32, i32
  }
}

</mosaic_0001>

<sc_bundles>
// kernel: kernel.12.cloned.1.call-start
scs
__scs_entry_jumppad:
0x0: {  	(pc) =	sbr.rel $0x88, $3  }
0x1: {  	(tag) =	ssettag $0x0;
	lr =	simm.s32 $0x1  }
0x2: {  	[smem:$0x3F94] =	sst lr;
	_ =	strace $0xD0000000  }
0x3: {  	_ = 	snop  }
0x4: {  	_ = 	snop  }
0x5: {  	_ = 	snop  }
0x6: {  	_ = 	snop  }
0x7: {  	_ = 	snop  }
__scs_overlays_trampoline_lowered:
0x8: {  	[smem:$0x3FA3] =	sst s0  }
0x9: {  	[smem:$0x3FA4] =	sst s1  }
0xa: {  	[smem:$0x3FA5] =	sst s2  }
0xb: {  	[smem:$0x3FA6] =	sst s3  }
0xc: {  	[smem:$0x3FA7] =	sst s4  }
0xd: {  	[smem:$0x3FA8] =	sst s5  }
0xe: {  	[smem:$0x3FA9] =	sst s6  }
0xf: {  	[smem:$0x3FAA] =	sst s7  }
0x10: {  	[smem:$0x3FAB] =	sst s8  }
0x11: {  	[smem:$0x3FAC] =	sst s9;
	s0 =	simm.s32 @!p0 $0x0  }
0x12: {  	s1 =	sld [smem:$0x3F92];
	s0 =	simm.s32 @p0 $0x1  }
0x13: {  	[smem:$0x3FAD] =	sst s0;
	s0 =	simm.s32 @!p1 $0x0  }
0x14: {  	s2 =	sld [smem:$0x3F91];
	s0 =	simm.s32 @p1 $0x1  }
0x15: {  	[smem:$0x3FAE] =	sst s0;
	s0 =	simm.s32 @!p2 $0x0  }
0x16: {  	s3 =	sld [smem:$0x3FDB];
	s0 =	simm.s32 @p2 $0x1  }
0x17: {  	s4 =	simm.s32 $0x1BF5;
	[smem:$0x3FB0] =	sst s0  }
0x18: {  	s0 =	sld [smem:$0x3F93];
	_ =	swait.ge [sflag:s4], $0x0  }
0x19: {  	s7 =	sld [smem:$0x3F94]  }
0x1a: {  	s8 =	sadd.s32 $0xFFFFE003, lr  }
0x1b: {  	s9 =	sadd.s32 $0xFFFFFEF7, lr;
	s5 =	simm.s32 $0xFFFFFFFF;
	p2 =	slt.u32 s8, $0xFFFFF086  }
0x1c: {  	p1 =	slt.u32 s9, $0xF7A;
	s5 =	simm.s32 @!p2 $0x0  }
0x1d: {  	s5 =	simm.s32 @p1 $0x1;
	p0 =	seq.s32 s7, s2  }
0x1e: {  	s7 =	smul.u32 @!p0 $0xF7A, s2;
	p2 =	seq.s32 @!p0 s5, $0x0  }
0x1f: {  	s9 =	smul.u32 $0xF7A, s1;
	s8 =	simm.s32 @!p0 $0x1BF5;
	p2 =	por !p2, p0  }
0x20: {  	[sflag:s8] =	ssyncset.s32 @!p0 $0xFFFFF086;
	s6 =	sadd.s32 @!p0 s3, s7;
	s7 =	simm.s32 @!p0 $0x108  }
0x21: {  	s3 =	sadd.s32 s3, s9;
	s6 =	sadd.s32 @!p0 $0x88, s6;
	s7 =	simm.s32 @p2 $0x1082  }
0x22: {  	[simem:s7], [sflag:s8] =	dma.local @!p0 [hbm:s6], $0xF7A  }
0x23: {  	s9 =	sor.u32 $0xD0000000, s2;
	s6 =	simm.s32 $0x108;
	_ =	swait.ge @!p0 [sflag:s8], $0x0  }
0x24: {  	s3 =	sadd.s32 $0x88, s3;
	s6 =	simm.s32 @!p1 $0x1082;
	[sflag:s4] =	ssyncset.s32 $0xFFFFF086  }
0x25: {  	[simem:s6], [sflag:s4] =	dma.local [hbm:s3], $0xF7A  }
0x26: {  	[smem:$0x3F94] =	sst s1;
	(tag) =	ssettag s2;
	_ =	strace s9  }
0x27: {  	s1 =	sld [smem:$0x3FA4]  }
0x28: {  	s2 =	sld [smem:$0x3FA5]  }
0x29: {  	s4 =	sld [smem:$0x3FA7]  }
0x2a: {  	p0 =	seq.s32 s5, $0x0;
	s5 =	sld [smem:$0x3FA8]  }
0x2b: {  	s6 =	sld [smem:$0x3FA9]  }
0x2c: {  	s7 =	sld [smem:$0x3FAA]  }
0x2d: {  	s3 =	simm.s32 $0x108;
	s8 =	sld [smem:$0x3FAB]  }
0x2e: {  	s3 =	simm.s32 @!p0 $0x1082;
	s9 =	sld [smem:$0x3FAC]  }
0x2f: {  	lr =	sadd.s32 s0, s3;
	s0 =	sld [smem:$0x3FA3]  }
0x30: {  	s3 =	sld [smem:$0x3FA6]  }
0x31: {  	[smem:$0x3FAF] =	sst s10  }
0x32: {  	s10 =	sld [smem:$0x3FAD];
	_ =	sdelay $0x3  }
0x33: {  	p0 =	seq.s32 s10, $0x1;
	s10 =	sld [smem:$0x3FAF];
	_ =	sdelay $0x3  }
0x34: {  	[smem:$0x3FAF] =	sst s10  }
0x35: {  	s10 =	sld [smem:$0x3FAE];
	_ =	sdelay $0x3  }
0x36: {  	p1 =	seq.s32 s10, $0x1;
	s10 =	sld [smem:$0x3FAF];
	_ =	sdelay $0x3  }
0x37: {  	[smem:$0x3FAF] =	sst s10  }
0x38: {  	s10 =	sld [smem:$0x3FB0]  }
0x39: {  	_ = 	snop;
	(pc) =	sbr.ind lr, $3  }
0x3a: {  	_ = 	snop  }
0x3b: {  	_ = 	snop  }
0x3c: {  	p2 =	seq.s32 s10, $0x1;
	s10 =	sld [smem:$0x3FAF]  }
0x3d: {  	_ =	shalt  }
0x3e: {  	_ =	shalt  }
0x3f: {  	_ =	shalt  }
0x40: {  	_ =	shalt  }
0x41: {  	_ =	shalt  }
0x42: {  	_ =	shalt  }
0x43: {  	_ =	shalt  }
0x44: {  	_ =	shalt  }
0x45: {  	_ =	shalt  }
0x46: {  	_ =	shalt  }
0x47: {  	_ =	shalt  }
0x48: {  	_ =	shalt  }
0x49: {  	_ =	shalt  }
0x4a: {  	_ =	shalt  }
0x4b: {  	_ =	shalt  }
0x4c: {  	_ =	shalt  }
0x4d: {  	_ =	shalt  }
0x4e: {  	_ =	shalt  }
0x4f: {  	_ =	shalt  }
0x50: {  	_ =	shalt  }
0x51: {  	_ =	shalt  }
0x52: {  	_ =	shalt  }
0x53: {  	_ =	shalt  }
0x54: {  	_ =	shalt  }
0x55: {  	_ =	shalt  }
0x56: {  	_ =	shalt  }
0x57: {  	_ =	shalt  }
0x58: {  	_ =	shalt  }
0x59: {  	_ =	shalt  }
0x5a: {  	_ =	shalt  }
0x5b: {  	_ =	shalt  }
0x5c: {  	_ =	shalt  }
0x5d: {  	_ =	shalt  }
0x5e: {  	_ =	shalt  }
0x5f: {  	_ =	shalt  }
0x60: {  	_ =	shalt  }
0x61: {  	_ =	shalt  }
0x62: {  	_ =	shalt  }
0x63: {  	_ =	shalt  }
0x64: {  	_ =	shalt  }
0x65: {  	_ =	shalt  }
0x66: {  	_ =	shalt  }
0x67: {  	_ =	shalt  }
0x68: {  	_ =	shalt  }
0x69: {  	_ =	shalt  }
0x6a: {  	_ =	shalt  }
0x6b: {  	_ =	shalt  }
0x6c: {  	_ =	shalt  }
0x6d: {  	_ =	shalt  }
0x6e: {  	_ =	shalt  }
0x6f: {  	_ =	shalt  }
0x70: {  	_ =	shalt  }
0x71: {  	_ =	shalt  }
0x72: {  	_ =	shalt  }
0x73: {  	_ =	shalt  }
0x74: {  	_ =	shalt  }
0x75: {  	_ =	shalt  }
0x76: {  	_ =	shalt  }
0x77: {  	_ =	shalt  }
0x78: {  	_ =	shalt  }
0x79: {  	_ =	shalt  }
0x7a: {  	_ =	shalt  }
0x7b: {  	_ =	shalt  }
0x7c: {  	_ =	shalt  }
0x7d: {  	_ =	shalt  }
0x7e: {  	_ =	shalt  }
0x7f: {  	_ =	shalt  }
0x80: {  	_ =	shalt  }
0x81: {  	_ =	shalt  }
0x82: {  	_ =	shalt  }
0x83: {  	_ =	shalt  }
0x84: {  	_ =	shalt  }
0x85: {  	_ =	shalt  }
0x86: {  	_ =	shalt  }
0x87: {  	_ =	shalt  }
.Lfunc_end0:
.L_simem_size_0:
called_computation.1_lowered:
.L_overlay_start_0:
0x88: {  	s2 =	sld [smem:$0x3FD9]  }
0x89: {  	s3 =	sld [smem:$0x3FFE];
	_ =	sdelay $0x1  }
0x8a: {  	s1 =	srdreg.scid  }
0x8b: {  	s0 =	sand.u32 $0x1, s1  }
0x8c: {  	s17 =	sshll.u32 s0, $0xA;
	s2 =	sadd.s32 s3, s2  }
0x8d: {  	s2 =	sadd.s32 s2, s17  }
0x8e: {  	[smem:$0x3FBB] =	sst s2  }
0x8f: {  	_ = 	snop  }
0x90: {  	s2 =	sld [smem:$0x3FC9]  }
0x91: {  	s18 =	sld [smem:$0x3FD0];
	(tm) =	ssettm $0x1  }
0x92: {  	s4 =	sld [smem:$0x3FFB];
	_ =	sdelay $0x3  }
0x93: {  	_ =	strace s4  }
0x94: {  	s4 =	sld [smem:$0x3FFC];
	_ =	sdelay $0x3  }
0x95: {  	_ =	strace s4  }
0x96: {  	s4 =	sld [smem:$0x3FFD];
	_ =	sdelay $0x3  }
0x97: {  	_ =	strace s4  }
0x98: {  	_ =	strace $0x8FFFFFFF  }
0x99: {  	s19 =	sld [smem:$0x3FDB];
	_ =	sdelay $0x1  }
0x9a: {  	s5 =	simm.s32 $_scs_section_size  }
0x9b: {  	s6 =	simm.s32 $_size__tile_overlayer_lowered;
	s7 =	simm.s32 $_tile_overlayer_lowered  }
0x9c: {  	s22 =	simm.s32 $0x1BFF;
	s21 =	sshll.u32 s7, $0x1;
	s4 =	sadd.s32 s5, s19  }
0x9d: {  	s8 =	simm.s32 $0x0;
	s20 =	sshll.u32 s6, $0x1;
	s6 =	sadd.s32 s21, s4  }
0x9e: {  	[timem:s8], [sflag:s22] =	dma.local [hbm:s6], s20  }
0x9f: {  	_ =	swait.ge [sflag:s22], s20  }
0xa0: {  	s5 =	ssub.s32 $0x0, s20;
	[sflag:s22] =	ssyncset.done $0x0  }
0xa1: {  	[sflag:s22] =	ssyncadd.s32 s5;
	_ =	sdelay $0x1  }
0xa2: {  	s23 =	simm.s32 $0x1B8B  }
0xa3: {  	_ =	swait.ge [sflag:s23], $0x1  }
0xa4: {  	[sflag:s23] =	ssyncset.done $0x0  }
0xa5: {  	s25 =	simm.s32 $0x1B8E;
	s24 =	sld [smem:$0x3FFE];
	[sflag:s23] =	ssyncadd.s32 $0xFFFFFFFF  }
0xa6: {  	s26 =	simm.s32 $execute0_lowered;
	[smem:$0x3FD2] =	sst s25  }
0xa7: {  	s6 =	sshll.u32 s26, $0x1;
	_ =	strace $0x80000046;
	[dreg:$0x1] =	wrdreg $0xFFFFFFFF  }
0xa8: {  	s28 =	simm.s32 $_size_execute0_lowered;
	s4 =	sadd.s32 s4, s6;
	[dreg:$0x0] =	wrdreg $0x0  }
0xa9: {  	s6 =	sshll.u32 s28, $0x1;
	[dreg:$0x2] =	wrdreg s4  }
0xaa: {  	[dreg:$0x3] =	wrdreg s6  }
0xab: {  	[dreg:$0x4] =	wrdreg $0xC0  }
0xac: {  	_ =	task [dreg:s8], $0x5FFFF  }
0xad: {  	[dreg:$0x1] =	wrdreg $0xFFFFFFFF  }
0xae: {  	[dreg:$0x0] =	wrdreg $0x60  }
0xaf: {  	[dreg:$0x2] =	wrdreg s2  }
0xb0: {  	[dreg:$0x3] =	wrdreg s18  }
0xb1: {  	[dreg:$0x4] =	wrdreg s24  }
0xb2: {  	[dreg:$0x5] =	wrdreg $0x0  }
0xb3: {  	[dreg:$0x6] =	wrdreg $0xA  }
0xb4: {  	_ =	task.clear_ibuf [dreg:s8], $0x7FFFF;
	_ =	strace $0x90000046  }
0xb5: {  	s29 =	simm.s32 $0xA;
	_ =	strace $0x80000048  }
0xb6: {  	_ =	swait.ge [sflag:s29], $0x1  }
0xb7: {  	[sflag:s29] =	ssyncadd.s32 $0xFFFFFFFF  }
0xb8: {  	_ =	strace $0x90000048  }
0xb9: {  	_ =	sfence  }
0xba: {  	s30 =	sld [smem:$0x0];
	_ =	sdelay $0x2  }
0xbb: {  	s31 =	sshll.u32 s1, $0xD;
	s1 =	sshrl.u32 s1, $0x2  }
0xbc: {  	s3 =	sand.u32 $0x4000, s31;
	s1 =	sadd.s32 s1, s30  }
0xbd: {  	s0 =	sor.u32 s3, s0;
	s1 =	sshll.u32 s1, $0x11  }
0xbe: {  	s0 =	sor.u32 s1, s0  }
0xbf: {  	s0 =	sadd.s32 $0x8F2B, s0  }
0xc0: {  	[sflag:s0] =	ssyncadd.remote.s32 $0x1  }
0xc1: {  	_ =	sfence.sel $0xFFFF  }
0xc2: {  	[dreg:$0x0] =	wrdreg $0xFFFFFFFF;
	(pc) =	sbr.abs _section_cstart, $3  }
0xc3: {  	[dreg:$0x1] =	wrdreg $0xFFFFFFFF  }
0xc4: {  	_ =	task.clear_ibuf [dreg:s8], $0x2FFFF;
	_ =	strace $0x9FFFFFFF  }
0xc5: {  	(tm) =	ssettm $0x7FFFFFFF  }
tec
execute0_lowered:
.L_overlay_start_1:
0x0: {  	(tag) =	ssettag $0x1  }
0x1: {  	s1 =	rddreg [dreg:$0x0]  }
0x2: {  	s2 =	rddreg [dreg:$0x1]  }
0x3: {  	s0 =	rddreg [dreg:$0x2]  }
0x4: {  	s3 =	rddreg [dreg:$0x3];
	s4 =	simm.s32 $0x0;
	s5 =	srdreg.scid  }
0x5: {  	s15 =	stileid.u32;
	s28 =	simm.s32 $0x13B40;
	s31 =	simm.s32 $0x80  }
0x6: {  	[smem:$0x7FF] =	sst s4;
	s6 =	sadd.s32 $0x3600, s0;
	s7 =	sadd.s32 $0xE600, s0  }
0x7: {  	s5 =	sand.u32 $0x1, s5;
	s8 =	sshll.u32 s15, $0x1;
	s9 =	smul.u32 $0x4E000, s15  }
0x8: {  	s0 =	sadd.s32 $0x10E00, s0;
	s21 =	sshll.u32 s15, $0x6;
	s13 =	sadd.s32 $0x138000, s3  }
0x9: {  	s14 =	smul.u32 $0x13800, s15;
	p0 =	sne.s32 s15, $0xF;
	s15 =	simm.s32 $0x0  }
0xa: {  	_ =	strace $0x80000047;
	s10 =	ssub.s32 $0x2, s5;
	s8 =	sor.u32 s5, s8  }
0xb: {  	s5 =	smul.u32 $0x138800, s5;
	[dreg:$0x5] =	wrdreg s13;
	s11 =	sshrl.u32 s10, $0x1  }
0xc: {  	s9 =	sshrl.u32 s9, $0x2;
	s8 =	smul.u32 $0x2C00, s8;
	s10 =	ssub.s32 s10, s11  }
0xd: {  	s20 =	sadd.s32 s9, s3;
	s9 =	sor.u32 $0x1C0A, s21;
	s25 =	sadd.s32 s14, s5  }
0xe: {  	s5 =	sshrl.u32 s5, $0x3;
	s21 =	simm.s32 $0xA;
	s11 =	simm.s32 $0x6  }
0xf: {  	s14 =	simm.s32 $0x9;
	s12 =	sshrl.u32 s8, $0x3;
	s30 =	smax.u32 s10, $0x1  }
0x10: {  	s20 =	sshrl.u32 s20, $0x3;
	s16 =	sadd.s32 s2, s12;
	[dreg:$0xe] =	wrdreg s30  }
0x11: {  	s22 =	sor.u32 $0x10, s12;
	s23 =	sadd.s32 s6, s12;
	[dreg:$0x6] =	wrdreg s16  }
0x12: {  	s10 =	simm.s32 $0x3;
	[dreg:$0x7] =	wrdreg s23;
	s24 =	sadd.s32 s2, s22  }
0x13: {  	s12 =	sor.u32 $0x20, s12;
	s13 =	sadd.s32 s6, s22;
	[dreg:$0x8] =	wrdreg s24  }
0x14: {  	s26 =	sadd.s32 s2, s12;
	s12 =	sadd.s32 s6, s12;
	[dreg:$0x9] =	wrdreg s13  }
.Ltmp0:
0x15: {  	s23 =	simm.s32 $0x13A40;
	[dreg:$0xa] =	wrdreg s26;
	(pc) =	sbr.rel .LBB2_1-.Ltmp0, $4  }
0x16: {  	s13 =	sshrl.u32 s25, $0x3;
	[dreg:$0xb] =	wrdreg s12;
	s26 =	simm.s32 $0x139C0  }
0x17: {  	s25 =	simm.s32 $0x5;
	s29 =	sadd.s32 s0, s13;
	s0 =	sadd.s32 s0, s5  }
0x18: {  	s12 =	simm.s32 $0x1BBC0;
	[dreg:$0xc] =	wrdreg s29;
	s0 =	sadd.s32 $0x27000, s0  }
0x19: {  	s13 =	simm.s32 $0x7;
	[dreg:$0xd] =	wrdreg s0;
	s0 =	simm.s32 $0x13BC0  }
.LBB2_4:
0x1a: {  	[bflag:$0x0] =	sbarrier.arrive $0xFFFF  }
0x1b: {  	s5 =	rddreg [dreg:$0xc]  }
0x1c: {  	[hbm:s5], [sflag:s9] =	dma.local [spmem:s20], $0x2700  }
0x1d: {  	_ =	swait.ge [sflag:s21], $0x2700  }
0x1e: {  	[sflag:s21] =	ssyncset.done $0x0  }
0x1f: {  	s5 =	rddreg [dreg:$0xd];
	[sflag:s21] =	ssyncadd.s32 $0xFFFFD900  }
0x20: {  	[hbm:s5], [sflag:s9] =	dma.local @!p0 [spmem:s16], $0x100  }
0x21: {  	s5 =	simm.s32 @!p0 $0xA  }
0x22: {  	_ =	swait.ge @!p0 [sflag:s5], $0x100  }
0x23: {  	s15 =	sadd.s32 $0x1, s15;
	s30 =	rddreg [dreg:$0xe]  }
0x24: {  	p1 =	sne.s32 s15, s30  }
.Ltmp1:
0x25: {  	_ = 	snop;
	(pc) =	sbr.rel @!p1 .LBB2_5-.Ltmp1, $3  }
0x26: {  	_ =	sdelay $0x1  }
0x27: {  	[sflag:s5] =	ssyncset.done @!p0 $0x0  }
0x28: {  	[sflag:s5] =	ssyncadd.s32 @!p0 $0xFFFFFF00  }
.LBB2_1:
0x29: {  	[spmem:s20], [sflag:s9] =	dma.local [hbm:s7], $0x2700  }
0x2a: {  	_ =	swait.ge [sflag:s21], $0x2700  }
0x2b: {  	[sflag:s21] =	ssyncset.done $0x0;
	s5 =	rddreg [dreg:$0x5]  }
0x2c: {  	s17 =	simm.s32 @!p0 $0xA;
	[sflag:s21] =	ssyncadd.s32 $0xFFFFD900;
	s16 =	sshrl.u32 @!p0 s5, $0x3  }
0x2d: {  	[spmem:s16], [sflag:s9] =	dma.local @!p0 [hbm:s7], $0x100  }
0x2e: {  	_ =	swait.ge @!p0 [sflag:s17], $0x100  }
0x2f: {  	[sflag:s17] =	ssyncset.done @!p0 $0x0  }
0x30: {  	[sflag:s17] =	ssyncadd.s32 @!p0 $0xFFFFFF00  }
0x31: {  	[bflag:$0x0] =	sbarrier.arrive $0xFFFF  }
0x32: {  	s17 =	simm.s32 $0x138C0;
	s19 =	rddreg [dreg:$0x6]  }
0x33: {  	[tilespmem:s17], [sflag:$0x1] =	stream.linear.gather [hbm4b:s19+s4], $0x80, $0x38;
	[tilespmem:$0x1FBC0] =	vst v63  }
0x34: {  	s22 =	rddreg [dreg:$0x7]  }
0x35: {  	[tilespmem:s23], [sflag:$0x4] =	stream.linear.gather [hbm4b:s22+s4], $0x80, $0x38;
	[tilespmem:$0x1FBC0] =	vst v63  }
0x36: {  	s18 =	simm.s32 $0x13940;
	s24 =	rddreg [dreg:$0x8]  }
0x37: {  	[tilespmem:s18], [sflag:$0x2] =	stream.linear.gather [hbm4b:s24+s4], $0x80, $0x38;
	[tilespmem:$0x1FBC0] =	vst v63  }
0x38: {  	s29 =	rddreg [dreg:$0x9];
	s19 =	simm.s32 $0x13AC0  }
0x39: {  	[tilespmem:s19], [sflag:$0x5] =	stream.linear.gather [hbm4b:s29+s4], $0x80, $0x38;
	[tilespmem:$0x1FBC0] =	vst v63  }
0x3a: {  	s30 =	rddreg [dreg:$0xa]  }
0x3b: {  	[tilespmem:s26], [sflag:$0x3] =	stream.linear.gather [hbm4b:s30+s4], $0x80, $0x38;
	[tilespmem:$0x1FBC0] =	vst v63  }
0x3c: {  	s22 =	simm.s32 $0x1;
	s19 =	rddreg [dreg:$0xb]  }
0x3d: {  	[tilespmem:s28], [sflag:$0x6] =	stream.linear.gather [hbm4b:s19+s4], $0x80, $0x38;
	[tilespmem:$0x1FBC0] =	vst v63  }
0x3e: {  	_ =	swait.ge [sflag:s22], $0x80  }
0x3f: {  	[sflag:s22] =	ssyncset.done $0x0  }
0x40: {  	s24 =	simm.s32 $0x4;
	[sflag:s22] =	ssyncadd.s32 $0xFFFFFF80  }
0x41: {  	_ =	swait.ge [sflag:s24], $0x80  }
0x42: {  	[sflag:s24] =	ssyncset.done $0x0  }
0x43: {  	s29 =	simm.s32 $0x2;
	[sflag:s24] =	ssyncadd.s32 $0xFFFFFF80  }
0x44: {  	[tilespmem:s0], [sflag:$0x7] =	stream.indirect.gather [hbm4b:s1+s31], $0x80, s17, s31, $0xb8;
	[tilespmem:$0x1FBC0] =	vst v63  }
0x45: {  	_ =	swait.ge [sflag:s29], $0x80  }
0x46: {  	[sflag:s29] =	ssyncset.done $0x0  }
0x47: {  	[sflag:s29] =	ssyncadd.s32 $0xFFFFFF80  }
0x48: {  	_ =	swait.ge [sflag:s25], $0x80  }
0x49: {  	[sflag:s25] =	ssyncset.done $0x0  }
0x4a: {  	s30 =	simm.s32 $0x17BC0;
	s17 =	simm.s32 $0x280;
	[sflag:s25] =	ssyncadd.s32 $0xFFFFFF80  }
0x4b: {  	[tilespmem:s30], [sflag:$0x8] =	stream.indirect.gather [hbm4b:s1+s31], $0x80, s18, s31, $0xb8;
	[tilespmem:$0x1FBC0] =	vst v63  }
.LBB2_2:
0x4c: {  	_ =	swait.ge [sflag:s10], $0x80  }
0x4d: {  	[sflag:s10] =	ssyncset.done $0x0  }
0x4e: {  	[sflag:s10] =	ssyncadd.s32 $0xFFFFFF80  }
0x4f: {  	_ =	swait.ge [sflag:s11], $0x80  }
0x50: {  	[sflag:s11] =	ssyncset.done $0x0  }
0x51: {  	[sflag:s11] =	ssyncadd.s32 $0xFFFFFF80  }
0x52: {  	[tilespmem:s12], [sflag:$0x9] =	stream.indirect.gather [hbm4b:s1+s31], $0x80, s26, s31, $0xb8;
	[tilespmem:$0x1FBC0] =	vst v63  }
0x53: {  	_ =	swait.ge [sflag:s13], $0x4000  }
0x54: {  	[sflag:s13] =	ssyncset.done $0x0  }
0x55: {  	[sflag:s13] =	ssyncadd.s32 $0xFFFFC000  }
0x56: {  	[spmem:s3] =	stream.indirect.scatter.add.f32 [tilespmem:s0], [sflag:$0xA], $0x80, s23, s31, $0xb8;
	[tilespmem:$0x1FBC0] =	vst v63  }
0x57: {  	_ =	swait.ge [sflag:s21], $0x4000  }
0x58: {  	p1 =	seq.s32 s17, $0x2980;
	[sflag:s21] =	ssyncset.done $0x0  }
0x59: {  	s18 =	simm.s32 @p1 $0x8;
	[sflag:s21] =	ssyncadd.s32 $0xFFFFC000  }
0x5a: {  	_ =	swait.ge @p1 [sflag:s18], $0x4000  }
0x5b: {  	s19 =	simm.s32 @p1 $0x13AC0;
	[sflag:s18] =	ssyncset.done @p1 $0x0  }
0x5c: {  	s22 =	simm.s32 @p1 $0x17BC0;
	[sflag:s18] =	ssyncadd.s32 @p1 $0xFFFFC000;
	s18 =	simm.s32 @p1 $0x80  }
0x5d: {  	[spmem:s3] =	stream.indirect.scatter.add.f32 @p1 [tilespmem:s22], [sflag:$0xA], $0x80, s19, s18, $0xb8;
	[tilespmem:$0x1FBC0] =	vst v63  }
0x5e: {  	s18 =	sadd.s32 @!p1 $0xFFFFFF00, s17  }
0x5f: {  	s22 =	sand.u32 @!p1 $0x7C00, s18  }
0x60: {  	s19 =	simm.s32 @p1 $0xA;
	s18 =	sand.u32 @!p1 $0x380, s18;
	s22 =	sadd.s32 @!p1 s8, s22  }
0x61: {  	_ =	swait.ge @p1 [sflag:s19], $0x4000;
	s18 =	sor.u32 @!p1 s18, s22  }
0x62: {  	s24 =	simm.s32 @!p1 $0x138C0;
	[sflag:s19] =	ssyncset.done @p1 $0x0;
	s18 =	sshrl.u32 @!p1 s18, $0x3  }
0x63: {  	[sflag:s19] =	ssyncadd.s32 @p1 $0xFFFFC000;
	s22 =	simm.s32 @!p1 $0x0;
	s19 =	sadd.s32 @!p1 s2, s18  }
0x64: {  	[tilespmem:s24], [sflag:$0x1] =	stream.linear.gather @!p1 [hbm4b:s19+s22], $0x80, $0x38;
	[tilespmem:$0x1FBC0] =	vst v63  }
0x65: {  	s18 =	sadd.s32 @!p1 s6, s18;
	s19 =	simm.s32 @!p1 $0x13A40  }
0x66: {  	[tilespmem:s19], [sflag:$0x4] =	stream.linear.gather @!p1 [hbm4b:s18+s22], $0x80, $0x38;
	[tilespmem:$0x1FBC0] =	vst v63  }
0x67: {  	s18 =	simm.s32 @!p1 $0x1  }
0x68: {  	_ =	swait.ge @!p1 [sflag:s18], $0x80  }
0x69: {  	[sflag:s18] =	ssyncset.done @!p1 $0x0  }
0x6a: {  	[sflag:s18] =	ssyncadd.s32 @!p1 $0xFFFFFF80;
	s18 =	simm.s32 @!p1 $0x4  }
0x6b: {  	_ =	swait.ge @!p1 [sflag:s18], $0x80  }
0x6c: {  	[sflag:s18] =	ssyncset.done @!p1 $0x0  }
0x6d: {  	s19 =	simm.s32 @!p1 $0x13BC0;
	[sflag:s18] =	ssyncadd.s32 @!p1 $0xFFFFFF80;
	s18 =	simm.s32 @!p1 $0x80  }
0x6e: {  	[tilespmem:s19], [sflag:$0x7] =	stream.indirect.gather @!p1 [hbm4b:s1+s18], $0x80, s24, s18, $0xb8;
	[tilespmem:$0x1FBC0] =	vst v63  }
0x6f: {  	s29 =	sadd.s32 @!p1 $0xFFFFFF80, s17;
	s19 =	simm.s32 @!p1 $0x8  }
0x70: {  	s5 =	simm.s32 @!p1 $0xA;
	s30 =	sand.u32 @!p1 $0x7C00, s29;
	_ =	swait.ge @!p1 [sflag:s19], $0x4000  }
0x71: {  	s29 =	sand.u32 @!p1 $0x380, s29;
	s30 =	sadd.s32 @!p1 s8, s30;
	[sflag:s19] =	ssyncset.done @!p1 $0x0  }
0x72: {  	s24 =	simm.s32 @!p1 $0x17BC0;
	[sflag:s19] =	ssyncadd.s32 @!p1 $0xFFFFC000;
	s19 =	simm.s32 @!p1 $0x13AC0  }
0x73: {  	[spmem:s3] =	stream.indirect.scatter.add.f32 @!p1 [tilespmem:s24], [sflag:$0xA], $0x80, s19, s18, $0xb8;
	[tilespmem:$0x1FBC0] =	vst v63  }
0x74: {  	s29 =	sor.u32 @!p1 s29, s30;
	_ =	swait.ge @!p1 [sflag:s5], $0x4000  }
0x75: {  	s29 =	sshrl.u32 @!p1 s29, $0x3;
	[sflag:s5] =	ssyncset.done @!p1 $0x0  }
0x76: {  	s30 =	simm.s32 @!p1 $0x13940;
	[sflag:s5] =	ssyncadd.s32 @!p1 $0xFFFFC000;
	s5 =	sadd.s32 @!p1 s2, s29  }
0x77: {  	[tilespmem:s30], [sflag:$0x2] =	stream.linear.gather @!p1 [hbm4b:s5+s22], $0x80, $0x38;
	[tilespmem:$0x1FBC0] =	vst v63  }
0x78: {  	s5 =	sadd.s32 @!p1 s6, s29  }
0x79: {  	[tilespmem:s19], [sflag:$0x5] =	stream.linear.gather @!p1 [hbm4b:s5+s22], $0x80, $0x38;
	[tilespmem:$0x1FBC0] =	vst v63  }
0x7a: {  	s5 =	simm.s32 @!p1 $0x2  }
0x7b: {  	_ =	swait.ge @!p1 [sflag:s5], $0x80  }
0x7c: {  	[sflag:s5] =	ssyncset.done @!p1 $0x0  }
0x7d: {  	[sflag:s5] =	ssyncadd.s32 @!p1 $0xFFFFFF80;
	s5 =	simm.s32 @!p1 $0x5  }
0x7e: {  	_ =	swait.ge @!p1 [sflag:s5], $0x80  }
0x7f: {  	[sflag:s5] =	ssyncset.done @!p1 $0x0  }
0x80: {  	[sflag:s5] =	ssyncadd.s32 @!p1 $0xFFFFFF80  }
0x81: {  	[tilespmem:s24], [sflag:$0x8] =	stream.indirect.gather @!p1 [hbm4b:s1+s18], $0x80, s30, s18, $0xb8;
	[tilespmem:$0x1FBC0] =	vst v63  }
0x82: {  	_ =	swait.ge [sflag:s14], $0x4000  }
0x83: {  	[sflag:s14] =	ssyncset.done $0x0  }
.Ltmp2:
0x84: {  	[sflag:s14] =	ssyncadd.s32 $0xFFFFC000;
	(pc) =	sbr.rel @p1 .LBB2_4-.Ltmp2, $4  }
0x85: {  	[spmem:s3] =	stream.indirect.scatter.add.f32 [tilespmem:s12], [sflag:$0xA], $0x80, s28, s31, $0xb8;
	[tilespmem:$0x1FBC0] =	vst v63  }
0x86: {  	_ =	swait.ge [sflag:s21], $0x4000  }
0x87: {  	[sflag:s21] =	ssyncset.done $0x0  }
0x88: {  	[sflag:s21] =	ssyncadd.s32 $0xFFFFC000  }
0x89: {  	s5 =	sand.u32 $0x7C00, s17  }
0x8a: {  	s18 =	sand.u32 $0x380, s17;
	s5 =	sadd.s32 s8, s5  }
0x8b: {  	s5 =	sor.u32 s18, s5  }
.Ltmp3:
0x8c: {  	s5 =	sshrl.u32 s5, $0x3;
	(pc) =	sbr.rel .LBB2_2-.Ltmp3, $4  }
0x8d: {  	s30 =	sadd.s32 s2, s5  }
0x8e: {  	[tilespmem:s26], [sflag:$0x3] =	stream.linear.gather [hbm4b:s30+s4], $0x80, $0x38;
	[tilespmem:$0x1FBC0] =	vst v63  }
0x8f: {  	s17 =	sadd.s32 $0x180, s17;
	s5 =	sadd.s32 s6, s5  }
0x90: {  	[tilespmem:s28], [sflag:$0x6] =	stream.linear.gather [hbm4b:s5+s4], $0x80, $0x38;
	[tilespmem:$0x1FBC0] =	vst v63  }
.LBB2_5:
0x91: {  	_ =	sfence.sel $0x180000  }
0x92: {  	[bflag:$0x0] =	sbarrier.arrive $0xFFFF  }
0x93: {  	_ =	strace $0x90000047  }
0x94: {  	s0 =	stileid.u32;
	[bflag:$0x2] =	sbarrier.arrive $0xFFFF  }
0x95: {  	p0 =	sne.s32 s0, $0x0;
	s0 =	rddreg [dreg:$0x4]  }
0x96: {  	s0 =	sadd.s32 @!p0 $0x100000, s0  }
0x97: {  	[sflag:s0] =	ssyncadd.tile.s32 @!p0 $0x1;
	_ =	shalt  }
.Lfunc_end2:
_tile_overlayer_lowered:
.L_overlay_start_2:
0x98: {  	(tag) =	ssettag $0x2  }
0x99: {  	s0 =	rddreg [dreg:$0x0];
	s2 =	stileid.u32  }
0x9a: {  	s1 =	rddreg [dreg:$0x1];
	p0 =	sne.s32 s2, $0x0  }
0x9b: {  	s3 =	rddreg [dreg:$0x2];
	[bflag:$0x3] =	sbarrier.arrive $0xFFFF;
	s2 =	simm.s32 @!p0 $0x1C0A  }
0x9c: {  	[timem:s3], [sflag:s2] =	dma.local @!p0 [hbm:s0], s1  }
0x9d: {  	s0 =	simm.s32 @!p0 $0xA  }
0x9e: {  	_ =	swait.ge @!p0 [sflag:s0], s1  }
0x9f: {  	s1 =	ssub.s32 @!p0 $0x0, s1;
	[sflag:s0] =	ssyncset.done @!p0 $0x0  }
0xa0: {  	[sflag:s0] =	ssyncadd.s32 @!p0 s1  }
0xa1: {  	[bflag:$0x3] =	sbarrier.arrive $0xFFFF  }
0xa2: {  	_ =	shalt  }

// kernel: kernel.15.cloned.1.call-start
scs
__scs_entry_jumppad:
0x0: {  	(pc) =	sbr.rel $0x88, $3  }
0x1: {  	(tag) =	ssettag $0x0;
	lr =	simm.s32 $0x1  }
0x2: {  	[smem:$0x3F94] =	sst lr;
	_ =	strace $0xD0000000  }
0x3: {  	_ = 	snop  }
0x4: {  	_ = 	snop  }
0x5: {  	_ = 	snop  }
0x6: {  	_ = 	snop  }
0x7: {  	_ = 	snop  }
__scs_overlays_trampoline_lowered:
0x8: {  	[smem:$0x3FA3] =	sst s0  }
0x9: {  	[smem:$0x3FA4] =	sst s1  }
0xa: {  	[smem:$0x3FA5] =	sst s2  }
0xb: {  	[smem:$0x3FA6] =	sst s3  }
0xc: {  	[smem:$0x3FA7] =	sst s4  }
0xd: {  	[smem:$0x3FA8] =	sst s5  }
0xe: {  	[smem:$0x3FA9] =	sst s6  }
0xf: {  	[smem:$0x3FAA] =	sst s7  }
0x10: {  	[smem:$0x3FAB] =	sst s8  }
0x11: {  	[smem:$0x3FAC] =	sst s9;
	s0 =	simm.s32 @!p0 $0x0  }
0x12: {  	s1 =	sld [smem:$0x3F92];
	s0 =	simm.s32 @p0 $0x1  }
0x13: {  	[smem:$0x3FAD] =	sst s0;
	s0 =	simm.s32 @!p1 $0x0  }
0x14: {  	s2 =	sld [smem:$0x3F91];
	s0 =	simm.s32 @p1 $0x1  }
0x15: {  	[smem:$0x3FAE] =	sst s0;
	s0 =	simm.s32 @!p2 $0x0  }
0x16: {  	s3 =	sld [smem:$0x3FDB];
	s0 =	simm.s32 @p2 $0x1  }
0x17: {  	s4 =	simm.s32 $0x1BF5;
	[smem:$0x3FB0] =	sst s0  }
0x18: {  	s0 =	sld [smem:$0x3F93];
	_ =	swait.ge [sflag:s4], $0x0  }
0x19: {  	s7 =	sld [smem:$0x3F94]  }
0x1a: {  	s8 =	sadd.s32 $0xFFFFE003, lr  }
0x1b: {  	s9 =	sadd.s32 $0xFFFFFEF7, lr;
	s5 =	simm.s32 $0xFFFFFFFF;
	p2 =	slt.u32 s8, $0xFFFFF086  }
0x1c: {  	p1 =	slt.u32 s9, $0xF7A;
	s5 =	simm.s32 @!p2 $0x0  }
0x1d: {  	s5 =	simm.s32 @p1 $0x1;
	p0 =	seq.s32 s7, s2  }
0x1e: {  	s7 =	smul.u32 @!p0 $0xF7A, s2;
	p2 =	seq.s32 @!p0 s5, $0x0  }
0x1f: {  	s9 =	smul.u32 $0xF7A, s1;
	s8 =	simm.s32 @!p0 $0x1BF5;
	p2 =	por !p2, p0  }
0x20: {  	[sflag:s8] =	ssyncset.s32 @!p0 $0xFFFFF086;
	s6 =	sadd.s32 @!p0 s3, s7;
	s7 =	simm.s32 @!p0 $0x108  }
0x21: {  	s3 =	sadd.s32 s3, s9;
	s6 =	sadd.s32 @!p0 $0x88, s6;
	s7 =	simm.s32 @p2 $0x1082  }
0x22: {  	[simem:s7], [sflag:s8] =	dma.local @!p0 [hbm:s6], $0xF7A  }
0x23: {  	s9 =	sor.u32 $0xD0000000, s2;
	s6 =	simm.s32 $0x108;
	_ =	swait.ge @!p0 [sflag:s8], $0x0  }
0x24: {  	s3 =	sadd.s32 $0x88, s3;
	s6 =	simm.s32 @!p1 $0x1082;
	[sflag:s4] =	ssyncset.s32 $0xFFFFF086  }
0x25: {  	[simem:s6], [sflag:s4] =	dma.local [hbm:s3], $0xF7A  }
0x26: {  	[smem:$0x3F94] =	sst s1;
	(tag) =	ssettag s2;
	_ =	strace s9  }
0x27: {  	s1 =	sld [smem:$0x3FA4]  }
0x28: {  	s2 =	sld [smem:$0x3FA5]  }
0x29: {  	s4 =	sld [smem:$0x3FA7]  }
0x2a: {  	p0 =	seq.s32 s5, $0x0;
	s5 =	sld [smem:$0x3FA8]  }
0x2b: {  	s6 =	sld [smem:$0x3FA9]  }
0x2c: {  	s7 =	sld [smem:$0x3FAA]  }
0x2d: {  	s3 =	simm.s32 $0x108;
	s8 =	sld [smem:$0x3FAB]  }
0x2e: {  	s3 =	simm.s32 @!p0 $0x1082;
	s9 =	sld [smem:$0x3FAC]  }
0x2f: {  	lr =	sadd.s32 s0, s3;
	s0 =	sld [smem:$0x3FA3]  }
0x30: {  	s3 =	sld [smem:$0x3FA6]  }
0x31: {  	[smem:$0x3FAF] =	sst s10  }
0x32: {  	s10 =	sld [smem:$0x3FAD];
	_ =	sdelay $0x3  }
0x33: {  	p0 =	seq.s32 s10, $0x1;
	s10 =	sld [smem:$0x3FAF];
	_ =	sdelay $0x3  }
0x34: {  	[smem:$0x3FAF] =	sst s10  }
0x35: {  	s10 =	sld [smem:$0x3FAE];
	_ =	sdelay $0x3  }
0x36: {  	p1 =	seq.s32 s10, $0x1;
	s10 =	sld [smem:$0x3FAF];
	_ =	sdelay $0x3  }
0x37: {  	[smem:$0x3FAF] =	sst s10  }
0x38: {  	s10 =	sld [smem:$0x3FB0]  }
0x39: {  	_ = 	snop;
	(pc) =	sbr.ind lr, $3  }
0x3a: {  	_ = 	snop  }
0x3b: {  	_ = 	snop  }
0x3c: {  	p2 =	seq.s32 s10, $0x1;
	s10 =	sld [smem:$0x3FAF]  }
0x3d: {  	_ =	shalt  }
0x3e: {  	_ =	shalt  }
0x3f: {  	_ =	shalt  }
0x40: {  	_ =	shalt  }
0x41: {  	_ =	shalt  }
0x42: {  	_ =	shalt  }
0x43: {  	_ =	shalt  }
0x44: {  	_ =	shalt  }
0x45: {  	_ =	shalt  }
0x46: {  	_ =	shalt  }
0x47: {  	_ =	shalt  }
0x48: {  	_ =	shalt  }
0x49: {  	_ =	shalt  }
0x4a: {  	_ =	shalt  }
0x4b: {  	_ =	shalt  }
0x4c: {  	_ =	shalt  }
0x4d: {  	_ =	shalt  }
0x4e: {  	_ =	shalt  }
0x4f: {  	_ =	shalt  }
0x50: {  	_ =	shalt  }
0x51: {  	_ =	shalt  }
0x52: {  	_ =	shalt  }
0x53: {  	_ =	shalt  }
0x54: {  	_ =	shalt  }
0x55: {  	_ =	shalt  }
0x56: {  	_ =	shalt  }
0x57: {  	_ =	shalt  }
0x58: {  	_ =	shalt  }
0x59: {  	_ =	shalt  }
0x5a: {  	_ =	shalt  }
0x5b: {  	_ =	shalt  }
0x5c: {  	_ =	shalt  }
0x5d: {  	_ =	shalt  }
0x5e: {  	_ =	shalt  }
0x5f: {  	_ =	shalt  }
0x60: {  	_ =	shalt  }
0x61: {  	_ =	shalt  }
0x62: {  	_ =	shalt  }
0x63: {  	_ =	shalt  }
0x64: {  	_ =	shalt  }
0x65: {  	_ =	shalt  }
0x66: {  	_ =	shalt  }
0x67: {  	_ =	shalt  }
0x68: {  	_ =	shalt  }
0x69: {  	_ =	shalt  }
0x6a: {  	_ =	shalt  }
0x6b: {  	_ =	shalt  }
0x6c: {  	_ =	shalt  }
0x6d: {  	_ =	shalt  }
0x6e: {  	_ =	shalt  }
0x6f: {  	_ =	shalt  }
0x70: {  	_ =	shalt  }
0x71: {  	_ =	shalt  }
0x72: {  	_ =	shalt  }
0x73: {  	_ =	shalt  }
0x74: {  	_ =	shalt  }
0x75: {  	_ =	shalt  }
0x76: {  	_ =	shalt  }
0x77: {  	_ =	shalt  }
0x78: {  	_ =	shalt  }
0x79: {  	_ =	shalt  }
0x7a: {  	_ =	shalt  }
0x7b: {  	_ =	shalt  }
0x7c: {  	_ =	shalt  }
0x7d: {  	_ =	shalt  }
0x7e: {  	_ =	shalt  }
0x7f: {  	_ =	shalt  }
0x80: {  	_ =	shalt  }
0x81: {  	_ =	shalt  }
0x82: {  	_ =	shalt  }
0x83: {  	_ =	shalt  }
0x84: {  	_ =	shalt  }
0x85: {  	_ =	shalt  }
0x86: {  	_ =	shalt  }
0x87: {  	_ =	shalt  }
.Lfunc_end0:
.L_simem_size_0:
called_computation.2_lowered:
.L_overlay_start_0:
0x88: {  	s2 =	sld [smem:$0x3FD9]  }
0x89: {  	s3 =	sld [smem:$0x3FFE];
	_ =	sdelay $0x1  }
0x8a: {  	s1 =	srdreg.scid  }
0x8b: {  	s0 =	sand.u32 $0x1, s1  }
0x8c: {  	s17 =	sshll.u32 s0, $0xA;
	s2 =	sadd.s32 s3, s2  }
0x8d: {  	s2 =	sadd.s32 s2, s17  }
0x8e: {  	[smem:$0x3FBB] =	sst s2  }
0x8f: {  	_ = 	snop  }
0x90: {  	s2 =	sld [smem:$0x3FD0];
	(tm) =	ssettm $0x1  }
0x91: {  	s18 =	sld [smem:$0x3FFB];
	_ =	sdelay $0x3  }
0x92: {  	_ =	strace s18  }
0x93: {  	s3 =	sld [smem:$0x3FFC];
	_ =	sdelay $0x3  }
0x94: {  	_ =	strace s3  }
0x95: {  	s3 =	sld [smem:$0x3FFD];
	_ =	sdelay $0x3  }
0x96: {  	_ =	strace s3  }
0x97: {  	_ =	strace $0x8FFFFFFF  }
0x98: {  	s19 =	sld [smem:$0x3FDB];
	_ =	sdelay $0x1  }
0x99: {  	s4 =	simm.s32 $_scs_section_size  }
0x9a: {  	s5 =	simm.s32 $_size__tile_overlayer_lowered;
	s6 =	simm.s32 $_tile_overlayer_lowered  }
0x9b: {  	s22 =	simm.s32 $0x1BFF;
	s21 =	sshll.u32 s6, $0x1;
	s3 =	sadd.s32 s4, s19  }
0x9c: {  	s7 =	simm.s32 $0x0;
	s20 =	sshll.u32 s5, $0x1;
	s5 =	sadd.s32 s21, s3  }
0x9d: {  	[timem:s7], [sflag:s22] =	dma.local [hbm:s5], s20  }
0x9e: {  	_ =	swait.ge [sflag:s22], s20  }
0x9f: {  	s4 =	ssub.s32 $0x0, s20;
	[sflag:s22] =	ssyncset.done $0x0  }
0xa0: {  	[sflag:s22] =	ssyncadd.s32 s4;
	_ =	sdelay $0x1  }
0xa1: {  	s23 =	simm.s32 $0x1B8B  }
0xa2: {  	_ =	swait.ge [sflag:s23], $0x1  }
0xa3: {  	[sflag:s23] =	ssyncset.done $0x0  }
0xa4: {  	s25 =	simm.s32 $0x1B8E;
	s24 =	sld [smem:$0x3FFE];
	[sflag:s23] =	ssyncadd.s32 $0xFFFFFFFF  }
0xa5: {  	s26 =	simm.s32 $execute0_lowered;
	[smem:$0x3FD2] =	sst s25  }
0xa6: {  	s5 =	sshll.u32 s26, $0x1;
	_ =	strace $0x8000004C;
	[dreg:$0x1] =	wrdreg $0xFFFFFFFF  }
0xa7: {  	s28 =	simm.s32 $_size_execute0_lowered;
	s3 =	sadd.s32 s3, s5;
	[dreg:$0x0] =	wrdreg $0x0  }
0xa8: {  	s5 =	sshll.u32 s28, $0x1;
	[dreg:$0x2] =	wrdreg s3  }
0xa9: {  	[dreg:$0x3] =	wrdreg s5  }
0xaa: {  	[dreg:$0x4] =	wrdreg $0xC0  }
0xab: {  	_ =	task [dreg:s7], $0x5FFFF  }
0xac: {  	[dreg:$0x1] =	wrdreg $0xFFFFFFFF  }
0xad: {  	[dreg:$0x0] =	wrdreg $0x60  }
0xae: {  	[dreg:$0x2] =	wrdreg s24  }
0xaf: {  	[dreg:$0x3] =	wrdreg s2  }
0xb0: {  	[dreg:$0x4] =	wrdreg $0x0  }
0xb1: {  	[dreg:$0x5] =	wrdreg $0x9  }
0xb2: {  	_ =	task.clear_ibuf [dreg:s7], $0x6FFFF;
	_ =	strace $0x9000004C  }
0xb3: {  	s29 =	simm.s32 $0x9;
	_ =	strace $0x8000004E  }
0xb4: {  	_ =	swait.ge [sflag:s29], $0x1  }
0xb5: {  	[sflag:s29] =	ssyncadd.s32 $0xFFFFFFFF  }
0xb6: {  	_ =	strace $0x9000004E  }
0xb7: {  	_ =	sfence  }
0xb8: {  	s30 =	sld [smem:$0x0];
	_ =	sdelay $0x2  }
0xb9: {  	s31 =	sshll.u32 s1, $0xD;
	s1 =	sshrl.u32 s1, $0x2  }
0xba: {  	s3 =	sand.u32 $0x4000, s31;
	s1 =	sadd.s32 s1, s30  }
0xbb: {  	s0 =	sor.u32 s3, s0;
	s1 =	sshll.u32 s1, $0x11  }
0xbc: {  	s0 =	sor.u32 s1, s0  }
0xbd: {  	s0 =	sadd.s32 $0x8F2B, s0  }
0xbe: {  	[sflag:s0] =	ssyncadd.remote.s32 $0x1  }
0xbf: {  	_ =	sfence.sel $0xFFFF  }
0xc0: {  	[dreg:$0x0] =	wrdreg $0xFFFFFFFF;
	(pc) =	sbr.abs _section_cstart, $3  }
0xc1: {  	[dreg:$0x1] =	wrdreg $0xFFFFFFFF  }
0xc2: {  	_ =	task.clear_ibuf [dreg:s7], $0x2FFFF;
	_ =	strace $0x9FFFFFFF  }
0xc3: {  	(tm) =	ssettm $0x7FFFFFFF  }
tec
execute0_lowered:
.L_overlay_start_1:
0x0: {  	(tag) =	ssettag $0x1  }
0x1: {  	s0 =	rddreg [dreg:$0x0]  }
0x2: {  	s1 =	rddreg [dreg:$0x1]  }
0x3: {  	s2 =	rddreg [dreg:$0x2]  }
0x4: {  	s3 =	simm.s32 $0x0;
	s4 =	srdreg.scid;
	s15 =	stileid.u32  }
0x5: {  	s28 =	simm.s32 $0x13B40;
	s31 =	simm.s32 $0x80;
	[smem:$0x7FF] =	sst s3  }
0x6: {  	s5 =	sadd.s32 $0x10E00, s0;
	s6 =	sadd.s32 $0x3600, s0;
	s7 =	sadd.s32 $0xE600, s0  }
0x7: {  	s4 =	sand.u32 $0x1, s4;
	s8 =	sshll.u32 s15, $0x1;
	s9 =	smul.u32 $0x4E000, s15  }
0x8: {  	s0 =	sadd.s32 $0x38000, s0;
	s21 =	sshll.u32 s15, $0x6;
	s13 =	sadd.s32 $0x138000, s2  }
0x9: {  	s14 =	smul.u32 $0x13800, s15;
	p0 =	sne.s32 s15, $0xF;
	s15 =	simm.s32 $0x0  }
0xa: {  	_ =	strace $0x8000004D;
	s10 =	ssub.s32 $0x2, s4;
	s8 =	sor.u32 s4, s8  }
0xb: {  	s4 =	smul.u32 $0x138800, s4;
	[dreg:$0x4] =	wrdreg s13;
	s11 =	sshrl.u32 s10, $0x1  }
0xc: {  	s9 =	sshrl.u32 s9, $0x2;
	s8 =	smul.u32 $0x2C00, s8;
	s10 =	ssub.s32 s10, s11  }
0xd: {  	s20 =	sadd.s32 s9, s2;
	s9 =	sor.u32 $0x1C0A, s21;
	s25 =	sadd.s32 s14, s4  }
0xe: {  	s4 =	sshrl.u32 s4, $0x3;
	s21 =	simm.s32 $0xA;
	s11 =	simm.s32 $0x6  }
0xf: {  	s14 =	simm.s32 $0x9;
	s12 =	sshrl.u32 s8, $0x3;
	s30 =	smax.u32 s10, $0x1  }
0x10: {  	s20 =	sshrl.u32 s20, $0x3;
	s16 =	sadd.s32 s1, s12;
	[dreg:$0xd] =	wrdreg s30  }
0x11: {  	s22 =	sor.u32 $0x10, s12;
	s23 =	sadd.s32 s6, s12;
	[dreg:$0x5] =	wrdreg s16  }
0x12: {  	s10 =	simm.s32 $0x3;
	[dreg:$0x6] =	wrdreg s23;
	s24 =	sadd.s32 s1, s22  }
0x13: {  	s12 =	sor.u32 $0x20, s12;
	s13 =	sadd.s32 s6, s22;
	[dreg:$0x7] =	wrdreg s24  }
0x14: {  	s26 =	sadd.s32 s1, s12;
	s12 =	sadd.s32 s6, s12;
	[dreg:$0x8] =	wrdreg s13  }
.Ltmp0:
0x15: {  	s23 =	simm.s32 $0x13A40;
	[dreg:$0x9] =	wrdreg s26;
	(pc) =	sbr.rel .LBB2_1-.Ltmp0, $4  }
0x16: {  	s13 =	sshrl.u32 s25, $0x3;
	[dreg:$0xa] =	wrdreg s12;
	s26 =	simm.s32 $0x139C0  }
0x17: {  	s25 =	simm.s32 $0x5;
	s29 =	sadd.s32 s0, s13;
	s0 =	sadd.s32 s0, s4  }
0x18: {  	s12 =	simm.s32 $0x1BBC0;
	[dreg:$0xb] =	wrdreg s29;
	s0 =	sadd.s32 $0x27000, s0  }
0x19: {  	s13 =	simm.s32 $0x7;
	[dreg:$0xc] =	wrdreg s0;
	s0 =	simm.s32 $0x13BC0  }
.LBB2_4:
0x1a: {  	[bflag:$0x0] =	sbarrier.arrive $0xFFFF  }
0x1b: {  	s4 =	rddreg [dreg:$0xb]  }
0x1c: {  	[hbm:s4], [sflag:s9] =	dma.local [spmem:s20], $0x2700  }
0x1d: {  	_ =	swait.ge [sflag:s21], $0x2700  }
0x1e: {  	[sflag:s21] =	ssyncset.done $0x0  }
0x1f: {  	s4 =	rddreg [dreg:$0xc];
	[sflag:s21] =	ssyncadd.s32 $0xFFFFD900  }
0x20: {  	[hbm:s4], [sflag:s9] =	dma.local @!p0 [spmem:s16], $0x100  }
0x21: {  	s4 =	simm.s32 @!p0 $0xA  }
0x22: {  	_ =	swait.ge @!p0 [sflag:s4], $0x100  }
0x23: {  	s15 =	sadd.s32 $0x1, s15;
	s30 =	rddreg [dreg:$0xd]  }
0x24: {  	p1 =	sne.s32 s15, s30  }
.Ltmp1:
0x25: {  	_ = 	snop;
	(pc) =	sbr.rel @!p1 .LBB2_5-.Ltmp1, $3  }
0x26: {  	_ =	sdelay $0x1  }
0x27: {  	[sflag:s4] =	ssyncset.done @!p0 $0x0  }
0x28: {  	[sflag:s4] =	ssyncadd.s32 @!p0 $0xFFFFFF00  }
.LBB2_1:
0x29: {  	[spmem:s20], [sflag:s9] =	dma.local [hbm:s7], $0x2700  }
0x2a: {  	_ =	swait.ge [sflag:s21], $0x2700  }
0x2b: {  	[sflag:s21] =	ssyncset.done $0x0;
	s4 =	rddreg [dreg:$0x4]  }
0x2c: {  	s17 =	simm.s32 @!p0 $0xA;
	[sflag:s21] =	ssyncadd.s32 $0xFFFFD900;
	s16 =	sshrl.u32 @!p0 s4, $0x3  }
0x2d: {  	[spmem:s16], [sflag:s9] =	dma.local @!p0 [hbm:s7], $0x100  }
0x2e: {  	_ =	swait.ge @!p0 [sflag:s17], $0x100  }
0x2f: {  	[sflag:s17] =	ssyncset.done @!p0 $0x0  }
0x30: {  	[sflag:s17] =	ssyncadd.s32 @!p0 $0xFFFFFF00  }
0x31: {  	[bflag:$0x0] =	sbarrier.arrive $0xFFFF  }
0x32: {  	s17 =	simm.s32 $0x138C0;
	s19 =	rddreg [dreg:$0x5]  }
0x33: {  	[tilespmem:s17], [sflag:$0x1] =	stream.linear.gather [hbm4b:s19+s3], $0x80, $0x38;
	[tilespmem:$0x1FBC0] =	vst v63  }
0x34: {  	s22 =	rddreg [dreg:$0x6]  }
0x35: {  	[tilespmem:s23], [sflag:$0x4] =	stream.linear.gather [hbm4b:s22+s3], $0x80, $0x38;
	[tilespmem:$0x1FBC0] =	vst v63  }
0x36: {  	s18 =	simm.s32 $0x13940;
	s24 =	rddreg [dreg:$0x7]  }
0x37: {  	[tilespmem:s18], [sflag:$0x2] =	stream.linear.gather [hbm4b:s24+s3], $0x80, $0x38;
	[tilespmem:$0x1FBC0] =	vst v63  }
0x38: {  	s29 =	rddreg [dreg:$0x8];
	s19 =	simm.s32 $0x13AC0  }
0x39: {  	[tilespmem:s19], [sflag:$0x5] =	stream.linear.gather [hbm4b:s29+s3], $0x80, $0x38;
	[tilespmem:$0x1FBC0] =	vst v63  }
0x3a: {  	s30 =	rddreg [dreg:$0x9]  }
0x3b: {  	[tilespmem:s26], [sflag:$0x3] =	stream.linear.gather [hbm4b:s30+s3], $0x80, $0x38;
	[tilespmem:$0x1FBC0] =	vst v63  }
0x3c: {  	s22 =	simm.s32 $0x1;
	s19 =	rddreg [dreg:$0xa]  }
0x3d: {  	[tilespmem:s28], [sflag:$0x6] =	stream.linear.gather [hbm4b:s19+s3], $0x80, $0x38;
	[tilespmem:$0x1FBC0] =	vst v63  }
0x3e: {  	_ =	swait.ge [sflag:s22], $0x80  }
0x3f: {  	[sflag:s22] =	ssyncset.done $0x0  }
0x40: {  	s24 =	simm.s32 $0x4;
	[sflag:s22] =	ssyncadd.s32 $0xFFFFFF80  }
0x41: {  	_ =	swait.ge [sflag:s24], $0x80  }
0x42: {  	[sflag:s24] =	ssyncset.done $0x0  }
0x43: {  	s29 =	simm.s32 $0x2;
	[sflag:s24] =	ssyncadd.s32 $0xFFFFFF80  }
0x44: {  	[tilespmem:s0], [sflag:$0x7] =	stream.indirect.gather [hbm4b:s5+s31], $0x80, s17, s31, $0xb8;
	[tilespmem:$0x1FBC0] =	vst v63  }
0x45: {  	_ =	swait.ge [sflag:s29], $0x80  }
0x46: {  	[sflag:s29] =	ssyncset.done $0x0  }
0x47: {  	[sflag:s29] =	ssyncadd.s32 $0xFFFFFF80  }
0x48: {  	_ =	swait.ge [sflag:s25], $0x80  }
0x49: {  	[sflag:s25] =	ssyncset.done $0x0  }
0x4a: {  	s30 =	simm.s32 $0x17BC0;
	s17 =	simm.s32 $0x280;
	[sflag:s25] =	ssyncadd.s32 $0xFFFFFF80  }
0x4b: {  	[tilespmem:s30], [sflag:$0x8] =	stream.indirect.gather [hbm4b:s5+s31], $0x80, s18, s31, $0xb8;
	[tilespmem:$0x1FBC0] =	vst v63  }
.LBB2_2:
0x4c: {  	_ =	swait.ge [sflag:s10], $0x80  }
0x4d: {  	[sflag:s10] =	ssyncset.done $0x0  }
0x4e: {  	[sflag:s10] =	ssyncadd.s32 $0xFFFFFF80  }
0x4f: {  	_ =	swait.ge [sflag:s11], $0x80  }
0x50: {  	[sflag:s11] =	ssyncset.done $0x0  }
0x51: {  	[sflag:s11] =	ssyncadd.s32 $0xFFFFFF80  }
0x52: {  	[tilespmem:s12], [sflag:$0x9] =	stream.indirect.gather [hbm4b:s5+s31], $0x80, s26, s31, $0xb8;
	[tilespmem:$0x1FBC0] =	vst v63  }
0x53: {  	_ =	swait.ge [sflag:s13], $0x4000  }
0x54: {  	[sflag:s13] =	ssyncset.done $0x0  }
0x55: {  	[sflag:s13] =	ssyncadd.s32 $0xFFFFC000  }
0x56: {  	[spmem:s2] =	stream.indirect.scatter.add.f32 [tilespmem:s0], [sflag:$0xA], $0x80, s23, s31, $0xb8;
	[tilespmem:$0x1FBC0] =	vst v63  }
0x57: {  	_ =	swait.ge [sflag:s21], $0x4000  }
0x58: {  	p1 =	seq.s32 s17, $0x2980;
	[sflag:s21] =	ssyncset.done $0x0  }
0x59: {  	s18 =	simm.s32 @p1 $0x8;
	[sflag:s21] =	ssyncadd.s32 $0xFFFFC000  }
0x5a: {  	_ =	swait.ge @p1 [sflag:s18], $0x4000  }
0x5b: {  	s19 =	simm.s32 @p1 $0x13AC0;
	[sflag:s18] =	ssyncset.done @p1 $0x0  }
0x5c: {  	s22 =	simm.s32 @p1 $0x17BC0;
	[sflag:s18] =	ssyncadd.s32 @p1 $0xFFFFC000;
	s18 =	simm.s32 @p1 $0x80  }
0x5d: {  	[spmem:s2] =	stream.indirect.scatter.add.f32 @p1 [tilespmem:s22], [sflag:$0xA], $0x80, s19, s18, $0xb8;
	[tilespmem:$0x1FBC0] =	vst v63  }
0x5e: {  	s18 =	sadd.s32 @!p1 $0xFFFFFF00, s17  }
0x5f: {  	s22 =	sand.u32 @!p1 $0x7C00, s18  }
0x60: {  	s19 =	simm.s32 @p1 $0xA;
	s18 =	sand.u32 @!p1 $0x380, s18;
	s22 =	sadd.s32 @!p1 s8, s22  }
0x61: {  	_ =	swait.ge @p1 [sflag:s19], $0x4000;
	s18 =	sor.u32 @!p1 s18, s22  }
0x62: {  	s24 =	simm.s32 @!p1 $0x138C0;
	[sflag:s19] =	ssyncset.done @p1 $0x0;
	s18 =	sshrl.u32 @!p1 s18, $0x3  }
0x63: {  	[sflag:s19] =	ssyncadd.s32 @p1 $0xFFFFC000;
	s22 =	simm.s32 @!p1 $0x0;
	s19 =	sadd.s32 @!p1 s1, s18  }
0x64: {  	[tilespmem:s24], [sflag:$0x1] =	stream.linear.gather @!p1 [hbm4b:s19+s22], $0x80, $0x38;
	[tilespmem:$0x1FBC0] =	vst v63  }
0x65: {  	s18 =	sadd.s32 @!p1 s6, s18;
	s19 =	simm.s32 @!p1 $0x13A40  }
0x66: {  	[tilespmem:s19], [sflag:$0x4] =	stream.linear.gather @!p1 [hbm4b:s18+s22], $0x80, $0x38;
	[tilespmem:$0x1FBC0] =	vst v63  }
0x67: {  	s18 =	simm.s32 @!p1 $0x1  }
0x68: {  	_ =	swait.ge @!p1 [sflag:s18], $0x80  }
0x69: {  	[sflag:s18] =	ssyncset.done @!p1 $0x0  }
0x6a: {  	[sflag:s18] =	ssyncadd.s32 @!p1 $0xFFFFFF80;
	s18 =	simm.s32 @!p1 $0x4  }
0x6b: {  	_ =	swait.ge @!p1 [sflag:s18], $0x80  }
0x6c: {  	[sflag:s18] =	ssyncset.done @!p1 $0x0  }
0x6d: {  	s19 =	simm.s32 @!p1 $0x13BC0;
	[sflag:s18] =	ssyncadd.s32 @!p1 $0xFFFFFF80;
	s18 =	simm.s32 @!p1 $0x80  }
0x6e: {  	[tilespmem:s19], [sflag:$0x7] =	stream.indirect.gather @!p1 [hbm4b:s5+s18], $0x80, s24, s18, $0xb8;
	[tilespmem:$0x1FBC0] =	vst v63  }
0x6f: {  	s29 =	sadd.s32 @!p1 $0xFFFFFF80, s17;
	s19 =	simm.s32 @!p1 $0x8  }
0x70: {  	s4 =	simm.s32 @!p1 $0xA;
	s30 =	sand.u32 @!p1 $0x7C00, s29;
	_ =	swait.ge @!p1 [sflag:s19], $0x4000  }
0x71: {  	s29 =	sand.u32 @!p1 $0x380, s29;
	s30 =	sadd.s32 @!p1 s8, s30;
	[sflag:s19] =	ssyncset.done @!p1 $0x0  }
0x72: {  	s24 =	simm.s32 @!p1 $0x17BC0;
	[sflag:s19] =	ssyncadd.s32 @!p1 $0xFFFFC000;
	s19 =	simm.s32 @!p1 $0x13AC0  }
0x73: {  	[spmem:s2] =	stream.indirect.scatter.add.f32 @!p1 [tilespmem:s24], [sflag:$0xA], $0x80, s19, s18, $0xb8;
	[tilespmem:$0x1FBC0] =	vst v63  }
0x74: {  	s29 =	sor.u32 @!p1 s29, s30;
	_ =	swait.ge @!p1 [sflag:s4], $0x4000  }
0x75: {  	s29 =	sshrl.u32 @!p1 s29, $0x3;
	[sflag:s4] =	ssyncset.done @!p1 $0x0  }
0x76: {  	s30 =	simm.s32 @!p1 $0x13940;
	[sflag:s4] =	ssyncadd.s32 @!p1 $0xFFFFC000;
	s4 =	sadd.s32 @!p1 s1, s29  }
0x77: {  	[tilespmem:s30], [sflag:$0x2] =	stream.linear.gather @!p1 [hbm4b:s4+s22], $0x80, $0x38;
	[tilespmem:$0x1FBC0] =	vst v63  }
0x78: {  	s4 =	sadd.s32 @!p1 s6, s29  }
0x79: {  	[tilespmem:s19], [sflag:$0x5] =	stream.linear.gather @!p1 [hbm4b:s4+s22], $0x80, $0x38;
	[tilespmem:$0x1FBC0] =	vst v63  }
0x7a: {  	s4 =	simm.s32 @!p1 $0x2  }
0x7b: {  	_ =	swait.ge @!p1 [sflag:s4], $0x80  }
0x7c: {  	[sflag:s4] =	ssyncset.done @!p1 $0x0  }
0x7d: {  	[sflag:s4] =	ssyncadd.s32 @!p1 $0xFFFFFF80;
	s4 =	simm.s32 @!p1 $0x5  }
0x7e: {  	_ =	swait.ge @!p1 [sflag:s4], $0x80  }
0x7f: {  	[sflag:s4] =	ssyncset.done @!p1 $0x0  }
0x80: {  	[sflag:s4] =	ssyncadd.s32 @!p1 $0xFFFFFF80  }
0x81: {  	[tilespmem:s24], [sflag:$0x8] =	stream.indirect.gather @!p1 [hbm4b:s5+s18], $0x80, s30, s18, $0xb8;
	[tilespmem:$0x1FBC0] =	vst v63  }
0x82: {  	_ =	swait.ge [sflag:s14], $0x4000  }
0x83: {  	[sflag:s14] =	ssyncset.done $0x0  }
.Ltmp2:
0x84: {  	[sflag:s14] =	ssyncadd.s32 $0xFFFFC000;
	(pc) =	sbr.rel @p1 .LBB2_4-.Ltmp2, $4  }
0x85: {  	[spmem:s2] =	stream.indirect.scatter.add.f32 [tilespmem:s12], [sflag:$0xA], $0x80, s28, s31, $0xb8;
	[tilespmem:$0x1FBC0] =	vst v63  }
0x86: {  	_ =	swait.ge [sflag:s21], $0x4000  }
0x87: {  	[sflag:s21] =	ssyncset.done $0x0  }
0x88: {  	[sflag:s21] =	ssyncadd.s32 $0xFFFFC000  }
0x89: {  	s4 =	sand.u32 $0x7C00, s17  }
0x8a: {  	s18 =	sand.u32 $0x380, s17;
	s4 =	sadd.s32 s8, s4  }
0x8b: {  	s4 =	sor.u32 s18, s4  }
.Ltmp3:
0x8c: {  	s4 =	sshrl.u32 s4, $0x3;
	(pc) =	sbr.rel .LBB2_2-.Ltmp3, $4  }
0x8d: {  	s30 =	sadd.s32 s1, s4  }
0x8e: {  	[tilespmem:s26], [sflag:$0x3] =	stream.linear.gather [hbm4b:s30+s3], $0x80, $0x38;
	[tilespmem:$0x1FBC0] =	vst v63  }
0x8f: {  	s17 =	sadd.s32 $0x180, s17;
	s4 =	sadd.s32 s6, s4  }
0x90: {  	[tilespmem:s28], [sflag:$0x6] =	stream.linear.gather [hbm4b:s4+s3], $0x80, $0x38;
	[tilespmem:$0x1FBC0] =	vst v63  }
.LBB2_5:
0x91: {  	_ =	sfence.sel $0x180000  }
0x92: {  	[bflag:$0x0] =	sbarrier.arrive $0xFFFF  }
0x93: {  	_ =	strace $0x9000004D  }
0x94: {  	s0 =	stileid.u32;
	[bflag:$0x2] =	sbarrier.arrive $0xFFFF  }
0x95: {  	p0 =	sne.s32 s0, $0x0;
	s0 =	rddreg [dreg:$0x3]  }
0x96: {  	s0 =	sadd.s32 @!p0 $0x100000, s0  }
0x97: {  	[sflag:s0] =	ssyncadd.tile.s32 @!p0 $0x1;
	_ =	shalt  }
.Lfunc_end2:
_tile_overlayer_lowered:
.L_overlay_start_2:
0x98: {  	(tag) =	ssettag $0x2  }
0x99: {  	s0 =	rddreg [dreg:$0x0];
	s2 =	stileid.u32  }
0x9a: {  	s1 =	rddreg [dreg:$0x1];
	p0 =	sne.s32 s2, $0x0  }
0x9b: {  	s3 =	rddreg [dreg:$0x2];
	[bflag:$0x3] =	sbarrier.arrive $0xFFFF;
	s2 =	simm.s32 @!p0 $0x1C0A  }
0x9c: {  	[timem:s3], [sflag:s2] =	dma.local @!p0 [hbm:s0], s1  }
0x9d: {  	s0 =	simm.s32 @!p0 $0xA  }
0x9e: {  	_ =	swait.ge @!p0 [sflag:s0], s1  }
0x9f: {  	s1 =	ssub.s32 @!p0 $0x0, s1;
	[sflag:s0] =	ssyncset.done @!p0 $0x0  }
0xa0: {  	[sflag:s0] =	ssyncadd.s32 @!p0 s1  }
0xa1: {  	[bflag:$0x3] =	sbarrier.arrive $0xFFFF  }
0xa2: {  	_ =	shalt  }

// kernel: kernel.18.cloned.1.call-start
scs
__scs_entry_jumppad:
0x0: {  	(pc) =	sbr.rel $0x88, $3  }
0x1: {  	(tag) =	ssettag $0x0;
	lr =	simm.s32 $0x1  }
0x2: {  	[smem:$0x3F94] =	sst lr;
	_ =	strace $0xD0000000  }
0x3: {  	_ = 	snop  }
0x4: {  	_ = 	snop  }
0x5: {  	_ = 	snop  }
0x6: {  	_ = 	snop  }
0x7: {  	_ = 	snop  }
__scs_overlays_trampoline_lowered:
0x8: {  	[smem:$0x3FA3] =	sst s0  }
0x9: {  	[smem:$0x3FA4] =	sst s1  }
0xa: {  	[smem:$0x3FA5] =	sst s2  }
0xb: {  	[smem:$0x3FA6] =	sst s3  }
0xc: {  	[smem:$0x3FA7] =	sst s4  }
0xd: {  	[smem:$0x3FA8] =	sst s5  }
0xe: {  	[smem:$0x3FA9] =	sst s6  }
0xf: {  	[smem:$0x3FAA] =	sst s7  }
0x10: {  	[smem:$0x3FAB] =	sst s8  }
0x11: {  	[smem:$0x3FAC] =	sst s9;
	s0 =	simm.s32 @!p0 $0x0  }
0x12: {  	s1 =	sld [smem:$0x3F92];
	s0 =	simm.s32 @p0 $0x1  }
0x13: {  	[smem:$0x3FAD] =	sst s0;
	s0 =	simm.s32 @!p1 $0x0  }
0x14: {  	s2 =	sld [smem:$0x3F91];
	s0 =	simm.s32 @p1 $0x1  }
0x15: {  	[smem:$0x3FAE] =	sst s0;
	s0 =	simm.s32 @!p2 $0x0  }
0x16: {  	s3 =	sld [smem:$0x3FDB];
	s0 =	simm.s32 @p2 $0x1  }
0x17: {  	s4 =	simm.s32 $0x1BF5;
	[smem:$0x3FB0] =	sst s0  }
0x18: {  	s0 =	sld [smem:$0x3F93];
	_ =	swait.ge [sflag:s4], $0x0  }
0x19: {  	s7 =	sld [smem:$0x3F94]  }
0x1a: {  	s8 =	sadd.s32 $0xFFFFE003, lr  }
0x1b: {  	s9 =	sadd.s32 $0xFFFFFEF7, lr;
	s5 =	simm.s32 $0xFFFFFFFF;
	p2 =	slt.u32 s8, $0xFFFFF086  }
0x1c: {  	p1 =	slt.u32 s9, $0xF7A;
	s5 =	simm.s32 @!p2 $0x0  }
0x1d: {  	s5 =	simm.s32 @p1 $0x1;
	p0 =	seq.s32 s7, s2  }
0x1e: {  	s7 =	smul.u32 @!p0 $0xF7A, s2;
	p2 =	seq.s32 @!p0 s5, $0x0  }
0x1f: {  	s9 =	smul.u32 $0xF7A, s1;
	s8 =	simm.s32 @!p0 $0x1BF5;
	p2 =	por !p2, p0  }
0x20: {  	[sflag:s8] =	ssyncset.s32 @!p0 $0xFFFFF086;
	s6 =	sadd.s32 @!p0 s3, s7;
	s7 =	simm.s32 @!p0 $0x108  }
0x21: {  	s3 =	sadd.s32 s3, s9;
	s6 =	sadd.s32 @!p0 $0x88, s6;
	s7 =	simm.s32 @p2 $0x1082  }
0x22: {  	[simem:s7], [sflag:s8] =	dma.local @!p0 [hbm:s6], $0xF7A  }
0x23: {  	s9 =	sor.u32 $0xD0000000, s2;
	s6 =	simm.s32 $0x108;
	_ =	swait.ge @!p0 [sflag:s8], $0x0  }
0x24: {  	s3 =	sadd.s32 $0x88, s3;
	s6 =	simm.s32 @!p1 $0x1082;
	[sflag:s4] =	ssyncset.s32 $0xFFFFF086  }
0x25: {  	[simem:s6], [sflag:s4] =	dma.local [hbm:s3], $0xF7A  }
0x26: {  	[smem:$0x3F94] =	sst s1;
	(tag) =	ssettag s2;
	_ =	strace s9  }
0x27: {  	s1 =	sld [smem:$0x3FA4]  }
0x28: {  	s2 =	sld [smem:$0x3FA5]  }
0x29: {  	s4 =	sld [smem:$0x3FA7]  }
0x2a: {  	p0 =	seq.s32 s5, $0x0;
	s5 =	sld [smem:$0x3FA8]  }
0x2b: {  	s6 =	sld [smem:$0x3FA9]  }
0x2c: {  	s7 =	sld [smem:$0x3FAA]  }
0x2d: {  	s3 =	simm.s32 $0x108;
	s8 =	sld [smem:$0x3FAB]  }
0x2e: {  	s3 =	simm.s32 @!p0 $0x1082;
	s9 =	sld [smem:$0x3FAC]  }
0x2f: {  	lr =	sadd.s32 s0, s3;
	s0 =	sld [smem:$0x3FA3]  }
0x30: {  	s3 =	sld [smem:$0x3FA6]  }
0x31: {  	[smem:$0x3FAF] =	sst s10  }
0x32: {  	s10 =	sld [smem:$0x3FAD];
	_ =	sdelay $0x3  }
0x33: {  	p0 =	seq.s32 s10, $0x1;
	s10 =	sld [smem:$0x3FAF];
	_ =	sdelay $0x3  }
0x34: {  	[smem:$0x3FAF] =	sst s10  }
0x35: {  	s10 =	sld [smem:$0x3FAE];
	_ =	sdelay $0x3  }
0x36: {  	p1 =	seq.s32 s10, $0x1;
	s10 =	sld [smem:$0x3FAF];
	_ =	sdelay $0x3  }
0x37: {  	[smem:$0x3FAF] =	sst s10  }
0x38: {  	s10 =	sld [smem:$0x3FB0]  }
0x39: {  	_ = 	snop;
	(pc) =	sbr.ind lr, $3  }
0x3a: {  	_ = 	snop  }
0x3b: {  	_ = 	snop  }
0x3c: {  	p2 =	seq.s32 s10, $0x1;
	s10 =	sld [smem:$0x3FAF]  }
0x3d: {  	_ =	shalt  }
0x3e: {  	_ =	shalt  }
0x3f: {  	_ =	shalt  }
0x40: {  	_ =	shalt  }
0x41: {  	_ =	shalt  }
0x42: {  	_ =	shalt  }
0x43: {  	_ =	shalt  }
0x44: {  	_ =	shalt  }
0x45: {  	_ =	shalt  }
0x46: {  	_ =	shalt  }
0x47: {  	_ =	shalt  }
0x48: {  	_ =	shalt  }
0x49: {  	_ =	shalt  }
0x4a: {  	_ =	shalt  }
0x4b: {  	_ =	shalt  }
0x4c: {  	_ =	shalt  }
0x4d: {  	_ =	shalt  }
0x4e: {  	_ =	shalt  }
0x4f: {  	_ =	shalt  }
0x50: {  	_ =	shalt  }
0x51: {  	_ =	shalt  }
0x52: {  	_ =	shalt  }
0x53: {  	_ =	shalt  }
0x54: {  	_ =	shalt  }
0x55: {  	_ =	shalt  }
0x56: {  	_ =	shalt  }
0x57: {  	_ =	shalt  }
0x58: {  	_ =	shalt  }
0x59: {  	_ =	shalt  }
0x5a: {  	_ =	shalt  }
0x5b: {  	_ =	shalt  }
0x5c: {  	_ =	shalt  }
0x5d: {  	_ =	shalt  }
0x5e: {  	_ =	shalt  }
0x5f: {  	_ =	shalt  }
0x60: {  	_ =	shalt  }
0x61: {  	_ =	shalt  }
0x62: {  	_ =	shalt  }
0x63: {  	_ =	shalt  }
0x64: {  	_ =	shalt  }
0x65: {  	_ =	shalt  }
0x66: {  	_ =	shalt  }
0x67: {  	_ =	shalt  }
0x68: {  	_ =	shalt  }
0x69: {  	_ =	shalt  }
0x6a: {  	_ =	shalt  }
0x6b: {  	_ =	shalt  }
0x6c: {  	_ =	shalt  }
0x6d: {  	_ =	shalt  }
0x6e: {  	_ =	shalt  }
0x6f: {  	_ =	shalt  }
0x70: {  	_ =	shalt  }
0x71: {  	_ =	shalt  }
0x72: {  	_ =	shalt  }
0x73: {  	_ =	shalt  }
0x74: {  	_ =	shalt  }
0x75: {  	_ =	shalt  }
0x76: {  	_ =	shalt  }
0x77: {  	_ =	shalt  }
0x78: {  	_ =	shalt  }
0x79: {  	_ =	shalt  }
0x7a: {  	_ =	shalt  }
0x7b: {  	_ =	shalt  }
0x7c: {  	_ =	shalt  }
0x7d: {  	_ =	shalt  }
0x7e: {  	_ =	shalt  }
0x7f: {  	_ =	shalt  }
0x80: {  	_ =	shalt  }
0x81: {  	_ =	shalt  }
0x82: {  	_ =	shalt  }
0x83: {  	_ =	shalt  }
0x84: {  	_ =	shalt  }
0x85: {  	_ =	shalt  }
0x86: {  	_ =	shalt  }
0x87: {  	_ =	shalt  }
.Lfunc_end0:
.L_simem_size_0:
called_computation.3_lowered:
.L_overlay_start_0:
0x88: {  	s2 =	sld [smem:$0x3FD9]  }
0x89: {  	s3 =	sld [smem:$0x3FFE];
	_ =	sdelay $0x1  }
0x8a: {  	s1 =	srdreg.scid  }
0x8b: {  	s0 =	sand.u32 $0x1, s1  }
0x8c: {  	s17 =	sshll.u32 s0, $0xA;
	s2 =	sadd.s32 s3, s2  }
0x8d: {  	s2 =	sadd.s32 s2, s17  }
0x8e: {  	[smem:$0x3FBB] =	sst s2  }
0x8f: {  	_ = 	snop  }
0x90: {  	s2 =	sld [smem:$0x3FD0];
	(tm) =	ssettm $0x1  }
0x91: {  	s18 =	sld [smem:$0x3FFB];
	_ =	sdelay $0x3  }
0x92: {  	_ =	strace s18  }
0x93: {  	s3 =	sld [smem:$0x3FFC];
	_ =	sdelay $0x3  }
0x94: {  	_ =	strace s3  }
0x95: {  	s3 =	sld [smem:$0x3FFD];
	_ =	sdelay $0x3  }
0x96: {  	_ =	strace s3  }
0x97: {  	_ =	strace $0x8FFFFFFF  }
0x98: {  	s19 =	sld [smem:$0x3FDB];
	_ =	sdelay $0x1  }
0x99: {  	s4 =	simm.s32 $_scs_section_size  }
0x9a: {  	s5 =	simm.s32 $_size__tile_overlayer_lowered;
	s6 =	simm.s32 $_tile_overlayer_lowered  }
0x9b: {  	s22 =	simm.s32 $0x1BFF;
	s21 =	sshll.u32 s6, $0x1;
	s3 =	sadd.s32 s4, s19  }
0x9c: {  	s7 =	simm.s32 $0x0;
	s20 =	sshll.u32 s5, $0x1;
	s5 =	sadd.s32 s21, s3  }
0x9d: {  	[timem:s7], [sflag:s22] =	dma.local [hbm:s5], s20  }
0x9e: {  	_ =	swait.ge [sflag:s22], s20  }
0x9f: {  	s4 =	ssub.s32 $0x0, s20;
	[sflag:s22] =	ssyncset.done $0x0  }
0xa0: {  	[sflag:s22] =	ssyncadd.s32 s4;
	_ =	sdelay $0x1  }
0xa1: {  	s23 =	simm.s32 $0x1B8B  }
0xa2: {  	_ =	swait.ge [sflag:s23], $0x1  }
0xa3: {  	[sflag:s23] =	ssyncset.done $0x0  }
0xa4: {  	s25 =	simm.s32 $0x1B8E;
	s24 =	sld [smem:$0x3FFE];
	[sflag:s23] =	ssyncadd.s32 $0xFFFFFFFF  }
0xa5: {  	s26 =	simm.s32 $execute0_lowered;
	[smem:$0x3FD2] =	sst s25  }
0xa6: {  	s5 =	sshll.u32 s26, $0x1;
	_ =	strace $0x8000004F;
	[dreg:$0x1] =	wrdreg $0xFFFFFFFF  }
0xa7: {  	s28 =	simm.s32 $_size_execute0_lowered;
	s3 =	sadd.s32 s3, s5;
	[dreg:$0x0] =	wrdreg $0x0  }
0xa8: {  	s5 =	sshll.u32 s28, $0x1;
	[dreg:$0x2] =	wrdreg s3  }
0xa9: {  	[dreg:$0x3] =	wrdreg s5  }
0xaa: {  	[dreg:$0x4] =	wrdreg $0xC0  }
0xab: {  	_ =	task [dreg:s7], $0x5FFFF  }
0xac: {  	[dreg:$0x1] =	wrdreg $0xFFFFFFFF  }
0xad: {  	[dreg:$0x0] =	wrdreg $0x60  }
0xae: {  	[dreg:$0x2] =	wrdreg s24  }
0xaf: {  	[dreg:$0x3] =	wrdreg s2  }
0xb0: {  	[dreg:$0x4] =	wrdreg $0x0  }
0xb1: {  	[dreg:$0x5] =	wrdreg $0x9  }
0xb2: {  	_ =	task.clear_ibuf [dreg:s7], $0x6FFFF;
	_ =	strace $0x9000004F  }
0xb3: {  	s29 =	simm.s32 $0x9;
	_ =	strace $0x80000051  }
0xb4: {  	_ =	swait.ge [sflag:s29], $0x1  }
0xb5: {  	[sflag:s29] =	ssyncadd.s32 $0xFFFFFFFF  }
0xb6: {  	_ =	strace $0x90000051  }
0xb7: {  	_ =	sfence  }
0xb8: {  	s30 =	sld [smem:$0x0];
	_ =	sdelay $0x2  }
0xb9: {  	s31 =	sshll.u32 s1, $0xD;
	s1 =	sshrl.u32 s1, $0x2  }
0xba: {  	s3 =	sand.u32 $0x4000, s31;
	s1 =	sadd.s32 s1, s30  }
0xbb: {  	s0 =	sor.u32 s3, s0;
	s1 =	sshll.u32 s1, $0x11  }
0xbc: {  	s0 =	sor.u32 s1, s0  }
0xbd: {  	s0 =	sadd.s32 $0x8F2B, s0  }
0xbe: {  	[sflag:s0] =	ssyncadd.remote.s32 $0x1  }
0xbf: {  	_ =	sfence.sel $0xFFFF  }
0xc0: {  	[dreg:$0x0] =	wrdreg $0xFFFFFFFF;
	(pc) =	sbr.abs _section_cstart, $3  }
0xc1: {  	[dreg:$0x1] =	wrdreg $0xFFFFFFFF  }
0xc2: {  	_ =	task.clear_ibuf [dreg:s7], $0x2FFFF;
	_ =	strace $0x9FFFFFFF  }
0xc3: {  	(tm) =	ssettm $0x7FFFFFFF  }
tec
execute0_lowered:
.L_overlay_start_1:
0x0: {  	(tag) =	ssettag $0x1  }
0x1: {  	s0 =	rddreg [dreg:$0x0]  }
0x2: {  	s1 =	rddreg [dreg:$0x1]  }
0x3: {  	s2 =	rddreg [dreg:$0x2]  }
0x4: {  	s3 =	simm.s32 $0x0;
	s4 =	srdreg.scid;
	s15 =	stileid.u32  }
0x5: {  	s28 =	simm.s32 $0x13B40;
	s31 =	simm.s32 $0x80;
	[smem:$0x7FF] =	sst s3  }
0x6: {  	s5 =	sadd.s32 $0x10E00, s0;
	s6 =	sadd.s32 $0x3600, s0;
	s7 =	sadd.s32 $0xE600, s0  }
0x7: {  	s4 =	sand.u32 $0x1, s4;
	s8 =	sshll.u32 s15, $0x1;
	s9 =	smul.u32 $0x4E000, s15  }
0x8: {  	s0 =	sadd.s32 $0x38000, s0;
	s21 =	sshll.u32 s15, $0x6;
	s13 =	sadd.s32 $0x138000, s2  }
0x9: {  	s14 =	smul.u32 $0x13800, s15;
	p0 =	sne.s32 s15, $0xF;
	s15 =	simm.s32 $0x0  }
0xa: {  	_ =	strace $0x80000050;
	s10 =	ssub.s32 $0x2, s4;
	s8 =	sor.u32 s4, s8  }
0xb: {  	s4 =	smul.u32 $0x138800, s4;
	[dreg:$0x4] =	wrdreg s13;
	s11 =	sshrl.u32 s10, $0x1  }
0xc: {  	s9 =	sshrl.u32 s9, $0x2;
	s8 =	smul.u32 $0x2C00, s8;
	s10 =	ssub.s32 s10, s11  }
0xd: {  	s20 =	sadd.s32 s9, s2;
	s9 =	sor.u32 $0x1C0A, s21;
	s25 =	sadd.s32 s14, s4  }
0xe: {  	s4 =	sshrl.u32 s4, $0x3;
	s21 =	simm.s32 $0xA;
	s11 =	simm.s32 $0x6  }
0xf: {  	s14 =	simm.s32 $0x9;
	s12 =	sshrl.u32 s8, $0x3;
	s30 =	smax.u32 s10, $0x1  }
0x10: {  	s20 =	sshrl.u32 s20, $0x3;
	s16 =	sadd.s32 s1, s12;
	[dreg:$0xd] =	wrdreg s30  }
0x11: {  	s22 =	sor.u32 $0x10, s12;
	s23 =	sadd.s32 s6, s12;
	[dreg:$0x5] =	wrdreg s16  }
0x12: {  	s10 =	simm.s32 $0x3;
	[dreg:$0x6] =	wrdreg s23;
	s24 =	sadd.s32 s1, s22  }
0x13: {  	s12 =	sor.u32 $0x20, s12;
	s13 =	sadd.s32 s6, s22;
	[dreg:$0x7] =	wrdreg s24  }
0x14: {  	s26 =	sadd.s32 s1, s12;
	s12 =	sadd.s32 s6, s12;
	[dreg:$0x8] =	wrdreg s13  }
.Ltmp0:
0x15: {  	s23 =	simm.s32 $0x13A40;
	[dreg:$0x9] =	wrdreg s26;
	(pc) =	sbr.rel .LBB2_1-.Ltmp0, $4  }
0x16: {  	s13 =	sshrl.u32 s25, $0x3;
	[dreg:$0xa] =	wrdreg s12;
	s26 =	simm.s32 $0x139C0  }
0x17: {  	s25 =	simm.s32 $0x5;
	s29 =	sadd.s32 s0, s13;
	s0 =	sadd.s32 s0, s4  }
0x18: {  	s12 =	simm.s32 $0x1BBC0;
	[dreg:$0xb] =	wrdreg s29;
	s0 =	sadd.s32 $0x27000, s0  }
0x19: {  	s13 =	simm.s32 $0x7;
	[dreg:$0xc] =	wrdreg s0;
	s0 =	simm.s32 $0x13BC0  }
.LBB2_4:
0x1a: {  	[bflag:$0x0] =	sbarrier.arrive $0xFFFF  }
0x1b: {  	s4 =	rddreg [dreg:$0xb]  }
0x1c: {  	[hbm:s4], [sflag:s9] =	dma.local [spmem:s20], $0x2700  }
0x1d: {  	_ =	swait.ge [sflag:s21], $0x2700  }
0x1e: {  	[sflag:s21] =	ssyncset.done $0x0  }
0x1f: {  	s4 =	rddreg [dreg:$0xc];
	[sflag:s21] =	ssyncadd.s32 $0xFFFFD900  }
0x20: {  	[hbm:s4], [sflag:s9] =	dma.local @!p0 [spmem:s16], $0x100  }
0x21: {  	s4 =	simm.s32 @!p0 $0xA  }
0x22: {  	_ =	swait.ge @!p0 [sflag:s4], $0x100  }
0x23: {  	s15 =	sadd.s32 $0x1, s15;
	s30 =	rddreg [dreg:$0xd]  }
0x24: {  	p1 =	sne.s32 s15, s30  }
.Ltmp1:
0x25: {  	_ = 	snop;
	(pc) =	sbr.rel @!p1 .LBB2_5-.Ltmp1, $3  }
0x26: {  	_ =	sdelay $0x1  }
0x27: {  	[sflag:s4] =	ssyncset.done @!p0 $0x0  }
0x28: {  	[sflag:s4] =	ssyncadd.s32 @!p0 $0xFFFFFF00  }
.LBB2_1:
0x29: {  	[spmem:s20], [sflag:s9] =	dma.local [hbm:s7], $0x2700  }
0x2a: {  	_ =	swait.ge [sflag:s21], $0x2700  }
0x2b: {  	[sflag:s21] =	ssyncset.done $0x0;
	s4 =	rddreg [dreg:$0x4]  }
0x2c: {  	s17 =	simm.s32 @!p0 $0xA;
	[sflag:s21] =	ssyncadd.s32 $0xFFFFD900;
	s16 =	sshrl.u32 @!p0 s4, $0x3  }
0x2d: {  	[spmem:s16], [sflag:s9] =	dma.local @!p0 [hbm:s7], $0x100  }
0x2e: {  	_ =	swait.ge @!p0 [sflag:s17], $0x100  }
0x2f: {  	[sflag:s17] =	ssyncset.done @!p0 $0x0  }
0x30: {  	[sflag:s17] =	ssyncadd.s32 @!p0 $0xFFFFFF00  }
0x31: {  	[bflag:$0x0] =	sbarrier.arrive $0xFFFF  }
0x32: {  	s17 =	simm.s32 $0x138C0;
	s19 =	rddreg [dreg:$0x5]  }
0x33: {  	[tilespmem:s17], [sflag:$0x1] =	stream.linear.gather [hbm4b:s19+s3], $0x80, $0x38;
	[tilespmem:$0x1FBC0] =	vst v63  }
0x34: {  	s22 =	rddreg [dreg:$0x6]  }
0x35: {  	[tilespmem:s23], [sflag:$0x4] =	stream.linear.gather [hbm4b:s22+s3], $0x80, $0x38;
	[tilespmem:$0x1FBC0] =	vst v63  }
0x36: {  	s18 =	simm.s32 $0x13940;
	s24 =	rddreg [dreg:$0x7]  }
0x37: {  	[tilespmem:s18], [sflag:$0x2] =	stream.linear.gather [hbm4b:s24+s3], $0x80, $0x38;
	[tilespmem:$0x1FBC0] =	vst v63  }
0x38: {  	s29 =	rddreg [dreg:$0x8];
	s19 =	simm.s32 $0x13AC0  }
0x39: {  	[tilespmem:s19], [sflag:$0x5] =	stream.linear.gather [hbm4b:s29+s3], $0x80, $0x38;
	[tilespmem:$0x1FBC0] =	vst v63  }
0x3a: {  	s30 =	rddreg [dreg:$0x9]  }
0x3b: {  	[tilespmem:s26], [sflag:$0x3] =	stream.linear.gather [hbm4b:s30+s3], $0x80, $0x38;
	[tilespmem:$0x1FBC0] =	vst v63  }
0x3c: {  	s22 =	simm.s32 $0x1;
	s19 =	rddreg [dreg:$0xa]  }
0x3d: {  	[tilespmem:s28], [sflag:$0x6] =	stream.linear.gather [hbm4b:s19+s3], $0x80, $0x38;
	[tilespmem:$0x1FBC0] =	vst v63  }
0x3e: {  	_ =	swait.ge [sflag:s22], $0x80  }
0x3f: {  	[sflag:s22] =	ssyncset.done $0x0  }
0x40: {  	s24 =	simm.s32 $0x4;
	[sflag:s22] =	ssyncadd.s32 $0xFFFFFF80  }
0x41: {  	_ =	swait.ge [sflag:s24], $0x80  }
0x42: {  	[sflag:s24] =	ssyncset.done $0x0  }
0x43: {  	s29 =	simm.s32 $0x2;
	[sflag:s24] =	ssyncadd.s32 $0xFFFFFF80  }
0x44: {  	[tilespmem:s0], [sflag:$0x7] =	stream.indirect.gather [hbm4b:s5+s31], $0x80, s17, s31, $0xb8;
	[tilespmem:$0x1FBC0] =	vst v63  }
0x45: {  	_ =	swait.ge [sflag:s29], $0x80  }
0x46: {  	[sflag:s29] =	ssyncset.done $0x0  }
0x47: {  	[sflag:s29] =	ssyncadd.s32 $0xFFFFFF80  }
0x48: {  	_ =	swait.ge [sflag:s25], $0x80  }
0x49: {  	[sflag:s25] =	ssyncset.done $0x0  }
0x4a: {  	s30 =	simm.s32 $0x17BC0;
	s17 =	simm.s32 $0x280;
	[sflag:s25] =	ssyncadd.s32 $0xFFFFFF80  }
0x4b: {  	[tilespmem:s30], [sflag:$0x8] =	stream.indirect.gather [hbm4b:s5+s31], $0x80, s18, s31, $0xb8;
	[tilespmem:$0x1FBC0] =	vst v63  }
.LBB2_2:
0x4c: {  	_ =	swait.ge [sflag:s10], $0x80  }
0x4d: {  	[sflag:s10] =	ssyncset.done $0x0  }
0x4e: {  	[sflag:s10] =	ssyncadd.s32 $0xFFFFFF80  }
0x4f: {  	_ =	swait.ge [sflag:s11], $0x80  }
0x50: {  	[sflag:s11] =	ssyncset.done $0x0  }
0x51: {  	[sflag:s11] =	ssyncadd.s32 $0xFFFFFF80  }
0x52: {  	[tilespmem:s12], [sflag:$0x9] =	stream.indirect.gather [hbm4b:s5+s31], $0x80, s26, s31, $0xb8;
	[tilespmem:$0x1FBC0] =	vst v63  }
0x53: {  	_ =	swait.ge [sflag:s13], $0x4000  }
0x54: {  	[sflag:s13] =	ssyncset.done $0x0  }
0x55: {  	[sflag:s13] =	ssyncadd.s32 $0xFFFFC000  }
0x56: {  	[spmem:s2] =	stream.indirect.scatter.add.f32 [tilespmem:s0], [sflag:$0xA], $0x80, s23, s31, $0xb8;
	[tilespmem:$0x1FBC0] =	vst v63  }
0x57: {  	_ =	swait.ge [sflag:s21], $0x4000  }
0x58: {  	p1 =	seq.s32 s17, $0x2980;
	[sflag:s21] =	ssyncset.done $0x0  }
0x59: {  	s18 =	simm.s32 @p1 $0x8;
	[sflag:s21] =	ssyncadd.s32 $0xFFFFC000  }
0x5a: {  	_ =	swait.ge @p1 [sflag:s18], $0x4000  }
0x5b: {  	s19 =	simm.s32 @p1 $0x13AC0;
	[sflag:s18] =	ssyncset.done @p1 $0x0  }
0x5c: {  	s22 =	simm.s32 @p1 $0x17BC0;
	[sflag:s18] =	ssyncadd.s32 @p1 $0xFFFFC000;
	s18 =	simm.s32 @p1 $0x80  }
0x5d: {  	[spmem:s2] =	stream.indirect.scatter.add.f32 @p1 [tilespmem:s22], [sflag:$0xA], $0x80, s19, s18, $0xb8;
	[tilespmem:$0x1FBC0] =	vst v63  }
0x5e: {  	s18 =	sadd.s32 @!p1 $0xFFFFFF00, s17  }
0x5f: {  	s22 =	sand.u32 @!p1 $0x7C00, s18  }
0x60: {  	s19 =	simm.s32 @p1 $0xA;
	s18 =	sand.u32 @!p1 $0x380, s18;
	s22 =	sadd.s32 @!p1 s8, s22  }
0x61: {  	_ =	swait.ge @p1 [sflag:s19], $0x4000;
	s18 =	sor.u32 @!p1 s18, s22  }
0x62: {  	s24 =	simm.s32 @!p1 $0x138C0;
	[sflag:s19] =	ssyncset.done @p1 $0x0;
	s18 =	sshrl.u32 @!p1 s18, $0x3  }
0x63: {  	[sflag:s19] =	ssyncadd.s32 @p1 $0xFFFFC000;
	s22 =	simm.s32 @!p1 $0x0;
	s19 =	sadd.s32 @!p1 s1, s18  }
0x64: {  	[tilespmem:s24], [sflag:$0x1] =	stream.linear.gather @!p1 [hbm4b:s19+s22], $0x80, $0x38;
	[tilespmem:$0x1FBC0] =	vst v63  }
0x65: {  	s18 =	sadd.s32 @!p1 s6, s18;
	s19 =	simm.s32 @!p1 $0x13A40  }
0x66: {  	[tilespmem:s19], [sflag:$0x4] =	stream.linear.gather @!p1 [hbm4b:s18+s22], $0x80, $0x38;
	[tilespmem:$0x1FBC0] =	vst v63  }
0x67: {  	s18 =	simm.s32 @!p1 $0x1  }
0x68: {  	_ =	swait.ge @!p1 [sflag:s18], $0x80  }
0x69: {  	[sflag:s18] =	ssyncset.done @!p1 $0x0  }
0x6a: {  	[sflag:s18] =	ssyncadd.s32 @!p1 $0xFFFFFF80;
	s18 =	simm.s32 @!p1 $0x4  }
0x6b: {  	_ =	swait.ge @!p1 [sflag:s18], $0x80  }
0x6c: {  	[sflag:s18] =	ssyncset.done @!p1 $0x0  }
0x6d: {  	s19 =	simm.s32 @!p1 $0x13BC0;
	[sflag:s18] =	ssyncadd.s32 @!p1 $0xFFFFFF80;
	s18 =	simm.s32 @!p1 $0x80  }
0x6e: {  	[tilespmem:s19], [sflag:$0x7] =	stream.indirect.gather @!p1 [hbm4b:s5+s18], $0x80, s24, s18, $0xb8;
	[tilespmem:$0x1FBC0] =	vst v63  }
0x6f: {  	s29 =	sadd.s32 @!p1 $0xFFFFFF80, s17;
	s19 =	simm.s32 @!p1 $0x8  }
0x70: {  	s4 =	simm.s32 @!p1 $0xA;
	s30 =	sand.u32 @!p1 $0x7C00, s29;
	_ =	swait.ge @!p1 [sflag:s19], $0x4000  }
0x71: {  	s29 =	sand.u32 @!p1 $0x380, s29;
	s30 =	sadd.s32 @!p1 s8, s30;
	[sflag:s19] =	ssyncset.done @!p1 $0x0  }
0x72: {  	s24 =	simm.s32 @!p1 $0x17BC0;
	[sflag:s19] =	ssyncadd.s32 @!p1 $0xFFFFC000;
	s19 =	simm.s32 @!p1 $0x13AC0  }
0x73: {  	[spmem:s2] =	stream.indirect.scatter.add.f32 @!p1 [tilespmem:s24], [sflag:$0xA], $0x80, s19, s18, $0xb8;
	[tilespmem:$0x1FBC0] =	vst v63  }
0x74: {  	s29 =	sor.u32 @!p1 s29, s30;
	_ =	swait.ge @!p1 [sflag:s4], $0x4000  }
0x75: {  	s29 =	sshrl.u32 @!p1 s29, $0x3;
	[sflag:s4] =	ssyncset.done @!p1 $0x0  }
0x76: {  	s30 =	simm.s32 @!p1 $0x13940;
	[sflag:s4] =	ssyncadd.s32 @!p1 $0xFFFFC000;
	s4 =	sadd.s32 @!p1 s1, s29  }
0x77: {  	[tilespmem:s30], [sflag:$0x2] =	stream.linear.gather @!p1 [hbm4b:s4+s22], $0x80, $0x38;
	[tilespmem:$0x1FBC0] =	vst v63  }
0x78: {  	s4 =	sadd.s32 @!p1 s6, s29  }
0x79: {  	[tilespmem:s19], [sflag:$0x5] =	stream.linear.gather @!p1 [hbm4b:s4+s22], $0x80, $0x38;
	[tilespmem:$0x1FBC0] =	vst v63  }
0x7a: {  	s4 =	simm.s32 @!p1 $0x2  }
0x7b: {  	_ =	swait.ge @!p1 [sflag:s4], $0x80  }
0x7c: {  	[sflag:s4] =	ssyncset.done @!p1 $0x0  }
0x7d: {  	[sflag:s4] =	ssyncadd.s32 @!p1 $0xFFFFFF80;
	s4 =	simm.s32 @!p1 $0x5  }
0x7e: {  	_ =	swait.ge @!p1 [sflag:s4], $0x80  }
0x7f: {  	[sflag:s4] =	ssyncset.done @!p1 $0x0  }
0x80: {  	[sflag:s4] =	ssyncadd.s32 @!p1 $0xFFFFFF80  }
0x81: {  	[tilespmem:s24], [sflag:$0x8] =	stream.indirect.gather @!p1 [hbm4b:s5+s18], $0x80, s30, s18, $0xb8;
	[tilespmem:$0x1FBC0] =	vst v63  }
0x82: {  	_ =	swait.ge [sflag:s14], $0x4000  }
0x83: {  	[sflag:s14] =	ssyncset.done $0x0  }
.Ltmp2:
0x84: {  	[sflag:s14] =	ssyncadd.s32 $0xFFFFC000;
	(pc) =	sbr.rel @p1 .LBB2_4-.Ltmp2, $4  }
0x85: {  	[spmem:s2] =	stream.indirect.scatter.add.f32 [tilespmem:s12], [sflag:$0xA], $0x80, s28, s31, $0xb8;
	[tilespmem:$0x1FBC0] =	vst v63  }
0x86: {  	_ =	swait.ge [sflag:s21], $0x4000  }
0x87: {  	[sflag:s21] =	ssyncset.done $0x0  }
0x88: {  	[sflag:s21] =	ssyncadd.s32 $0xFFFFC000  }
0x89: {  	s4 =	sand.u32 $0x7C00, s17  }
0x8a: {  	s18 =	sand.u32 $0x380, s17;
	s4 =	sadd.s32 s8, s4  }
0x8b: {  	s4 =	sor.u32 s18, s4  }
.Ltmp3:
0x8c: {  	s4 =	sshrl.u32 s4, $0x3;
	(pc) =	sbr.rel .LBB2_2-.Ltmp3, $4  }
0x8d: {  	s30 =	sadd.s32 s1, s4  }
0x8e: {  	[tilespmem:s26], [sflag:$0x3] =	stream.linear.gather [hbm4b:s30+s3], $0x80, $0x38;
	[tilespmem:$0x1FBC0] =	vst v63  }
0x8f: {  	s17 =	sadd.s32 $0x180, s17;
	s4 =	sadd.s32 s6, s4  }
0x90: {  	[tilespmem:s28], [sflag:$0x6] =	stream.linear.gather [hbm4b:s4+s3], $0x80, $0x38;
	[tilespmem:$0x1FBC0] =	vst v63  }
.LBB2_5:
0x91: {  	_ =	sfence.sel $0x180000  }
0x92: {  	[bflag:$0x0] =	sbarrier.arrive $0xFFFF  }
0x93: {  	_ =	strace $0x90000050  }
0x94: {  	s0 =	stileid.u32;
	[bflag:$0x2] =	sbarrier.arrive $0xFFFF  }
0x95: {  	p0 =	sne.s32 s0, $0x0;
	s0 =	rddreg [dreg:$0x3]  }
0x96: {  	s0 =	sadd.s32 @!p0 $0x100000, s0  }
0x97: {  	[sflag:s0] =	ssyncadd.tile.s32 @!p0 $0x1;
	_ =	shalt  }
.Lfunc_end2:
_tile_overlayer_lowered:
.L_overlay_start_2:
0x98: {  	(tag) =	ssettag $0x2  }
0x99: {  	s0 =	rddreg [dreg:$0x0];
	s2 =	stileid.u32  }
0x9a: {  	s1 =	rddreg [dreg:$0x1];
	p0 =	sne.s32 s2, $0x0  }
0x9b: {  	s3 =	rddreg [dreg:$0x2];
	[bflag:$0x3] =	sbarrier.arrive $0xFFFF;
	s2 =	simm.s32 @!p0 $0x1C0A  }
0x9c: {  	[timem:s3], [sflag:s2] =	dma.local @!p0 [hbm:s0], s1  }
0x9d: {  	s0 =	simm.s32 @!p0 $0xA  }
0x9e: {  	_ =	swait.ge @!p0 [sflag:s0], s1  }
0x9f: {  	s1 =	ssub.s32 @!p0 $0x0, s1;
	[sflag:s0] =	ssyncset.done @!p0 $0x0  }
0xa0: {  	[sflag:s0] =	ssyncadd.s32 @!p0 s1  }
0xa1: {  	[bflag:$0x3] =	sbarrier.arrive $0xFFFF  }
0xa2: {  	_ =	shalt  }

// kernel: kernel.9.cloned.1.call-start
scs
__scs_entry_jumppad:
0x0: {  	(pc) =	sbr.rel $0x88, $3  }
0x1: {  	(tag) =	ssettag $0x0;
	lr =	simm.s32 $0x1  }
0x2: {  	[smem:$0x3F94] =	sst lr;
	_ =	strace $0xD0000000  }
0x3: {  	_ = 	snop  }
0x4: {  	_ = 	snop  }
0x5: {  	_ = 	snop  }
0x6: {  	_ = 	snop  }
0x7: {  	_ = 	snop  }
__scs_overlays_trampoline_lowered:
0x8: {  	[smem:$0x3FA3] =	sst s0  }
0x9: {  	[smem:$0x3FA4] =	sst s1  }
0xa: {  	[smem:$0x3FA5] =	sst s2  }
0xb: {  	[smem:$0x3FA6] =	sst s3  }
0xc: {  	[smem:$0x3FA7] =	sst s4  }
0xd: {  	[smem:$0x3FA8] =	sst s5  }
0xe: {  	[smem:$0x3FA9] =	sst s6  }
0xf: {  	[smem:$0x3FAA] =	sst s7  }
0x10: {  	[smem:$0x3FAB] =	sst s8  }
0x11: {  	[smem:$0x3FAC] =	sst s9;
	s0 =	simm.s32 @!p0 $0x0  }
0x12: {  	s1 =	sld [smem:$0x3F92];
	s0 =	simm.s32 @p0 $0x1  }
0x13: {  	[smem:$0x3FAD] =	sst s0;
	s0 =	simm.s32 @!p1 $0x0  }
0x14: {  	s2 =	sld [smem:$0x3F91];
	s0 =	simm.s32 @p1 $0x1  }
0x15: {  	[smem:$0x3FAE] =	sst s0;
	s0 =	simm.s32 @!p2 $0x0  }
0x16: {  	s3 =	sld [smem:$0x3FDB];
	s0 =	simm.s32 @p2 $0x1  }
0x17: {  	s4 =	simm.s32 $0x1BF5;
	[smem:$0x3FB0] =	sst s0  }
0x18: {  	s0 =	sld [smem:$0x3F93];
	_ =	swait.ge [sflag:s4], $0x0  }
0x19: {  	s7 =	sld [smem:$0x3F94]  }
0x1a: {  	s8 =	sadd.s32 $0xFFFFE003, lr  }
0x1b: {  	s9 =	sadd.s32 $0xFFFFFEF7, lr;
	s5 =	simm.s32 $0xFFFFFFFF;
	p2 =	slt.u32 s8, $0xFFFFF086  }
0x1c: {  	p1 =	slt.u32 s9, $0xF7A;
	s5 =	simm.s32 @!p2 $0x0  }
0x1d: {  	s5 =	simm.s32 @p1 $0x1;
	p0 =	seq.s32 s7, s2  }
0x1e: {  	s7 =	smul.u32 @!p0 $0xF7A, s2;
	p2 =	seq.s32 @!p0 s5, $0x0  }
0x1f: {  	s9 =	smul.u32 $0xF7A, s1;
	s8 =	simm.s32 @!p0 $0x1BF5;
	p2 =	por !p2, p0  }
0x20: {  	[sflag:s8] =	ssyncset.s32 @!p0 $0xFFFFF086;
	s6 =	sadd.s32 @!p0 s3, s7;
	s7 =	simm.s32 @!p0 $0x108  }
0x21: {  	s3 =	sadd.s32 s3, s9;
	s6 =	sadd.s32 @!p0 $0x88, s6;
	s7 =	simm.s32 @p2 $0x1082  }
0x22: {  	[simem:s7], [sflag:s8] =	dma.local @!p0 [hbm:s6], $0xF7A  }
0x23: {  	s9 =	sor.u32 $0xD0000000, s2;
	s6 =	simm.s32 $0x108;
	_ =	swait.ge @!p0 [sflag:s8], $0x0  }
0x24: {  	s3 =	sadd.s32 $0x88, s3;
	s6 =	simm.s32 @!p1 $0x1082;
	[sflag:s4] =	ssyncset.s32 $0xFFFFF086  }
0x25: {  	[simem:s6], [sflag:s4] =	dma.local [hbm:s3], $0xF7A  }
0x26: {  	[smem:$0x3F94] =	sst s1;
	(tag) =	ssettag s2;
	_ =	strace s9  }
0x27: {  	s1 =	sld [smem:$0x3FA4]  }
0x28: {  	s2 =	sld [smem:$0x3FA5]  }
0x29: {  	s4 =	sld [smem:$0x3FA7]  }
0x2a: {  	p0 =	seq.s32 s5, $0x0;
	s5 =	sld [smem:$0x3FA8]  }
0x2b: {  	s6 =	sld [smem:$0x3FA9]  }
0x2c: {  	s7 =	sld [smem:$0x3FAA]  }
0x2d: {  	s3 =	simm.s32 $0x108;
	s8 =	sld [smem:$0x3FAB]  }
0x2e: {  	s3 =	simm.s32 @!p0 $0x1082;
	s9 =	sld [smem:$0x3FAC]  }
0x2f: {  	lr =	sadd.s32 s0, s3;
	s0 =	sld [smem:$0x3FA3]  }
0x30: {  	s3 =	sld [smem:$0x3FA6]  }
0x31: {  	[smem:$0x3FAF] =	sst s10  }
0x32: {  	s10 =	sld [smem:$0x3FAD];
	_ =	sdelay $0x3  }
0x33: {  	p0 =	seq.s32 s10, $0x1;
	s10 =	sld [smem:$0x3FAF];
	_ =	sdelay $0x3  }
0x34: {  	[smem:$0x3FAF] =	sst s10  }
0x35: {  	s10 =	sld [smem:$0x3FAE];
	_ =	sdelay $0x3  }
0x36: {  	p1 =	seq.s32 s10, $0x1;
	s10 =	sld [smem:$0x3FAF];
	_ =	sdelay $0x3  }
0x37: {  	[smem:$0x3FAF] =	sst s10  }
0x38: {  	s10 =	sld [smem:$0x3FB0]  }
0x39: {  	_ = 	snop;
	(pc) =	sbr.ind lr, $3  }
0x3a: {  	_ = 	snop  }
0x3b: {  	_ = 	snop  }
0x3c: {  	p2 =	seq.s32 s10, $0x1;
	s10 =	sld [smem:$0x3FAF]  }
0x3d: {  	_ =	shalt  }
0x3e: {  	_ =	shalt  }
0x3f: {  	_ =	shalt  }
0x40: {  	_ =	shalt  }
0x41: {  	_ =	shalt  }
0x42: {  	_ =	shalt  }
0x43: {  	_ =	shalt  }
0x44: {  	_ =	shalt  }
0x45: {  	_ =	shalt  }
0x46: {  	_ =	shalt  }
0x47: {  	_ =	shalt  }
0x48: {  	_ =	shalt  }
0x49: {  	_ =	shalt  }
0x4a: {  	_ =	shalt  }
0x4b: {  	_ =	shalt  }
0x4c: {  	_ =	shalt  }
0x4d: {  	_ =	shalt  }
0x4e: {  	_ =	shalt  }
0x4f: {  	_ =	shalt  }
0x50: {  	_ =	shalt  }
0x51: {  	_ =	shalt  }
0x52: {  	_ =	shalt  }
0x53: {  	_ =	shalt  }
0x54: {  	_ =	shalt  }
0x55: {  	_ =	shalt  }
0x56: {  	_ =	shalt  }
0x57: {  	_ =	shalt  }
0x58: {  	_ =	shalt  }
0x59: {  	_ =	shalt  }
0x5a: {  	_ =	shalt  }
0x5b: {  	_ =	shalt  }
0x5c: {  	_ =	shalt  }
0x5d: {  	_ =	shalt  }
0x5e: {  	_ =	shalt  }
0x5f: {  	_ =	shalt  }
0x60: {  	_ =	shalt  }
0x61: {  	_ =	shalt  }
0x62: {  	_ =	shalt  }
0x63: {  	_ =	shalt  }
0x64: {  	_ =	shalt  }
0x65: {  	_ =	shalt  }
0x66: {  	_ =	shalt  }
0x67: {  	_ =	shalt  }
0x68: {  	_ =	shalt  }
0x69: {  	_ =	shalt  }
0x6a: {  	_ =	shalt  }
0x6b: {  	_ =	shalt  }
0x6c: {  	_ =	shalt  }
0x6d: {  	_ =	shalt  }
0x6e: {  	_ =	shalt  }
0x6f: {  	_ =	shalt  }
0x70: {  	_ =	shalt  }
0x71: {  	_ =	shalt  }
0x72: {  	_ =	shalt  }
0x73: {  	_ =	shalt  }
0x74: {  	_ =	shalt  }
0x75: {  	_ =	shalt  }
0x76: {  	_ =	shalt  }
0x77: {  	_ =	shalt  }
0x78: {  	_ =	shalt  }
0x79: {  	_ =	shalt  }
0x7a: {  	_ =	shalt  }
0x7b: {  	_ =	shalt  }
0x7c: {  	_ =	shalt  }
0x7d: {  	_ =	shalt  }
0x7e: {  	_ =	shalt  }
0x7f: {  	_ =	shalt  }
0x80: {  	_ =	shalt  }
0x81: {  	_ =	shalt  }
0x82: {  	_ =	shalt  }
0x83: {  	_ =	shalt  }
0x84: {  	_ =	shalt  }
0x85: {  	_ =	shalt  }
0x86: {  	_ =	shalt  }
0x87: {  	_ =	shalt  }
.Lfunc_end0:
.L_simem_size_0:
called_computation_lowered:
.L_overlay_start_0:
0x88: {  	s2 =	sld [smem:$0x3FD9]  }
0x89: {  	s3 =	sld [smem:$0x3FFE];
	_ =	sdelay $0x1  }
0x8a: {  	s1 =	srdreg.scid  }
0x8b: {  	s0 =	sand.u32 $0x1, s1  }
0x8c: {  	s17 =	sshll.u32 s0, $0xA;
	s2 =	sadd.s32 s3, s2  }
0x8d: {  	s2 =	sadd.s32 s2, s17  }
0x8e: {  	[smem:$0x3FBB] =	sst s2  }
0x8f: {  	_ = 	snop  }
0x90: {  	(tm) =	ssettm $0x1  }
0x91: {  	s18 =	sld [smem:$0x3FFB];
	_ =	sdelay $0x3  }
0x92: {  	_ =	strace s18  }
0x93: {  	s2 =	sld [smem:$0x3FFC];
	_ =	sdelay $0x3  }
0x94: {  	_ =	strace s2  }
0x95: {  	s2 =	sld [smem:$0x3FFD];
	_ =	sdelay $0x3  }
0x96: {  	_ =	strace s2  }
0x97: {  	_ =	strace $0x8FFFFFFF  }
0x98: {  	s19 =	sld [smem:$0x3FDB];
	_ =	sdelay $0x1  }
0x99: {  	s20 =	simm.s32 $_scs_section_size  }
0x9a: {  	s4 =	simm.s32 $_size__tile_overlayer_lowered;
	s5 =	simm.s32 $_tile_overlayer_lowered  }
0x9b: {  	s6 =	simm.s32 $0x1BFF;
	s21 =	sshll.u32 s5, $0x1;
	s3 =	sadd.s32 s20, s19  }
0x9c: {  	s22 =	simm.s32 $0x0;
	s4 =	sshll.u32 s4, $0x1;
	s5 =	sadd.s32 s21, s3  }
0x9d: {  	[timem:s22], [sflag:s6] =	dma.local [hbm:s5], s4  }
0x9e: {  	_ =	swait.ge [sflag:s6], s4  }
0x9f: {  	s4 =	ssub.s32 $0x0, s4;
	[sflag:s6] =	ssyncset.done $0x0  }
0xa0: {  	[sflag:s6] =	ssyncadd.s32 s4;
	_ =	sdelay $0x1  }
0xa1: {  	s23 =	simm.s32 $0x1B8B  }
0xa2: {  	_ =	swait.ge [sflag:s23], $0x1  }
0xa3: {  	[sflag:s23] =	ssyncset.done $0x0  }
0xa4: {  	[sflag:s23] =	ssyncadd.s32 $0xFFFFFFFF  }
0xa5: {  	s4 =	sld [smem:$0x0]  }
0xa6: {  	s5 =	sand.u32 $0xFFFFFFFE, s1  }
0xa7: {  	p0 =	sne.s32 s1, s5  }
0xa8: {  	s5 =	sshll.u32 @p0 s5, $0xE  }
0xa9: {  	s5 =	sadd.s32 @p0 $0x11B8D, s5;
	s6 =	sshll.u32 @p0 s4, $0x11  }
0xaa: {  	s5 =	sor.u32 @p0 s6, s5  }
0xab: {  	[sflag:s5] =	ssyncadd.remote.s32 @p0 $0x1;
	_ =	sdelay $0x1  }
0xac: {  	s5 =	simm.s32 @p0 $0x1B8D  }
0xad: {  	_ =	swait.eq @p0 [sflag:s5], $0x1  }
0xae: {  	[sflag:s5] =	ssyncadd.s32 @p0 $0xFFFFFFFF  }
0xaf: {  	s6 =	sshll.u32 @!p0 s1, $0xE  }
0xb0: {  	s6 =	sor.u32 @!p0 $0x4000, s6;
	s5 =	simm.s32 @!p0 $0x1B8D  }
0xb1: {  	s4 =	sshll.u32 @!p0 s4, $0x11;
	s6 =	sadd.s32 @!p0 $0x11B8D, s6;
	_ =	swait.eq @!p0 [sflag:s5], $0x1  }
0xb2: {  	s4 =	sor.u32 @!p0 s4, s6;
	[sflag:s5] =	ssyncadd.s32 @!p0 $0xFFFFFFFF  }
0xb3: {  	s25 =	simm.s32 $0x1B8E;
	s24 =	sld [smem:$0x3FFE];
	[sflag:s4] =	ssyncadd.remote.s32 @!p0 $0x1  }
0xb4: {  	s26 =	simm.s32 $execute0_lowered;
	[smem:$0x3FD2] =	sst s25  }
0xb5: {  	s5 =	sshll.u32 s26, $0x1;
	_ =	strace $0x80000049;
	[dreg:$0x1] =	wrdreg $0xFFFFFFFF  }
0xb6: {  	s28 =	simm.s32 $_size_execute0_lowered;
	s3 =	sadd.s32 s3, s5;
	[dreg:$0x0] =	wrdreg $0x0  }
0xb7: {  	s5 =	sshll.u32 s28, $0x1;
	[dreg:$0x2] =	wrdreg s3  }
0xb8: {  	[dreg:$0x3] =	wrdreg s5  }
0xb9: {  	[dreg:$0x4] =	wrdreg $0xC0  }
0xba: {  	_ =	task [dreg:s22], $0x5FFFF  }
0xbb: {  	[dreg:$0x1] =	wrdreg $0xFFFFFFFF  }
0xbc: {  	[dreg:$0x0] =	wrdreg $0x60  }
0xbd: {  	[dreg:$0x2] =	wrdreg s24  }
0xbe: {  	[dreg:$0x3] =	wrdreg $0x0  }
0xbf: {  	[dreg:$0x4] =	wrdreg $0x9  }
0xc0: {  	_ =	task.clear_ibuf [dreg:s22], $0x5FFFF;
	_ =	strace $0x90000049  }
0xc1: {  	s29 =	simm.s32 $0x9;
	_ =	strace $0x8000004B  }
0xc2: {  	_ =	swait.ge [sflag:s29], $0x1  }
0xc3: {  	[sflag:s29] =	ssyncadd.s32 $0xFFFFFFFF  }
0xc4: {  	_ =	strace $0x9000004B  }
0xc5: {  	_ =	sfence  }
0xc6: {  	s30 =	sld [smem:$0x0];
	_ =	sdelay $0x2  }
0xc7: {  	s31 =	sshll.u32 s1, $0xD;
	s1 =	sshrl.u32 s1, $0x2  }
0xc8: {  	s4 =	sand.u32 $0x4000, s31;
	s1 =	sadd.s32 s1, s30  }
0xc9: {  	s0 =	sor.u32 s4, s0;
	s1 =	sshll.u32 s1, $0x11  }
0xca: {  	s0 =	sor.u32 s1, s0  }
0xcb: {  	s0 =	sadd.s32 $0x8F2B, s0  }
0xcc: {  	[sflag:s0] =	ssyncadd.remote.s32 $0x1  }
0xcd: {  	_ =	sfence.sel $0xFFFF  }
0xce: {  	[dreg:$0x0] =	wrdreg $0xFFFFFFFF;
	(pc) =	sbr.abs _section_cstart, $3  }
0xcf: {  	[dreg:$0x1] =	wrdreg $0xFFFFFFFF  }
0xd0: {  	_ =	task.clear_ibuf [dreg:s22], $0x2FFFF;
	_ =	strace $0x9FFFFFFF  }
0xd1: {  	(tm) =	ssettm $0x7FFFFFFF  }
tec
execute0_lowered:
.L_overlay_start_1:
0x0: {  	(tag) =	ssettag $0x1  }
0x1: {  	s8 =	rddreg [dreg:$0x0]  }
0x2: {  	s1 =	rddreg [dreg:$0x1]  }
0x3: {  	s0 =	rddreg [dreg:$0x2];
	s2 =	simm.s32 $0x0  }
0x4: {  	s6 =	srdreg.scid;
	s3 =	stileid.u32;
	s16 =	simm.s32 $0x139C0  }
0x5: {  	s18 =	simm.s32 $0x138C0;
	s19 =	simm.s32 $0x13940;
	s20 =	simm.s32 $0x1  }
0x6: {  	s21 =	simm.s32 $0x80;
	s22 =	simm.s32 $0x2;
	s23 =	simm.s32 $0x0  }
0x7: {  	[smem:$0x7FF] =	sst s2;
	s4 =	sadd.s32 $0x3600, s8;
	s5 =	sadd.s32 $0xE600, s8  }
0x8: {  	s9 =	sand.u32 $0x1, s6;
	s25 =	sshll.u32 s3, $0x1;
	s11 =	smul.u32 $0x4E000, s3  }
0x9: {  	s6 =	sadd.s32 $0x5F000, s8;
	s13 =	sadd.s32 $0x5F800, s8;
	s28 =	sshll.u32 s3, $0x6  }
0xa: {  	s29 =	smul.u32 $0x13800, s3;
	s17 =	sadd.s32 $0x138000, s1;
	p0 =	sne.s32 s3, $0xF  }
0xb: {  	_ =	strace $0x8000004A;
	s10 =	ssub.s32 $0x2, s9;
	s7 =	sor.u32 s9, s25  }
0xc: {  	s9 =	smul.u32 $0x138800, s9;
	s8 =	sor.u32 $0x1C03, s28;
	s17 =	sshrl.u32 @!p0 s17, $0x3  }
0xd: {  	s12 =	sshrl.u32 s10, $0x1;
	s7 =	smul.u32 $0x2C00, s7;
	s26 =	sshrl.u32 s11, $0x2  }
.Ltmp0:
0xe: {  	s14 =	ssub.s32 s10, s12;
	s15 =	sadd.s32 s26, s1;
	(pc) =	sbr.rel .LBB2_1-.Ltmp0, $4  }
0xf: {  	s11 =	sadd.s32 s29, s9;
	s31 =	sshrl.u32 s9, $0x3;
	s30 =	sshrl.u32 s7, $0x3  }
0x10: {  	s11 =	sshrl.u32 s11, $0x3;
	s12 =	sadd.s32 s13, s31;
	s9 =	sadd.s32 s4, s30  }
0x11: {  	s11 =	sadd.s32 s13, s11;
	s12 =	sadd.s32 $0x27000, s12;
	s13 =	smax.u32 s14, $0x1  }
0x12: {  	s14 =	sshrl.u32 s15, $0x3;
	s15 =	simm.s32 $0x3;
	s10 =	sadd.s32 $0x10, s9  }
.LBB2_4:
0x13: {  	_ =	swait.ge [sflag:s20], $0x80  }
0x14: {  	[sflag:s20] =	ssyncset.done $0x0  }
0x15: {  	[sflag:s20] =	ssyncadd.s32 $0xFFFFFF80  }
0x16: {  	[spmem:s1] =	stream.indirect.scatter.add.f32 [tilespmem:s16], [sflag:$0x3], $0x80, s18, s21, $0xb8;
	[tilespmem:$0x179C0] =	vst v63  }
0x17: {  	_ =	swait.ge [sflag:s15], $0x4000  }
0x18: {  	[sflag:s15] =	ssyncset.done $0x0  }
0x19: {  	[sflag:s15] =	ssyncadd.s32 $0xFFFFC000  }
0x1a: {  	[bflag:$0x0] =	sbarrier.arrive $0xFFFF  }
0x1b: {  	[hbm:s11], [sflag:s8] =	dma.local [spmem:s14], $0x2700  }
0x1c: {  	s23 =	sadd.s32 $0x1, s23;
	_ =	swait.ge [sflag:s15], $0x2700  }
0x1d: {  	p1 =	sne.s32 s23, s13;
	[sflag:s15] =	ssyncset.done $0x0  }
.Ltmp1:
0x1e: {  	s24 =	simm.s32 @!p0 $0x3;
	[sflag:s15] =	ssyncadd.s32 $0xFFFFD900;
	(pc) =	sbr.rel @!p1 .LBB2_5-.Ltmp1, $4  }
0x1f: {  	[hbm:s12], [sflag:s8] =	dma.local @!p0 [spmem:s17], $0x100  }
0x20: {  	_ =	swait.ge @!p0 [sflag:s24], $0x100  }
0x21: {  	[sflag:s24] =	ssyncset.done @!p0 $0x0  }
0x22: {  	[sflag:s24] =	ssyncadd.s32 @!p0 $0xFFFFFF00  }
.LBB2_1:
0x23: {  	[spmem:s14], [sflag:s8] =	dma.local [hbm:s5], $0x2700  }
0x24: {  	_ =	swait.ge [sflag:s15], $0x2700  }
0x25: {  	[sflag:s15] =	ssyncset.done $0x0  }
0x26: {  	[sflag:s15] =	ssyncadd.s32 $0xFFFFD900  }
0x27: {  	[tilespmem:s16], [sflag:$0x3] =	stream.linear.gather [hbm4b:s6+s2], $0x4000, $0x38;
	[tilespmem:$0x179C0] =	vst v63  }
0x28: {  	_ =	swait.ge [sflag:s15], $0x4000  }
0x29: {  	[sflag:s15] =	ssyncset.done $0x0  }
0x2a: {  	s24 =	simm.s32 @!p0 $0x3;
	[sflag:s15] =	ssyncadd.s32 $0xFFFFC000  }
0x2b: {  	[spmem:s17], [sflag:s8] =	dma.local @!p0 [hbm:s5], $0x100  }
0x2c: {  	_ =	swait.ge @!p0 [sflag:s24], $0x100  }
0x2d: {  	[sflag:s24] =	ssyncset.done @!p0 $0x0  }
0x2e: {  	[sflag:s24] =	ssyncadd.s32 @!p0 $0xFFFFFF00  }
0x2f: {  	[bflag:$0x0] =	sbarrier.arrive $0xFFFF  }
0x30: {  	[tilespmem:s18], [sflag:$0x1] =	stream.linear.gather [hbm4b:s9+s2], $0x80, $0x38;
	[tilespmem:$0x179C0] =	vst v63  }
0x31: {  	s24 =	simm.s32 $0x180  }
0x32: {  	[tilespmem:s19], [sflag:$0x2] =	stream.linear.gather [hbm4b:s10+s2], $0x80, $0x38;
	[tilespmem:$0x179C0] =	vst v63  }
.LBB2_2:
0x33: {  	_ =	swait.ge [sflag:s20], $0x80;
	s25 =	sadd.s32 $0xFFFFFF80, s24  }
0x34: {  	[sflag:s20] =	ssyncset.done $0x0;
	s26 =	sand.u32 $0x7C00, s25  }
0x35: {  	s25 =	sand.u32 $0x300, s25;
	[sflag:s20] =	ssyncadd.s32 $0xFFFFFF80;
	s26 =	sadd.s32 s7, s26  }
0x36: {  	[spmem:s1] =	stream.indirect.scatter.add.f32 [tilespmem:s16], [sflag:$0x3], $0x80, s18, s21, $0xb8;
	[tilespmem:$0x179C0] =	vst v63  }
0x37: {  	s25 =	sor.u32 s25, s26;
	_ =	swait.ge [sflag:s15], $0x4000  }
0x38: {  	s25 =	sshrl.u32 s25, $0x3;
	[sflag:s15] =	ssyncset.done $0x0  }
0x39: {  	s25 =	sadd.s32 s4, s25;
	[sflag:s15] =	ssyncadd.s32 $0xFFFFC000  }
0x3a: {  	[tilespmem:s18], [sflag:$0x1] =	stream.linear.gather [hbm4b:s25+s2], $0x80, $0x38;
	[tilespmem:$0x179C0] =	vst v63  }
0x3b: {  	_ =	swait.ge [sflag:s22], $0x80  }
0x3c: {  	p1 =	seq.s32 s24, $0x2880;
	[sflag:s22] =	ssyncset.done $0x0  }
.Ltmp2:
0x3d: {  	[sflag:s22] =	ssyncadd.s32 $0xFFFFFF80;
	(pc) =	sbr.rel @p1 .LBB2_4-.Ltmp2, $4  }
0x3e: {  	[spmem:s1] =	stream.indirect.scatter.add.f32 [tilespmem:s16], [sflag:$0x3], $0x80, s19, s21, $0xb8;
	[tilespmem:$0x179C0] =	vst v63  }
0x3f: {  	_ =	swait.ge [sflag:s15], $0x4000  }
0x40: {  	[sflag:s15] =	ssyncset.done $0x0  }
0x41: {  	[sflag:s15] =	ssyncadd.s32 $0xFFFFC000  }
0x42: {  	s25 =	sand.u32 $0x7C00, s24  }
.Ltmp3:
0x43: {  	s26 =	sand.u32 $0x380, s24;
	s25 =	sadd.s32 s7, s25;
	(pc) =	sbr.rel .LBB2_2-.Ltmp3, $4  }
0x44: {  	s25 =	sor.u32 s26, s25  }
0x45: {  	s25 =	sshrl.u32 s25, $0x3  }
0x46: {  	s24 =	sadd.s32 $0x100, s24;
	s25 =	sadd.s32 s4, s25  }
0x47: {  	[tilespmem:s19], [sflag:$0x2] =	stream.linear.gather [hbm4b:s25+s2], $0x80, $0x38;
	[tilespmem:$0x179C0] =	vst v63  }
.LBB2_5:
0x48: {  	_ =	sfence.sel $0x180000  }
0x49: {  	[bflag:$0x0] =	sbarrier.arrive $0xFFFF  }
0x4a: {  	p0 =	sne.s32 s3, $0x0;
	_ =	strace $0x9000004A  }
0x4b: {  	s0 =	sadd.s32 @!p0 $0x100000, s0;
	[bflag:$0x2] =	sbarrier.arrive $0xFFFF  }
0x4c: {  	[sflag:s0] =	ssyncadd.tile.s32 @!p0 $0x1;
	_ =	shalt  }
.Lfunc_end2:
_tile_overlayer_lowered:
.L_overlay_start_2:
0x4d: {  	(tag) =	ssettag $0x2  }
0x4e: {  	s0 =	rddreg [dreg:$0x0];
	s2 =	stileid.u32  }
0x4f: {  	s1 =	rddreg [dreg:$0x1];
	p0 =	sne.s32 s2, $0x0  }
0x50: {  	s3 =	rddreg [dreg:$0x2];
	[bflag:$0x3] =	sbarrier.arrive $0xFFFF;
	s2 =	simm.s32 @!p0 $0x1C03  }
0x51: {  	[timem:s3], [sflag:s2] =	dma.local @!p0 [hbm:s0], s1  }
0x52: {  	s0 =	simm.s32 @!p0 $0x3  }
0x53: {  	_ =	swait.ge @!p0 [sflag:s0], s1  }
0x54: {  	s1 =	ssub.s32 @!p0 $0x0, s1;
	[sflag:s0] =	ssyncset.done @!p0 $0x0  }
0x55: {  	[sflag:s0] =	ssyncadd.s32 @!p0 s1  }
0x56: {  	[bflag:$0x3] =	sbarrier.arrive $0xFFFF  }
0x57: {  	_ =	shalt  }

</sc_bundles>
